<compile_context>
chip_gen: v7x
topology: tpu7x:2x2x1
jax: 0.10.2.dev20260603
libtpu: 0.0.44.dev20260713+nightly
codegen_flags: <defaults>
</compile_context>

<pallas_src>
import jax
import jax.numpy as jnp
from jax import lax
from jax.experimental import pallas as pl
from jax.experimental.pallas import tpu as pltpu
from jax.experimental.pallas import tpu_sc as plsc

F_IN = 16
R = 512
C = 4096
NCELLS = 4096
W = 8
FR = F_IN * R
NB = FR // W
NWORKERS = 32
BPW = NB // NWORKERS
GROUPS = NCELLS // 16
BRICK = W * C


def _sc_body(x_hbm, c_hbm, out_hbm, x_s, t01_s, c_s, sem0, sem1, semx):
  wid = lax.axis_index("s") * 2 + lax.axis_index("c")
  pltpu.sync_copy(c_hbm, c_s)

  zero16 = jnp.zeros((16,), jnp.float32)

  def out_copy(b, half, sem):
    return pltpu.make_async_copy(
        t01_s.at[pl.ds(half * W, W), :],
        out_hbm.at[pl.ds(half * FR + b * W, W), :],
        sem,
    )

  def brick_body(t, carry):
    b = wid * BPW + t
    in_cp = pltpu.make_async_copy(x_hbm.at[pl.ds(b * W, W), :], x_s, semx)
    in_cp.start()

    def zloop(half):
      def zb(i, c):
        row = half * W + (i // 16)
        col = (i % 16) * 256
        for k in range(16):
          t01_s[row, pl.ds(col + k * 16, 16)] = zero16
        return c
      lax.fori_loop(0, W * 16, zb, 0)

    @pl.when(t > 0)
    def _():
      out_copy(b - 1, 0, sem0).wait()

    zloop(0)

    @pl.when(t > 0)
    def _():
      out_copy(b - 1, 1, sem1).wait()

    zloop(1)
    in_cp.wait()

    @plsc.parallel_loop(0, GROUPS, 1, unroll=2)
    def gbody(g):
      base = g * 16
      cv = [c_s[pl.ds(j * NCELLS + base, 16)] for j in range(3)]
      RB = 4
      for r0 in range(0, W, RB):
        rows = []
        for r in range(r0, r0 + RB):
          rsp = jnp.full((16,), r, jnp.int32)
          avs = [plsc.load_gather(x_s, [rsp, cv[j]]) for j in range(3)]
          rows.append(avs)
        ws = []
        for a in rows:
          q0 = a[1] * a[2]
          q1 = a[0] * a[2]
          q2 = a[0] * a[1]
          mp3 = q0 * a[0]
          ws.append((mp3, (q0, q1, q2)))
        for r, (mp3, qs) in zip(range(r0, r0 + RB), ws):
          rsp0 = jnp.full((16,), r, jnp.int32)
          rsp1 = jnp.full((16,), W + r, jnp.int32)
          for j in range(3):
            plsc.addupdate_scatter(t01_s, [rsp0, cv[j]], mp3)
            plsc.addupdate_scatter(t01_s, [rsp1, cv[j]], qs[j])

    out_copy(b, 0, sem0).start()
    out_copy(b, 1, sem1).start()
    return carry

  lax.fori_loop(0, BPW, brick_body, 0)
  out_copy(wid * BPW + BPW - 1, 0, sem0).wait()
  out_copy(wid * BPW + BPW - 1, 1, sem1).wait()


@jax.jit
def kernel(input_tensor, cells_to_chans):
  f_in, r, c = input_tensor.shape
  x2 = input_tensor.reshape(FR, C)
  cc = cells_to_chans.astype(jnp.int32)
  order = jnp.argsort(cc[0] % 16, stable=True)
  chunks = order.reshape(16, NCELLS // 16)
  key12 = (cc[1][chunks] % 16) * 16 + (cc[2][chunks] % 16)
  idx12 = jnp.argsort(key12, axis=1, stable=True)
  chunks = jnp.take_along_axis(chunks, idx12, axis=1)
  ncol = NCELLS // 16
  col = (jnp.arange(ncol)[None, :] - 17 * jnp.arange(16)[:, None]) % ncol
  chunks = jnp.take_along_axis(chunks, col, axis=1)
  perm = chunks.T.reshape(-1)
  c_flat = cc[:, perm].reshape(-1)

  mesh = plsc.VectorSubcoreMesh(core_axis_name="c", subcore_axis_name="s")
  out = pl.kernel(
      _sc_body,
      out_type=jax.ShapeDtypeStruct((2 * FR, C), jnp.float32),
      mesh=mesh,
      scratch_types=[
          pltpu.VMEM((W, C), jnp.float32),
          pltpu.VMEM((2 * W, C), jnp.float32),
          pltpu.VMEM((3 * NCELLS,), jnp.int32),
          pltpu.SemaphoreType.DMA,
          pltpu.SemaphoreType.DMA,
          pltpu.SemaphoreType.DMA,
      ],
      compiler_params=pltpu.CompilerParams(needs_layout_passes=False),
  )(x2, c_flat)

  return out.reshape(2 * f_in, r, c)

# --- scband reference (transcript-rebuilt; emitter-appended) ---
"""Pipeline reference for scband-cppscatter-op-module-6640019440385 (READ-ONLY COPY).

The authoritative reference and input builder live on the scoring server;
editing this copy changes nothing except your own understanding.
"""

import jax, jax.numpy as jnp
import numpy as np

F_IN = 16
R = 512
C = 4096
NCELLS = 4096


def setup_inputs(seed: int = 0) -> dict:
    key = jax.random.key(seed)
    k1, k2 = jax.random.split(key)
    input_tensor = jax.random.normal(k1, (F_IN, R, C), dtype=jnp.float32)
    # cells_to_chans: the [3, num_cells] index parameter passed to __init__ as cells_chans.
    # Each row maps 'cells' to channel indices in [0, C).
    cells_to_chans = jax.random.randint(k2, (3, NCELLS), 0, C, dtype=jnp.int32)
    return {"input_tensor": input_tensor, "cells_to_chans": cells_to_chans}


def _scatter_add(vals, idx, out_c):
    # vals: [F, R, num_cells], idx: [num_cells] -> scatter-add over last dim into [F, R, out_c]
    f, r, _ = vals.shape
    return jnp.zeros((f, r, out_c), vals.dtype).at[:, :, idx].add(vals)


def reference(input_tensor, cells_to_chans):
    # Faithful JAX translation of CPPScatterOpModule.forward.
    # The torch version chunks over R purely for memory; the math is identical when
    # done over the full R at once. MyScatterOp(idx).forward(mp, shape, 'sum') is a
    # scatter-add of mp along the channel dim at indices idx.
    f_in, r, c = input_tensor.shape
    as_cells = [input_tensor[:, :, cells_to_chans[j]] for j in range(3)]  # gathers [F,R,NCELLS]
    # Block i=0: triple product scattered with each of the 3 index maps, summed.
    mp3 = as_cells[0] * as_cells[1] * as_cells[2]
    t0 = jnp.zeros((f_in, r, c), input_tensor.dtype)
    for j in range(3):
        t0 = t0 + _scatter_add(mp3, cells_to_chans[j], c)
    # Block i=1: pairwise products (1,2),(0,2),(0,1) scattered with maps 0,1,2.
    mp2_indices = [(1, 2), (0, 2), (0, 1)]
    t1 = jnp.zeros((f_in, r, c), input_tensor.dtype)
    for j in range(3):
        mp = as_cells[mp2_indices[j][0]] * as_cells[mp2_indices[j][1]]
        t1 = t1 + _scatter_add(mp, cells_to_chans[j], c)
    # output has out_features = 2 * in_features stacked along dim 0
    return jnp.concatenate([t0, t1], axis=0)

if __name__ == "__main__":
    import jax
    _d = setup_inputs()
    print(jax.jit(kernel)(*tuple(_d.values())))

</pallas_src>

<mosaic_0001>
#map = affine_map<(d0, d1) -> (0, 0)>
#map1 = affine_map<(d0, d1) -> (0)>
module attributes {stable_mosaic.version = 14 : i64} {
  func.func @_sc_body(%arg0: i32, %arg1: i32, %arg2: memref<8192x4096xf32, #tpu.memory_space<hbm>>, %arg3: memref<12288xi32, #tpu.memory_space<hbm>>, %arg4: memref<16384x4096xf32, #tpu.memory_space<hbm>>, %arg5: memref<8x4096xf32, #tpu.memory_space<vmem>>, %arg6: memref<16x4096xf32, #tpu.memory_space<vmem>>, %arg7: memref<12288xi32, #tpu.memory_space<vmem>>, %arg8: memref<!tpu.dma_semaphore, #tpu.memory_space<semaphore_mem>>, %arg9: memref<!tpu.dma_semaphore, #tpu.memory_space<semaphore_mem>>, %arg10: memref<!tpu.dma_semaphore, #tpu.memory_space<semaphore_mem>>) attributes {dimension_semantics = [#tpu.dimension_semantics<core_parallel>, #tpu.dimension_semantics<subcore_parallel>], iteration_bounds = array<i64: 2, 16>, scalar_prefetch = 0 : i64, scratch_operands = 6 : i64, tpu.core_type = #tpu.core_type<sc_vector_subcore>, window_params = [{transform_indices = #map}, {transform_indices = #map1}, {transform_indices = #map}]} {
    %mul3A = arith.constant 2 : i32
    %mul3A_0 = arith.muli %arg1, %mul3A : i32
    %add3A = arith.addi %mul3A_0, %arg0 : i32
    "tpu.region"() ({
      %run_scoped3A = tpu.sem_alloc : memref<!tpu.dma_semaphore, #tpu.memory_space<semaphore_mem>>
      tpu.enqueue_dma source(%arg3 : memref<12288xi32, #tpu.memory_space<hbm>>) target(%arg7 : memref<12288xi32, #tpu.memory_space<vmem>>) target_semaphore(%run_scoped3A : memref<!tpu.dma_semaphore, #tpu.memory_space<semaphore_mem>>)
      tpu.wait_dma2 semaphore(%run_scoped3A : memref<!tpu.dma_semaphore, #tpu.memory_space<semaphore_mem>>) src(%arg3 : memref<12288xi32, #tpu.memory_space<hbm>>) dst(%arg7 : memref<12288xi32, #tpu.memory_space<vmem>>)
      tpu.yield
    }) : () -> ()
    %broadcast_in_dim3A = arith.constant 0.000000e+00 : f32
    %broadcast_in_dim3A_1 = vector.broadcast %broadcast_in_dim3A : f32 to vector<16xf32>
    %scan3A = arith.constant 0 : i32
    %scan3A_2 = arith.constant 0 : i32
    %scan3A_3 = arith.constant 32 : i32
    %scan3A_4 = arith.addi %scan3A_2, %scan3A_3 : i32
    %scan3A_5 = arith.constant 1 : i32
    scf.for %scan3A_45 = %scan3A_2 to %scan3A_4 step %scan3A_5  : i32 {
      %mul3A_46 = arith.constant 32 : i32
      %mul3A_47 = arith.muli %add3A, %mul3A_46 : i32
      %add3A_48 = arith.addi %mul3A_47, %scan3A_45 : i32
      %mul3A_49 = arith.constant 8 : i32
      %mul3A_50 = arith.muli %add3A_48, %mul3A_49 : i32
      %dma_start3A = arith.constant 0 : i32
      %dma_start3A_51 = tpu.memref_slice %arg2[%mul3A_50, %dma_start3A] : memref<8192x4096xf32, #tpu.memory_space<hbm>> -> memref<8x4096xf32, #tpu.memory_space<hbm>>
      %dma_start3A_52 = arith.constant 0 : i32
      %dma_start3A_53 = tpu.memref_slice %arg2[%mul3A_50, %dma_start3A_52] : memref<8192x4096xf32, #tpu.memory_space<hbm>> -> memref<8x4096xf32, #tpu.memory_space<hbm>>
      tpu.enqueue_dma source(%dma_start3A_53 : memref<8x4096xf32, #tpu.memory_space<hbm>>) target(%arg5 : memref<8x4096xf32, #tpu.memory_space<vmem>>) target_semaphore(%arg10 : memref<!tpu.dma_semaphore, #tpu.memory_space<semaphore_mem>>)
      %gt3A = arith.constant 0 : i32
      %gt3A_54 = arith.cmpi sgt, %scan3A_45, %gt3A : i32
      %convert_element_type3A = arith.extui %gt3A_54 : i1 to i32
      %cond3A = arith.constant 0 : i32
      %cond3A_55 = arith.cmpi ne, %convert_element_type3A, %cond3A : i32
      scf.if %cond3A_55 {
        %sub3A_107 = arith.constant 1 : i32
        %sub3A_108 = arith.subi %add3A_48, %sub3A_107 : i32
        %mul3A_109 = arith.constant 8 : i32
        %mul3A_110 = arith.muli %sub3A_108, %mul3A_109 : i32
        %add3A_111 = arith.constant 0 : i32
        %add3A_112 = arith.addi %add3A_111, %mul3A_110 : i32
        %dma_wait3A_113 = arith.constant 0 : i32
        %dma_wait3A_114 = arith.constant 0 : i32
        %dma_wait3A_115 = tpu.memref_slice %arg6[%dma_wait3A_113, %dma_wait3A_114] : memref<16x4096xf32, #tpu.memory_space<vmem>> -> memref<8x4096xf32, #tpu.memory_space<vmem>>
        %dma_wait3A_116 = arith.constant 0 : i32
        %dma_wait3A_117 = tpu.memref_slice %arg4[%add3A_112, %dma_wait3A_116] : memref<16384x4096xf32, #tpu.memory_space<hbm>> -> memref<8x4096xf32, #tpu.memory_space<hbm>>
        %dma_wait3A_118 = arith.constant 0 : i32
        %dma_wait3A_119 = tpu.memref_slice %arg4[%add3A_112, %dma_wait3A_118] : memref<16384x4096xf32, #tpu.memory_space<hbm>> -> memref<8x4096xf32, #tpu.memory_space<hbm>>
        %dma_wait3A_120 = arith.constant 0 : i32
        %dma_wait3A_121 = arith.constant 0 : i32
        %dma_wait3A_122 = tpu.memref_slice %arg6[%dma_wait3A_120, %dma_wait3A_121] : memref<16x4096xf32, #tpu.memory_space<vmem>> -> memref<8x4096xf32, #tpu.memory_space<vmem>>
        tpu.wait_dma2 semaphore(%arg8 : memref<!tpu.dma_semaphore, #tpu.memory_space<semaphore_mem>>) src(%dma_wait3A_122 : memref<8x4096xf32, #tpu.memory_space<vmem>>) dst(%dma_wait3A_119 : memref<8x4096xf32, #tpu.memory_space<hbm>>)
      } else {
      }
      %scan3A_56 = arith.constant 0 : i32
      %scan3A_57 = arith.constant 0 : i32
      %scan3A_58 = arith.constant 128 : i32
      %scan3A_59 = arith.addi %scan3A_57, %scan3A_58 : i32
      %scan3A_60 = arith.constant 1 : i32
      scf.for %scan3A_107 = %scan3A_57 to %scan3A_59 step %scan3A_60  : i32 {
        %jit3A = arith.constant 16 : i32
        %div3A = arith.divsi %scan3A_107, %jit3A : i32
        %sign3A = arith.constant 0 : i32
        %sign3A_108 = arith.cmpi sgt, %scan3A_107, %sign3A : i32
        %sign3A_109 = arith.extui %sign3A_108 : i1 to i32
        %sign3A_110 = arith.constant 0 : i32
        %sign3A_111 = arith.cmpi slt, %scan3A_107, %sign3A_110 : i32
        %sign3A_112 = arith.extui %sign3A_111 : i1 to i32
        %sign3A_113 = arith.subi %sign3A_109, %sign3A_112 : i32
        %sign3A_114 = arith.constant 0 : i32
        %sign3A_115 = arith.cmpi sgt, %jit3A, %sign3A_114 : i32
        %sign3A_116 = arith.extui %sign3A_115 : i1 to i32
        %sign3A_117 = arith.constant 0 : i32
        %sign3A_118 = arith.cmpi slt, %jit3A, %sign3A_117 : i32
        %sign3A_119 = arith.extui %sign3A_118 : i1 to i32
        %sign3A_120 = arith.subi %sign3A_116, %sign3A_119 : i32
        %ne3A = arith.cmpi ne, %sign3A_113, %sign3A_120 : i32
        %rem3A = arith.remsi %scan3A_107, %jit3A : i32
        %ne3A_121 = arith.constant 0 : i32
        %ne3A_122 = arith.cmpi ne, %rem3A, %ne3A_121 : i32
        %and3A = arith.andi %ne3A, %ne3A_122 : i1
        %sub3A_123 = arith.constant 1 : i32
        %sub3A_124 = arith.subi %div3A, %sub3A_123 : i32
        %select_n3A = arith.select %and3A, %sub3A_124, %div3A : i32
        %add3A_125 = arith.constant 0 : i32
        %add3A_126 = arith.addi %add3A_125, %select_n3A : i32
        %jit3A_127 = arith.constant 16 : i32
        %eq3A = arith.constant 0 : i32
        %eq3A_128 = arith.cmpi eq, %jit3A_127, %eq3A : i32
        %jit3A_129 = arith.constant 1 : i32
        %select_n3A_130 = arith.select %eq3A_128, %jit3A_129, %jit3A_127 : i32
        %rem3A_131 = arith.remsi %scan3A_107, %select_n3A_130 : i32
        %ne3A_132 = arith.constant 0 : i32
        %ne3A_133 = arith.cmpi ne, %rem3A_131, %ne3A_132 : i32
        %lt3A = arith.constant 0 : i32
        %lt3A_134 = arith.cmpi slt, %rem3A_131, %lt3A : i32
        %lt3A_135 = arith.constant 0 : i32
        %lt3A_136 = arith.cmpi slt, %select_n3A_130, %lt3A_135 : i32
        %ne3A_137 = arith.xori %lt3A_134, %lt3A_136 : i1
        %and3A_138 = arith.andi %ne3A_137, %ne3A_133 : i1
        %add3A_139 = arith.addi %rem3A_131, %select_n3A_130 : i32
        %select_n3A_140 = arith.select %and3A_138, %add3A_139, %rem3A_131 : i32
        %mul3A_141 = arith.constant 256 : i32
        %mul3A_142 = arith.muli %select_n3A_140, %mul3A_141 : i32
        %add3A_143 = arith.constant 0 : i32
        %add3A_144 = arith.addi %mul3A_142, %add3A_143 : i32
        %swap3A = arith.index_cast %add3A_126 : i32 to index
        %swap3A_145 = arith.index_cast %add3A_144 : i32 to index
        %swap3A_146 = tpu.vector_load %arg6[%swap3A, %swap3A_145] {strides = array<i32>} : memref<16x4096xf32, #tpu.memory_space<vmem>>, vector<16xf32>,
        tpu.vector_store %arg6[%swap3A, %swap3A_145], %broadcast_in_dim3A_1 {strides = array<i32>} : memref<16x4096xf32, #tpu.memory_space<vmem>>, vector<16xf32>,
        %add3A_147 = arith.constant 16 : i32
        %add3A_148 = arith.addi %mul3A_142, %add3A_147 : i32
        %swap3A_149 = arith.index_cast %add3A_126 : i32 to index
        %swap3A_150 = arith.index_cast %add3A_148 : i32 to index
        %swap3A_151 = tpu.vector_load %arg6[%swap3A_149, %swap3A_150] {strides = array<i32>} : memref<16x4096xf32, #tpu.memory_space<vmem>>, vector<16xf32>,
        tpu.vector_store %arg6[%swap3A_149, %swap3A_150], %broadcast_in_dim3A_1 {strides = array<i32>} : memref<16x4096xf32, #tpu.memory_space<vmem>>, vector<16xf32>,
        %add3A_152 = arith.constant 32 : i32
        %add3A_153 = arith.addi %mul3A_142, %add3A_152 : i32
        %swap3A_154 = arith.index_cast %add3A_126 : i32 to index
        %swap3A_155 = arith.index_cast %add3A_153 : i32 to index
        %swap3A_156 = tpu.vector_load %arg6[%swap3A_154, %swap3A_155] {strides = array<i32>} : memref<16x4096xf32, #tpu.memory_space<vmem>>, vector<16xf32>,
        tpu.vector_store %arg6[%swap3A_154, %swap3A_155], %broadcast_in_dim3A_1 {strides = array<i32>} : memref<16x4096xf32, #tpu.memory_space<vmem>>, vector<16xf32>,
        %add3A_157 = arith.constant 48 : i32
        %add3A_158 = arith.addi %mul3A_142, %add3A_157 : i32
        %swap3A_159 = arith.index_cast %add3A_126 : i32 to index
        %swap3A_160 = arith.index_cast %add3A_158 : i32 to index
        %swap3A_161 = tpu.vector_load %arg6[%swap3A_159, %swap3A_160] {strides = array<i32>} : memref<16x4096xf32, #tpu.memory_space<vmem>>, vector<16xf32>,
        tpu.vector_store %arg6[%swap3A_159, %swap3A_160], %broadcast_in_dim3A_1 {strides = array<i32>} : memref<16x4096xf32, #tpu.memory_space<vmem>>, vector<16xf32>,
        %add3A_162 = arith.constant 64 : i32
        %add3A_163 = arith.addi %mul3A_142, %add3A_162 : i32
        %swap3A_164 = arith.index_cast %add3A_126 : i32 to index
        %swap3A_165 = arith.index_cast %add3A_163 : i32 to index
        %swap3A_166 = tpu.vector_load %arg6[%swap3A_164, %swap3A_165] {strides = array<i32>} : memref<16x4096xf32, #tpu.memory_space<vmem>>, vector<16xf32>,
        tpu.vector_store %arg6[%swap3A_164, %swap3A_165], %broadcast_in_dim3A_1 {strides = array<i32>} : memref<16x4096xf32, #tpu.memory_space<vmem>>, vector<16xf32>,
        %add3A_167 = arith.constant 80 : i32
        %add3A_168 = arith.addi %mul3A_142, %add3A_167 : i32
        %swap3A_169 = arith.index_cast %add3A_126 : i32 to index
        %swap3A_170 = arith.index_cast %add3A_168 : i32 to index
        %swap3A_171 = tpu.vector_load %arg6[%swap3A_169, %swap3A_170] {strides = array<i32>} : memref<16x4096xf32, #tpu.memory_space<vmem>>, vector<16xf32>,
        tpu.vector_store %arg6[%swap3A_169, %swap3A_170], %broadcast_in_dim3A_1 {strides = array<i32>} : memref<16x4096xf32, #tpu.memory_space<vmem>>, vector<16xf32>,
        %add3A_172 = arith.constant 96 : i32
        %add3A_173 = arith.addi %mul3A_142, %add3A_172 : i32
        %swap3A_174 = arith.index_cast %add3A_126 : i32 to index
        %swap3A_175 = arith.index_cast %add3A_173 : i32 to index
        %swap3A_176 = tpu.vector_load %arg6[%swap3A_174, %swap3A_175] {strides = array<i32>} : memref<16x4096xf32, #tpu.memory_space<vmem>>, vector<16xf32>,
        tpu.vector_store %arg6[%swap3A_174, %swap3A_175], %broadcast_in_dim3A_1 {strides = array<i32>} : memref<16x4096xf32, #tpu.memory_space<vmem>>, vector<16xf32>,
        %add3A_177 = arith.constant 112 : i32
        %add3A_178 = arith.addi %mul3A_142, %add3A_177 : i32
        %swap3A_179 = arith.index_cast %add3A_126 : i32 to index
        %swap3A_180 = arith.index_cast %add3A_178 : i32 to index
        %swap3A_181 = tpu.vector_load %arg6[%swap3A_179, %swap3A_180] {strides = array<i32>} : memref<16x4096xf32, #tpu.memory_space<vmem>>, vector<16xf32>,
        tpu.vector_store %arg6[%swap3A_179, %swap3A_180], %broadcast_in_dim3A_1 {strides = array<i32>} : memref<16x4096xf32, #tpu.memory_space<vmem>>, vector<16xf32>,
        %add3A_182 = arith.constant 128 : i32
        %add3A_183 = arith.addi %mul3A_142, %add3A_182 : i32
        %swap3A_184 = arith.index_cast %add3A_126 : i32 to index
        %swap3A_185 = arith.index_cast %add3A_183 : i32 to index
        %swap3A_186 = tpu.vector_load %arg6[%swap3A_184, %swap3A_185] {strides = array<i32>} : memref<16x4096xf32, #tpu.memory_space<vmem>>, vector<16xf32>,
        tpu.vector_store %arg6[%swap3A_184, %swap3A_185], %broadcast_in_dim3A_1 {strides = array<i32>} : memref<16x4096xf32, #tpu.memory_space<vmem>>, vector<16xf32>,
        %add3A_187 = arith.constant 144 : i32
        %add3A_188 = arith.addi %mul3A_142, %add3A_187 : i32
        %swap3A_189 = arith.index_cast %add3A_126 : i32 to index
        %swap3A_190 = arith.index_cast %add3A_188 : i32 to index
        %swap3A_191 = tpu.vector_load %arg6[%swap3A_189, %swap3A_190] {strides = array<i32>} : memref<16x4096xf32, #tpu.memory_space<vmem>>, vector<16xf32>,
        tpu.vector_store %arg6[%swap3A_189, %swap3A_190], %broadcast_in_dim3A_1 {strides = array<i32>} : memref<16x4096xf32, #tpu.memory_space<vmem>>, vector<16xf32>,
        %add3A_192 = arith.constant 160 : i32
        %add3A_193 = arith.addi %mul3A_142, %add3A_192 : i32
        %swap3A_194 = arith.index_cast %add3A_126 : i32 to index
        %swap3A_195 = arith.index_cast %add3A_193 : i32 to index
        %swap3A_196 = tpu.vector_load %arg6[%swap3A_194, %swap3A_195] {strides = array<i32>} : memref<16x4096xf32, #tpu.memory_space<vmem>>, vector<16xf32>,
        tpu.vector_store %arg6[%swap3A_194, %swap3A_195], %broadcast_in_dim3A_1 {strides = array<i32>} : memref<16x4096xf32, #tpu.memory_space<vmem>>, vector<16xf32>,
        %add3A_197 = arith.constant 176 : i32
        %add3A_198 = arith.addi %mul3A_142, %add3A_197 : i32
        %swap3A_199 = arith.index_cast %add3A_126 : i32 to index
        %swap3A_200 = arith.index_cast %add3A_198 : i32 to index
        %swap3A_201 = tpu.vector_load %arg6[%swap3A_199, %swap3A_200] {strides = array<i32>} : memref<16x4096xf32, #tpu.memory_space<vmem>>, vector<16xf32>,
        tpu.vector_store %arg6[%swap3A_199, %swap3A_200], %broadcast_in_dim3A_1 {strides = array<i32>} : memref<16x4096xf32, #tpu.memory_space<vmem>>, vector<16xf32>,
        %add3A_202 = arith.constant 192 : i32
        %add3A_203 = arith.addi %mul3A_142, %add3A_202 : i32
        %swap3A_204 = arith.index_cast %add3A_126 : i32 to index
        %swap3A_205 = arith.index_cast %add3A_203 : i32 to index
        %swap3A_206 = tpu.vector_load %arg6[%swap3A_204, %swap3A_205] {strides = array<i32>} : memref<16x4096xf32, #tpu.memory_space<vmem>>, vector<16xf32>,
        tpu.vector_store %arg6[%swap3A_204, %swap3A_205], %broadcast_in_dim3A_1 {strides = array<i32>} : memref<16x4096xf32, #tpu.memory_space<vmem>>, vector<16xf32>,
        %add3A_207 = arith.constant 208 : i32
        %add3A_208 = arith.addi %mul3A_142, %add3A_207 : i32
        %swap3A_209 = arith.index_cast %add3A_126 : i32 to index
        %swap3A_210 = arith.index_cast %add3A_208 : i32 to index
        %swap3A_211 = tpu.vector_load %arg6[%swap3A_209, %swap3A_210] {strides = array<i32>} : memref<16x4096xf32, #tpu.memory_space<vmem>>, vector<16xf32>,
        tpu.vector_store %arg6[%swap3A_209, %swap3A_210], %broadcast_in_dim3A_1 {strides = array<i32>} : memref<16x4096xf32, #tpu.memory_space<vmem>>, vector<16xf32>,
        %add3A_212 = arith.constant 224 : i32
        %add3A_213 = arith.addi %mul3A_142, %add3A_212 : i32
        %swap3A_214 = arith.index_cast %add3A_126 : i32 to index
        %swap3A_215 = arith.index_cast %add3A_213 : i32 to index
        %swap3A_216 = tpu.vector_load %arg6[%swap3A_214, %swap3A_215] {strides = array<i32>} : memref<16x4096xf32, #tpu.memory_space<vmem>>, vector<16xf32>,
        tpu.vector_store %arg6[%swap3A_214, %swap3A_215], %broadcast_in_dim3A_1 {strides = array<i32>} : memref<16x4096xf32, #tpu.memory_space<vmem>>, vector<16xf32>,
        %add3A_217 = arith.constant 240 : i32
        %add3A_218 = arith.addi %mul3A_142, %add3A_217 : i32
        %swap3A_219 = arith.index_cast %add3A_126 : i32 to index
        %swap3A_220 = arith.index_cast %add3A_218 : i32 to index
        %swap3A_221 = tpu.vector_load %arg6[%swap3A_219, %swap3A_220] {strides = array<i32>} : memref<16x4096xf32, #tpu.memory_space<vmem>>, vector<16xf32>,
        tpu.vector_store %arg6[%swap3A_219, %swap3A_220], %broadcast_in_dim3A_1 {strides = array<i32>} : memref<16x4096xf32, #tpu.memory_space<vmem>>, vector<16xf32>,
      }
      %scan3A_61 = arith.constant 128 : i32
      %gt3A_62 = arith.constant 0 : i32
      %gt3A_63 = arith.cmpi sgt, %scan3A_45, %gt3A_62 : i32
      %convert_element_type3A_64 = arith.extui %gt3A_63 : i1 to i32
      %cond3A_65 = arith.constant 0 : i32
      %cond3A_66 = arith.cmpi ne, %convert_element_type3A_64, %cond3A_65 : i32
      scf.if %cond3A_66 {
        %sub3A_107 = arith.constant 1 : i32
        %sub3A_108 = arith.subi %add3A_48, %sub3A_107 : i32
        %mul3A_109 = arith.constant 8 : i32
        %mul3A_110 = arith.muli %sub3A_108, %mul3A_109 : i32
        %add3A_111 = arith.constant 8192 : i32
        %add3A_112 = arith.addi %add3A_111, %mul3A_110 : i32
        %dma_wait3A_113 = arith.constant 8 : i32
        %dma_wait3A_114 = arith.constant 0 : i32
        %dma_wait3A_115 = tpu.memref_slice %arg6[%dma_wait3A_113, %dma_wait3A_114] : memref<16x4096xf32, #tpu.memory_space<vmem>> -> memref<8x4096xf32, #tpu.memory_space<vmem>>
        %dma_wait3A_116 = arith.constant 0 : i32
        %dma_wait3A_117 = tpu.memref_slice %arg4[%add3A_112, %dma_wait3A_116] : memref<16384x4096xf32, #tpu.memory_space<hbm>> -> memref<8x4096xf32, #tpu.memory_space<hbm>>
        %dma_wait3A_118 = arith.constant 0 : i32
        %dma_wait3A_119 = tpu.memref_slice %arg4[%add3A_112, %dma_wait3A_118] : memref<16384x4096xf32, #tpu.memory_space<hbm>> -> memref<8x4096xf32, #tpu.memory_space<hbm>>
        %dma_wait3A_120 = arith.constant 8 : i32
        %dma_wait3A_121 = arith.constant 0 : i32
        %dma_wait3A_122 = tpu.memref_slice %arg6[%dma_wait3A_120, %dma_wait3A_121] : memref<16x4096xf32, #tpu.memory_space<vmem>> -> memref<8x4096xf32, #tpu.memory_space<vmem>>
        tpu.wait_dma2 semaphore(%arg9 : memref<!tpu.dma_semaphore, #tpu.memory_space<semaphore_mem>>) src(%dma_wait3A_122 : memref<8x4096xf32, #tpu.memory_space<vmem>>) dst(%dma_wait3A_119 : memref<8x4096xf32, #tpu.memory_space<hbm>>)
      } else {
      }
      %scan3A_67 = arith.constant 0 : i32
      %scan3A_68 = arith.constant 0 : i32
      %scan3A_69 = arith.constant 128 : i32
      %scan3A_70 = arith.addi %scan3A_68, %scan3A_69 : i32
      %scan3A_71 = arith.constant 1 : i32
      scf.for %scan3A_107 = %scan3A_68 to %scan3A_70 step %scan3A_71  : i32 {
        %jit3A = arith.constant 16 : i32
        %div3A = arith.divsi %scan3A_107, %jit3A : i32
        %sign3A = arith.constant 0 : i32
        %sign3A_108 = arith.cmpi sgt, %scan3A_107, %sign3A : i32
        %sign3A_109 = arith.extui %sign3A_108 : i1 to i32
        %sign3A_110 = arith.constant 0 : i32
        %sign3A_111 = arith.cmpi slt, %scan3A_107, %sign3A_110 : i32
        %sign3A_112 = arith.extui %sign3A_111 : i1 to i32
        %sign3A_113 = arith.subi %sign3A_109, %sign3A_112 : i32
        %sign3A_114 = arith.constant 0 : i32
        %sign3A_115 = arith.cmpi sgt, %jit3A, %sign3A_114 : i32
        %sign3A_116 = arith.extui %sign3A_115 : i1 to i32
        %sign3A_117 = arith.constant 0 : i32
        %sign3A_118 = arith.cmpi slt, %jit3A, %sign3A_117 : i32
        %sign3A_119 = arith.extui %sign3A_118 : i1 to i32
        %sign3A_120 = arith.subi %sign3A_116, %sign3A_119 : i32
        %ne3A = arith.cmpi ne, %sign3A_113, %sign3A_120 : i32
        %rem3A = arith.remsi %scan3A_107, %jit3A : i32
        %ne3A_121 = arith.constant 0 : i32
        %ne3A_122 = arith.cmpi ne, %rem3A, %ne3A_121 : i32
        %and3A = arith.andi %ne3A, %ne3A_122 : i1
        %sub3A_123 = arith.constant 1 : i32
        %sub3A_124 = arith.subi %div3A, %sub3A_123 : i32
        %select_n3A = arith.select %and3A, %sub3A_124, %div3A : i32
        %add3A_125 = arith.constant 8 : i32
        %add3A_126 = arith.addi %add3A_125, %select_n3A : i32
        %jit3A_127 = arith.constant 16 : i32
        %eq3A = arith.constant 0 : i32
        %eq3A_128 = arith.cmpi eq, %jit3A_127, %eq3A : i32
        %jit3A_129 = arith.constant 1 : i32
        %select_n3A_130 = arith.select %eq3A_128, %jit3A_129, %jit3A_127 : i32
        %rem3A_131 = arith.remsi %scan3A_107, %select_n3A_130 : i32
        %ne3A_132 = arith.constant 0 : i32
        %ne3A_133 = arith.cmpi ne, %rem3A_131, %ne3A_132 : i32
        %lt3A = arith.constant 0 : i32
        %lt3A_134 = arith.cmpi slt, %rem3A_131, %lt3A : i32
        %lt3A_135 = arith.constant 0 : i32
        %lt3A_136 = arith.cmpi slt, %select_n3A_130, %lt3A_135 : i32
        %ne3A_137 = arith.xori %lt3A_134, %lt3A_136 : i1
        %and3A_138 = arith.andi %ne3A_137, %ne3A_133 : i1
        %add3A_139 = arith.addi %rem3A_131, %select_n3A_130 : i32
        %select_n3A_140 = arith.select %and3A_138, %add3A_139, %rem3A_131 : i32
        %mul3A_141 = arith.constant 256 : i32
        %mul3A_142 = arith.muli %select_n3A_140, %mul3A_141 : i32
        %add3A_143 = arith.constant 0 : i32
        %add3A_144 = arith.addi %mul3A_142, %add3A_143 : i32
        %swap3A = arith.index_cast %add3A_126 : i32 to index
        %swap3A_145 = arith.index_cast %add3A_144 : i32 to index
        %swap3A_146 = tpu.vector_load %arg6[%swap3A, %swap3A_145] {strides = array<i32>} : memref<16x4096xf32, #tpu.memory_space<vmem>>, vector<16xf32>,
        tpu.vector_store %arg6[%swap3A, %swap3A_145], %broadcast_in_dim3A_1 {strides = array<i32>} : memref<16x4096xf32, #tpu.memory_space<vmem>>, vector<16xf32>,
        %add3A_147 = arith.constant 16 : i32
        %add3A_148 = arith.addi %mul3A_142, %add3A_147 : i32
        %swap3A_149 = arith.index_cast %add3A_126 : i32 to index
        %swap3A_150 = arith.index_cast %add3A_148 : i32 to index
        %swap3A_151 = tpu.vector_load %arg6[%swap3A_149, %swap3A_150] {strides = array<i32>} : memref<16x4096xf32, #tpu.memory_space<vmem>>, vector<16xf32>,
        tpu.vector_store %arg6[%swap3A_149, %swap3A_150], %broadcast_in_dim3A_1 {strides = array<i32>} : memref<16x4096xf32, #tpu.memory_space<vmem>>, vector<16xf32>,
        %add3A_152 = arith.constant 32 : i32
        %add3A_153 = arith.addi %mul3A_142, %add3A_152 : i32
        %swap3A_154 = arith.index_cast %add3A_126 : i32 to index
        %swap3A_155 = arith.index_cast %add3A_153 : i32 to index
        %swap3A_156 = tpu.vector_load %arg6[%swap3A_154, %swap3A_155] {strides = array<i32>} : memref<16x4096xf32, #tpu.memory_space<vmem>>, vector<16xf32>,
        tpu.vector_store %arg6[%swap3A_154, %swap3A_155], %broadcast_in_dim3A_1 {strides = array<i32>} : memref<16x4096xf32, #tpu.memory_space<vmem>>, vector<16xf32>,
        %add3A_157 = arith.constant 48 : i32
        %add3A_158 = arith.addi %mul3A_142, %add3A_157 : i32
        %swap3A_159 = arith.index_cast %add3A_126 : i32 to index
        %swap3A_160 = arith.index_cast %add3A_158 : i32 to index
        %swap3A_161 = tpu.vector_load %arg6[%swap3A_159, %swap3A_160] {strides = array<i32>} : memref<16x4096xf32, #tpu.memory_space<vmem>>, vector<16xf32>,
        tpu.vector_store %arg6[%swap3A_159, %swap3A_160], %broadcast_in_dim3A_1 {strides = array<i32>} : memref<16x4096xf32, #tpu.memory_space<vmem>>, vector<16xf32>,
        %add3A_162 = arith.constant 64 : i32
        %add3A_163 = arith.addi %mul3A_142, %add3A_162 : i32
        %swap3A_164 = arith.index_cast %add3A_126 : i32 to index
        %swap3A_165 = arith.index_cast %add3A_163 : i32 to index
        %swap3A_166 = tpu.vector_load %arg6[%swap3A_164, %swap3A_165] {strides = array<i32>} : memref<16x4096xf32, #tpu.memory_space<vmem>>, vector<16xf32>,
        tpu.vector_store %arg6[%swap3A_164, %swap3A_165], %broadcast_in_dim3A_1 {strides = array<i32>} : memref<16x4096xf32, #tpu.memory_space<vmem>>, vector<16xf32>,
        %add3A_167 = arith.constant 80 : i32
        %add3A_168 = arith.addi %mul3A_142, %add3A_167 : i32
        %swap3A_169 = arith.index_cast %add3A_126 : i32 to index
        %swap3A_170 = arith.index_cast %add3A_168 : i32 to index
        %swap3A_171 = tpu.vector_load %arg6[%swap3A_169, %swap3A_170] {strides = array<i32>} : memref<16x4096xf32, #tpu.memory_space<vmem>>, vector<16xf32>,
        tpu.vector_store %arg6[%swap3A_169, %swap3A_170], %broadcast_in_dim3A_1 {strides = array<i32>} : memref<16x4096xf32, #tpu.memory_space<vmem>>, vector<16xf32>,
        %add3A_172 = arith.constant 96 : i32
        %add3A_173 = arith.addi %mul3A_142, %add3A_172 : i32
        %swap3A_174 = arith.index_cast %add3A_126 : i32 to index
        %swap3A_175 = arith.index_cast %add3A_173 : i32 to index
        %swap3A_176 = tpu.vector_load %arg6[%swap3A_174, %swap3A_175] {strides = array<i32>} : memref<16x4096xf32, #tpu.memory_space<vmem>>, vector<16xf32>,
        tpu.vector_store %arg6[%swap3A_174, %swap3A_175], %broadcast_in_dim3A_1 {strides = array<i32>} : memref<16x4096xf32, #tpu.memory_space<vmem>>, vector<16xf32>,
        %add3A_177 = arith.constant 112 : i32
        %add3A_178 = arith.addi %mul3A_142, %add3A_177 : i32
        %swap3A_179 = arith.index_cast %add3A_126 : i32 to index
        %swap3A_180 = arith.index_cast %add3A_178 : i32 to index
        %swap3A_181 = tpu.vector_load %arg6[%swap3A_179, %swap3A_180] {strides = array<i32>} : memref<16x4096xf32, #tpu.memory_space<vmem>>, vector<16xf32>,
        tpu.vector_store %arg6[%swap3A_179, %swap3A_180], %broadcast_in_dim3A_1 {strides = array<i32>} : memref<16x4096xf32, #tpu.memory_space<vmem>>, vector<16xf32>,
        %add3A_182 = arith.constant 128 : i32
        %add3A_183 = arith.addi %mul3A_142, %add3A_182 : i32
        %swap3A_184 = arith.index_cast %add3A_126 : i32 to index
        %swap3A_185 = arith.index_cast %add3A_183 : i32 to index
        %swap3A_186 = tpu.vector_load %arg6[%swap3A_184, %swap3A_185] {strides = array<i32>} : memref<16x4096xf32, #tpu.memory_space<vmem>>, vector<16xf32>,
        tpu.vector_store %arg6[%swap3A_184, %swap3A_185], %broadcast_in_dim3A_1 {strides = array<i32>} : memref<16x4096xf32, #tpu.memory_space<vmem>>, vector<16xf32>,
        %add3A_187 = arith.constant 144 : i32
        %add3A_188 = arith.addi %mul3A_142, %add3A_187 : i32
        %swap3A_189 = arith.index_cast %add3A_126 : i32 to index
        %swap3A_190 = arith.index_cast %add3A_188 : i32 to index
        %swap3A_191 = tpu.vector_load %arg6[%swap3A_189, %swap3A_190] {strides = array<i32>} : memref<16x4096xf32, #tpu.memory_space<vmem>>, vector<16xf32>,
        tpu.vector_store %arg6[%swap3A_189, %swap3A_190], %broadcast_in_dim3A_1 {strides = array<i32>} : memref<16x4096xf32, #tpu.memory_space<vmem>>, vector<16xf32>,
        %add3A_192 = arith.constant 160 : i32
        %add3A_193 = arith.addi %mul3A_142, %add3A_192 : i32
        %swap3A_194 = arith.index_cast %add3A_126 : i32 to index
        %swap3A_195 = arith.index_cast %add3A_193 : i32 to index
        %swap3A_196 = tpu.vector_load %arg6[%swap3A_194, %swap3A_195] {strides = array<i32>} : memref<16x4096xf32, #tpu.memory_space<vmem>>, vector<16xf32>,
        tpu.vector_store %arg6[%swap3A_194, %swap3A_195], %broadcast_in_dim3A_1 {strides = array<i32>} : memref<16x4096xf32, #tpu.memory_space<vmem>>, vector<16xf32>,
        %add3A_197 = arith.constant 176 : i32
        %add3A_198 = arith.addi %mul3A_142, %add3A_197 : i32
        %swap3A_199 = arith.index_cast %add3A_126 : i32 to index
        %swap3A_200 = arith.index_cast %add3A_198 : i32 to index
        %swap3A_201 = tpu.vector_load %arg6[%swap3A_199, %swap3A_200] {strides = array<i32>} : memref<16x4096xf32, #tpu.memory_space<vmem>>, vector<16xf32>,
        tpu.vector_store %arg6[%swap3A_199, %swap3A_200], %broadcast_in_dim3A_1 {strides = array<i32>} : memref<16x4096xf32, #tpu.memory_space<vmem>>, vector<16xf32>,
        %add3A_202 = arith.constant 192 : i32
        %add3A_203 = arith.addi %mul3A_142, %add3A_202 : i32
        %swap3A_204 = arith.index_cast %add3A_126 : i32 to index
        %swap3A_205 = arith.index_cast %add3A_203 : i32 to index
        %swap3A_206 = tpu.vector_load %arg6[%swap3A_204, %swap3A_205] {strides = array<i32>} : memref<16x4096xf32, #tpu.memory_space<vmem>>, vector<16xf32>,
        tpu.vector_store %arg6[%swap3A_204, %swap3A_205], %broadcast_in_dim3A_1 {strides = array<i32>} : memref<16x4096xf32, #tpu.memory_space<vmem>>, vector<16xf32>,
        %add3A_207 = arith.constant 208 : i32
        %add3A_208 = arith.addi %mul3A_142, %add3A_207 : i32
        %swap3A_209 = arith.index_cast %add3A_126 : i32 to index
        %swap3A_210 = arith.index_cast %add3A_208 : i32 to index
        %swap3A_211 = tpu.vector_load %arg6[%swap3A_209, %swap3A_210] {strides = array<i32>} : memref<16x4096xf32, #tpu.memory_space<vmem>>, vector<16xf32>,
        tpu.vector_store %arg6[%swap3A_209, %swap3A_210], %broadcast_in_dim3A_1 {strides = array<i32>} : memref<16x4096xf32, #tpu.memory_space<vmem>>, vector<16xf32>,
        %add3A_212 = arith.constant 224 : i32
        %add3A_213 = arith.addi %mul3A_142, %add3A_212 : i32
        %swap3A_214 = arith.index_cast %add3A_126 : i32 to index
        %swap3A_215 = arith.index_cast %add3A_213 : i32 to index
        %swap3A_216 = tpu.vector_load %arg6[%swap3A_214, %swap3A_215] {strides = array<i32>} : memref<16x4096xf32, #tpu.memory_space<vmem>>, vector<16xf32>,
        tpu.vector_store %arg6[%swap3A_214, %swap3A_215], %broadcast_in_dim3A_1 {strides = array<i32>} : memref<16x4096xf32, #tpu.memory_space<vmem>>, vector<16xf32>,
        %add3A_217 = arith.constant 240 : i32
        %add3A_218 = arith.addi %mul3A_142, %add3A_217 : i32
        %swap3A_219 = arith.index_cast %add3A_126 : i32 to index
        %swap3A_220 = arith.index_cast %add3A_218 : i32 to index
        %swap3A_221 = tpu.vector_load %arg6[%swap3A_219, %swap3A_220] {strides = array<i32>} : memref<16x4096xf32, #tpu.memory_space<vmem>>, vector<16xf32>,
        tpu.vector_store %arg6[%swap3A_219, %swap3A_220], %broadcast_in_dim3A_1 {strides = array<i32>} : memref<16x4096xf32, #tpu.memory_space<vmem>>, vector<16xf32>,
      }
      %scan3A_72 = arith.constant 128 : i32
      %dma_wait3A_73 = arith.constant 0 : i32
      %dma_wait3A_74 = tpu.memref_slice %arg2[%mul3A_50, %dma_wait3A_73] : memref<8192x4096xf32, #tpu.memory_space<hbm>> -> memref<8x4096xf32, #tpu.memory_space<hbm>>
      %dma_wait3A_75 = arith.constant 0 : i32
      %dma_wait3A_76 = tpu.memref_slice %arg2[%mul3A_50, %dma_wait3A_75] : memref<8192x4096xf32, #tpu.memory_space<hbm>> -> memref<8x4096xf32, #tpu.memory_space<hbm>>
      tpu.wait_dma2 semaphore(%arg10 : memref<!tpu.dma_semaphore, #tpu.memory_space<semaphore_mem>>) src(%dma_wait3A_76 : memref<8x4096xf32, #tpu.memory_space<hbm>>) dst(%arg5 : memref<8x4096xf32, #tpu.memory_space<vmem>>)
      %parallel_loop3A = arith.constant 0 : i32
      %parallel_loop3A_77 = arith.constant 256 : i32
      %parallel_loop3A_78 = arith.constant 1 : i32
      scf.for %parallel_loop3A_107 = %parallel_loop3A to %parallel_loop3A_77 step %parallel_loop3A_78  : i32 {
        %parallel_loop3A_108 = arith.constant 16 : i32
        %parallel_loop3A_109 = arith.muli %parallel_loop3A_107, %parallel_loop3A_108 : i32
        %parallel_loop3A_110 = arith.constant 0 : i32
        %parallel_loop3A_111 = arith.addi %parallel_loop3A_110, %parallel_loop3A_109 : i32
        %parallel_loop3A_112 = arith.index_cast %parallel_loop3A_111 : i32 to index
        %parallel_loop3A_113 = tpu.vector_load %arg7[%parallel_loop3A_112] {strides = array<i32>} : memref<12288xi32, #tpu.memory_space<vmem>>, vector<16xi32>,
        %parallel_loop3A_114 = arith.constant 4096 : i32
        %parallel_loop3A_115 = arith.addi %parallel_loop3A_114, %parallel_loop3A_109 : i32
        %parallel_loop3A_116 = arith.index_cast %parallel_loop3A_115 : i32 to index
        %parallel_loop3A_117 = tpu.vector_load %arg7[%parallel_loop3A_116] {strides = array<i32>} : memref<12288xi32, #tpu.memory_space<vmem>>, vector<16xi32>,
        %parallel_loop3A_118 = arith.constant 8192 : i32
        %parallel_loop3A_119 = arith.addi %parallel_loop3A_118, %parallel_loop3A_109 : i32
        %parallel_loop3A_120 = arith.index_cast %parallel_loop3A_119 : i32 to index
        %parallel_loop3A_121 = tpu.vector_load %arg7[%parallel_loop3A_120] {strides = array<i32>} : memref<12288xi32, #tpu.memory_space<vmem>>, vector<16xi32>,
        %parallel_loop3A_122 = arith.constant 0 : i32
        %parallel_loop3A_123 = vector.broadcast %parallel_loop3A_122 : i32 to vector<16xi32>
        %parallel_loop3A_124 = tpu.vector_load_idx %arg5[%parallel_loop3A_123, %parallel_loop3A_113] : memref<8x4096xf32, #tpu.memory_space<vmem>>[vector<16xi32>, vector<16xi32>], vector<16xf32>,
        %parallel_loop3A_125 = tpu.vector_load_idx %arg5[%parallel_loop3A_123, %parallel_loop3A_117] : memref<8x4096xf32, #tpu.memory_space<vmem>>[vector<16xi32>, vector<16xi32>], vector<16xf32>,
        %parallel_loop3A_126 = tpu.vector_load_idx %arg5[%parallel_loop3A_123, %parallel_loop3A_121] : memref<8x4096xf32, #tpu.memory_space<vmem>>[vector<16xi32>, vector<16xi32>], vector<16xf32>,
        %parallel_loop3A_127 = arith.constant 1 : i32
        %parallel_loop3A_128 = vector.broadcast %parallel_loop3A_127 : i32 to vector<16xi32>
        %parallel_loop3A_129 = tpu.vector_load_idx %arg5[%parallel_loop3A_128, %parallel_loop3A_113] : memref<8x4096xf32, #tpu.memory_space<vmem>>[vector<16xi32>, vector<16xi32>], vector<16xf32>,
        %parallel_loop3A_130 = tpu.vector_load_idx %arg5[%parallel_loop3A_128, %parallel_loop3A_117] : memref<8x4096xf32, #tpu.memory_space<vmem>>[vector<16xi32>, vector<16xi32>], vector<16xf32>,
        %parallel_loop3A_131 = tpu.vector_load_idx %arg5[%parallel_loop3A_128, %parallel_loop3A_121] : memref<8x4096xf32, #tpu.memory_space<vmem>>[vector<16xi32>, vector<16xi32>], vector<16xf32>,
        %parallel_loop3A_132 = arith.constant 2 : i32
        %parallel_loop3A_133 = vector.broadcast %parallel_loop3A_132 : i32 to vector<16xi32>
        %parallel_loop3A_134 = tpu.vector_load_idx %arg5[%parallel_loop3A_133, %parallel_loop3A_113] : memref<8x4096xf32, #tpu.memory_space<vmem>>[vector<16xi32>, vector<16xi32>], vector<16xf32>,
        %parallel_loop3A_135 = tpu.vector_load_idx %arg5[%parallel_loop3A_133, %parallel_loop3A_117] : memref<8x4096xf32, #tpu.memory_space<vmem>>[vector<16xi32>, vector<16xi32>], vector<16xf32>,
        %parallel_loop3A_136 = tpu.vector_load_idx %arg5[%parallel_loop3A_133, %parallel_loop3A_121] : memref<8x4096xf32, #tpu.memory_space<vmem>>[vector<16xi32>, vector<16xi32>], vector<16xf32>,
        %parallel_loop3A_137 = arith.constant 3 : i32
        %parallel_loop3A_138 = vector.broadcast %parallel_loop3A_137 : i32 to vector<16xi32>
        %parallel_loop3A_139 = tpu.vector_load_idx %arg5[%parallel_loop3A_138, %parallel_loop3A_113] : memref<8x4096xf32, #tpu.memory_space<vmem>>[vector<16xi32>, vector<16xi32>], vector<16xf32>,
        %parallel_loop3A_140 = tpu.vector_load_idx %arg5[%parallel_loop3A_138, %parallel_loop3A_117] : memref<8x4096xf32, #tpu.memory_space<vmem>>[vector<16xi32>, vector<16xi32>], vector<16xf32>,
        %parallel_loop3A_141 = tpu.vector_load_idx %arg5[%parallel_loop3A_138, %parallel_loop3A_121] : memref<8x4096xf32, #tpu.memory_space<vmem>>[vector<16xi32>, vector<16xi32>], vector<16xf32>,
        %parallel_loop3A_142 = arith.mulf %parallel_loop3A_125, %parallel_loop3A_126 : vector<16xf32>
        %parallel_loop3A_143 = arith.mulf %parallel_loop3A_124, %parallel_loop3A_126 : vector<16xf32>
        %parallel_loop3A_144 = arith.mulf %parallel_loop3A_124, %parallel_loop3A_125 : vector<16xf32>
        %parallel_loop3A_145 = arith.mulf %parallel_loop3A_142, %parallel_loop3A_124 : vector<16xf32>
        %parallel_loop3A_146 = arith.mulf %parallel_loop3A_130, %parallel_loop3A_131 : vector<16xf32>
        %parallel_loop3A_147 = arith.mulf %parallel_loop3A_129, %parallel_loop3A_131 : vector<16xf32>
        %parallel_loop3A_148 = arith.mulf %parallel_loop3A_129, %parallel_loop3A_130 : vector<16xf32>
        %parallel_loop3A_149 = arith.mulf %parallel_loop3A_146, %parallel_loop3A_129 : vector<16xf32>
        %parallel_loop3A_150 = arith.mulf %parallel_loop3A_135, %parallel_loop3A_136 : vector<16xf32>
        %parallel_loop3A_151 = arith.mulf %parallel_loop3A_134, %parallel_loop3A_136 : vector<16xf32>
        %parallel_loop3A_152 = arith.mulf %parallel_loop3A_134, %parallel_loop3A_135 : vector<16xf32>
        %parallel_loop3A_153 = arith.mulf %parallel_loop3A_150, %parallel_loop3A_134 : vector<16xf32>
        %parallel_loop3A_154 = arith.mulf %parallel_loop3A_140, %parallel_loop3A_141 : vector<16xf32>
        %parallel_loop3A_155 = arith.mulf %parallel_loop3A_139, %parallel_loop3A_141 : vector<16xf32>
        %parallel_loop3A_156 = arith.mulf %parallel_loop3A_139, %parallel_loop3A_140 : vector<16xf32>
        %parallel_loop3A_157 = arith.mulf %parallel_loop3A_154, %parallel_loop3A_139 : vector<16xf32>
        %parallel_loop3A_158 = arith.constant 0 : i32
        %parallel_loop3A_159 = vector.broadcast %parallel_loop3A_158 : i32 to vector<16xi32>
        %parallel_loop3A_160 = arith.constant 8 : i32
        %parallel_loop3A_161 = vector.broadcast %parallel_loop3A_160 : i32 to vector<16xi32>
        tpu.vector_store_idx %arg6[%parallel_loop3A_159, %parallel_loop3A_113], %parallel_loop3A_145 {add = true} : memref<16x4096xf32, #tpu.memory_space<vmem>>[vector<16xi32>, vector<16xi32>], vector<16xf32>,
        tpu.vector_store_idx %arg6[%parallel_loop3A_161, %parallel_loop3A_113], %parallel_loop3A_142 {add = true} : memref<16x4096xf32, #tpu.memory_space<vmem>>[vector<16xi32>, vector<16xi32>], vector<16xf32>,
        tpu.vector_store_idx %arg6[%parallel_loop3A_159, %parallel_loop3A_117], %parallel_loop3A_145 {add = true} : memref<16x4096xf32, #tpu.memory_space<vmem>>[vector<16xi32>, vector<16xi32>], vector<16xf32>,
        tpu.vector_store_idx %arg6[%parallel_loop3A_161, %parallel_loop3A_117], %parallel_loop3A_143 {add = true} : memref<16x4096xf32, #tpu.memory_space<vmem>>[vector<16xi32>, vector<16xi32>], vector<16xf32>,
        tpu.vector_store_idx %arg6[%parallel_loop3A_159, %parallel_loop3A_121], %parallel_loop3A_145 {add = true} : memref<16x4096xf32, #tpu.memory_space<vmem>>[vector<16xi32>, vector<16xi32>], vector<16xf32>,
        tpu.vector_store_idx %arg6[%parallel_loop3A_161, %parallel_loop3A_121], %parallel_loop3A_144 {add = true} : memref<16x4096xf32, #tpu.memory_space<vmem>>[vector<16xi32>, vector<16xi32>], vector<16xf32>,
        %parallel_loop3A_162 = arith.constant 1 : i32
        %parallel_loop3A_163 = vector.broadcast %parallel_loop3A_162 : i32 to vector<16xi32>
        %parallel_loop3A_164 = arith.constant 9 : i32
        %parallel_loop3A_165 = vector.broadcast %parallel_loop3A_164 : i32 to vector<16xi32>
        tpu.vector_store_idx %arg6[%parallel_loop3A_163, %parallel_loop3A_113], %parallel_loop3A_149 {add = true} : memref<16x4096xf32, #tpu.memory_space<vmem>>[vector<16xi32>, vector<16xi32>], vector<16xf32>,
        tpu.vector_store_idx %arg6[%parallel_loop3A_165, %parallel_loop3A_113], %parallel_loop3A_146 {add = true} : memref<16x4096xf32, #tpu.memory_space<vmem>>[vector<16xi32>, vector<16xi32>], vector<16xf32>,
        tpu.vector_store_idx %arg6[%parallel_loop3A_163, %parallel_loop3A_117], %parallel_loop3A_149 {add = true} : memref<16x4096xf32, #tpu.memory_space<vmem>>[vector<16xi32>, vector<16xi32>], vector<16xf32>,
        tpu.vector_store_idx %arg6[%parallel_loop3A_165, %parallel_loop3A_117], %parallel_loop3A_147 {add = true} : memref<16x4096xf32, #tpu.memory_space<vmem>>[vector<16xi32>, vector<16xi32>], vector<16xf32>,
        tpu.vector_store_idx %arg6[%parallel_loop3A_163, %parallel_loop3A_121], %parallel_loop3A_149 {add = true} : memref<16x4096xf32, #tpu.memory_space<vmem>>[vector<16xi32>, vector<16xi32>], vector<16xf32>,
        tpu.vector_store_idx %arg6[%parallel_loop3A_165, %parallel_loop3A_121], %parallel_loop3A_148 {add = true} : memref<16x4096xf32, #tpu.memory_space<vmem>>[vector<16xi32>, vector<16xi32>], vector<16xf32>,
        %parallel_loop3A_166 = arith.constant 2 : i32
        %parallel_loop3A_167 = vector.broadcast %parallel_loop3A_166 : i32 to vector<16xi32>
        %parallel_loop3A_168 = arith.constant 10 : i32
        %parallel_loop3A_169 = vector.broadcast %parallel_loop3A_168 : i32 to vector<16xi32>
        tpu.vector_store_idx %arg6[%parallel_loop3A_167, %parallel_loop3A_113], %parallel_loop3A_153 {add = true} : memref<16x4096xf32, #tpu.memory_space<vmem>>[vector<16xi32>, vector<16xi32>], vector<16xf32>,
        tpu.vector_store_idx %arg6[%parallel_loop3A_169, %parallel_loop3A_113], %parallel_loop3A_150 {add = true} : memref<16x4096xf32, #tpu.memory_space<vmem>>[vector<16xi32>, vector<16xi32>], vector<16xf32>,
        tpu.vector_store_idx %arg6[%parallel_loop3A_167, %parallel_loop3A_117], %parallel_loop3A_153 {add = true} : memref<16x4096xf32, #tpu.memory_space<vmem>>[vector<16xi32>, vector<16xi32>], vector<16xf32>,
        tpu.vector_store_idx %arg6[%parallel_loop3A_169, %parallel_loop3A_117], %parallel_loop3A_151 {add = true} : memref<16x4096xf32, #tpu.memory_space<vmem>>[vector<16xi32>, vector<16xi32>], vector<16xf32>,
        tpu.vector_store_idx %arg6[%parallel_loop3A_167, %parallel_loop3A_121], %parallel_loop3A_153 {add = true} : memref<16x4096xf32, #tpu.memory_space<vmem>>[vector<16xi32>, vector<16xi32>], vector<16xf32>,
        tpu.vector_store_idx %arg6[%parallel_loop3A_169, %parallel_loop3A_121], %parallel_loop3A_152 {add = true} : memref<16x4096xf32, #tpu.memory_space<vmem>>[vector<16xi32>, vector<16xi32>], vector<16xf32>,
        %parallel_loop3A_170 = arith.constant 3 : i32
        %parallel_loop3A_171 = vector.broadcast %parallel_loop3A_170 : i32 to vector<16xi32>
        %parallel_loop3A_172 = arith.constant 11 : i32
        %parallel_loop3A_173 = vector.broadcast %parallel_loop3A_172 : i32 to vector<16xi32>
        tpu.vector_store_idx %arg6[%parallel_loop3A_171, %parallel_loop3A_113], %parallel_loop3A_157 {add = true} : memref<16x4096xf32, #tpu.memory_space<vmem>>[vector<16xi32>, vector<16xi32>], vector<16xf32>,
        tpu.vector_store_idx %arg6[%parallel_loop3A_173, %parallel_loop3A_113], %parallel_loop3A_154 {add = true} : memref<16x4096xf32, #tpu.memory_space<vmem>>[vector<16xi32>, vector<16xi32>], vector<16xf32>,
        tpu.vector_store_idx %arg6[%parallel_loop3A_171, %parallel_loop3A_117], %parallel_loop3A_157 {add = true} : memref<16x4096xf32, #tpu.memory_space<vmem>>[vector<16xi32>, vector<16xi32>], vector<16xf32>,
        tpu.vector_store_idx %arg6[%parallel_loop3A_173, %parallel_loop3A_117], %parallel_loop3A_155 {add = true} : memref<16x4096xf32, #tpu.memory_space<vmem>>[vector<16xi32>, vector<16xi32>], vector<16xf32>,
        tpu.vector_store_idx %arg6[%parallel_loop3A_171, %parallel_loop3A_121], %parallel_loop3A_157 {add = true} : memref<16x4096xf32, #tpu.memory_space<vmem>>[vector<16xi32>, vector<16xi32>], vector<16xf32>,
        tpu.vector_store_idx %arg6[%parallel_loop3A_173, %parallel_loop3A_121], %parallel_loop3A_156 {add = true} : memref<16x4096xf32, #tpu.memory_space<vmem>>[vector<16xi32>, vector<16xi32>], vector<16xf32>,
        %parallel_loop3A_174 = arith.constant 4 : i32
        %parallel_loop3A_175 = vector.broadcast %parallel_loop3A_174 : i32 to vector<16xi32>
        %parallel_loop3A_176 = tpu.vector_load_idx %arg5[%parallel_loop3A_175, %parallel_loop3A_113] : memref<8x4096xf32, #tpu.memory_space<vmem>>[vector<16xi32>, vector<16xi32>], vector<16xf32>,
        %parallel_loop3A_177 = tpu.vector_load_idx %arg5[%parallel_loop3A_175, %parallel_loop3A_117] : memref<8x4096xf32, #tpu.memory_space<vmem>>[vector<16xi32>, vector<16xi32>], vector<16xf32>,
        %parallel_loop3A_178 = tpu.vector_load_idx %arg5[%parallel_loop3A_175, %parallel_loop3A_121] : memref<8x4096xf32, #tpu.memory_space<vmem>>[vector<16xi32>, vector<16xi32>], vector<16xf32>,
        %parallel_loop3A_179 = arith.constant 5 : i32
        %parallel_loop3A_180 = vector.broadcast %parallel_loop3A_179 : i32 to vector<16xi32>
        %parallel_loop3A_181 = tpu.vector_load_idx %arg5[%parallel_loop3A_180, %parallel_loop3A_113] : memref<8x4096xf32, #tpu.memory_space<vmem>>[vector<16xi32>, vector<16xi32>], vector<16xf32>,
        %parallel_loop3A_182 = tpu.vector_load_idx %arg5[%parallel_loop3A_180, %parallel_loop3A_117] : memref<8x4096xf32, #tpu.memory_space<vmem>>[vector<16xi32>, vector<16xi32>], vector<16xf32>,
        %parallel_loop3A_183 = tpu.vector_load_idx %arg5[%parallel_loop3A_180, %parallel_loop3A_121] : memref<8x4096xf32, #tpu.memory_space<vmem>>[vector<16xi32>, vector<16xi32>], vector<16xf32>,
        %parallel_loop3A_184 = arith.constant 6 : i32
        %parallel_loop3A_185 = vector.broadcast %parallel_loop3A_184 : i32 to vector<16xi32>
        %parallel_loop3A_186 = tpu.vector_load_idx %arg5[%parallel_loop3A_185, %parallel_loop3A_113] : memref<8x4096xf32, #tpu.memory_space<vmem>>[vector<16xi32>, vector<16xi32>], vector<16xf32>,
        %parallel_loop3A_187 = tpu.vector_load_idx %arg5[%parallel_loop3A_185, %parallel_loop3A_117] : memref<8x4096xf32, #tpu.memory_space<vmem>>[vector<16xi32>, vector<16xi32>], vector<16xf32>,
        %parallel_loop3A_188 = tpu.vector_load_idx %arg5[%parallel_loop3A_185, %parallel_loop3A_121] : memref<8x4096xf32, #tpu.memory_space<vmem>>[vector<16xi32>, vector<16xi32>], vector<16xf32>,
        %parallel_loop3A_189 = arith.constant 7 : i32
        %parallel_loop3A_190 = vector.broadcast %parallel_loop3A_189 : i32 to vector<16xi32>
        %parallel_loop3A_191 = tpu.vector_load_idx %arg5[%parallel_loop3A_190, %parallel_loop3A_113] : memref<8x4096xf32, #tpu.memory_space<vmem>>[vector<16xi32>, vector<16xi32>], vector<16xf32>,
        %parallel_loop3A_192 = tpu.vector_load_idx %arg5[%parallel_loop3A_190, %parallel_loop3A_117] : memref<8x4096xf32, #tpu.memory_space<vmem>>[vector<16xi32>, vector<16xi32>], vector<16xf32>,
        %parallel_loop3A_193 = tpu.vector_load_idx %arg5[%parallel_loop3A_190, %parallel_loop3A_121] : memref<8x4096xf32, #tpu.memory_space<vmem>>[vector<16xi32>, vector<16xi32>], vector<16xf32>,
        %parallel_loop3A_194 = arith.mulf %parallel_loop3A_177, %parallel_loop3A_178 : vector<16xf32>
        %parallel_loop3A_195 = arith.mulf %parallel_loop3A_176, %parallel_loop3A_178 : vector<16xf32>
        %parallel_loop3A_196 = arith.mulf %parallel_loop3A_176, %parallel_loop3A_177 : vector<16xf32>
        %parallel_loop3A_197 = arith.mulf %parallel_loop3A_194, %parallel_loop3A_176 : vector<16xf32>
        %parallel_loop3A_198 = arith.mulf %parallel_loop3A_182, %parallel_loop3A_183 : vector<16xf32>
        %parallel_loop3A_199 = arith.mulf %parallel_loop3A_181, %parallel_loop3A_183 : vector<16xf32>
        %parallel_loop3A_200 = arith.mulf %parallel_loop3A_181, %parallel_loop3A_182 : vector<16xf32>
        %parallel_loop3A_201 = arith.mulf %parallel_loop3A_198, %parallel_loop3A_181 : vector<16xf32>
        %parallel_loop3A_202 = arith.mulf %parallel_loop3A_187, %parallel_loop3A_188 : vector<16xf32>
        %parallel_loop3A_203 = arith.mulf %parallel_loop3A_186, %parallel_loop3A_188 : vector<16xf32>
        %parallel_loop3A_204 = arith.mulf %parallel_loop3A_186, %parallel_loop3A_187 : vector<16xf32>
        %parallel_loop3A_205 = arith.mulf %parallel_loop3A_202, %parallel_loop3A_186 : vector<16xf32>
        %parallel_loop3A_206 = arith.mulf %parallel_loop3A_192, %parallel_loop3A_193 : vector<16xf32>
        %parallel_loop3A_207 = arith.mulf %parallel_loop3A_191, %parallel_loop3A_193 : vector<16xf32>
        %parallel_loop3A_208 = arith.mulf %parallel_loop3A_191, %parallel_loop3A_192 : vector<16xf32>
        %parallel_loop3A_209 = arith.mulf %parallel_loop3A_206, %parallel_loop3A_191 : vector<16xf32>
        %parallel_loop3A_210 = arith.constant 4 : i32
        %parallel_loop3A_211 = vector.broadcast %parallel_loop3A_210 : i32 to vector<16xi32>
        %parallel_loop3A_212 = arith.constant 12 : i32
        %parallel_loop3A_213 = vector.broadcast %parallel_loop3A_212 : i32 to vector<16xi32>
        tpu.vector_store_idx %arg6[%parallel_loop3A_211, %parallel_loop3A_113], %parallel_loop3A_197 {add = true} : memref<16x4096xf32, #tpu.memory_space<vmem>>[vector<16xi32>, vector<16xi32>], vector<16xf32>,
        tpu.vector_store_idx %arg6[%parallel_loop3A_213, %parallel_loop3A_113], %parallel_loop3A_194 {add = true} : memref<16x4096xf32, #tpu.memory_space<vmem>>[vector<16xi32>, vector<16xi32>], vector<16xf32>,
        tpu.vector_store_idx %arg6[%parallel_loop3A_211, %parallel_loop3A_117], %parallel_loop3A_197 {add = true} : memref<16x4096xf32, #tpu.memory_space<vmem>>[vector<16xi32>, vector<16xi32>], vector<16xf32>,
        tpu.vector_store_idx %arg6[%parallel_loop3A_213, %parallel_loop3A_117], %parallel_loop3A_195 {add = true} : memref<16x4096xf32, #tpu.memory_space<vmem>>[vector<16xi32>, vector<16xi32>], vector<16xf32>,
        tpu.vector_store_idx %arg6[%parallel_loop3A_211, %parallel_loop3A_121], %parallel_loop3A_197 {add = true} : memref<16x4096xf32, #tpu.memory_space<vmem>>[vector<16xi32>, vector<16xi32>], vector<16xf32>,
        tpu.vector_store_idx %arg6[%parallel_loop3A_213, %parallel_loop3A_121], %parallel_loop3A_196 {add = true} : memref<16x4096xf32, #tpu.memory_space<vmem>>[vector<16xi32>, vector<16xi32>], vector<16xf32>,
        %parallel_loop3A_214 = arith.constant 5 : i32
        %parallel_loop3A_215 = vector.broadcast %parallel_loop3A_214 : i32 to vector<16xi32>
        %parallel_loop3A_216 = arith.constant 13 : i32
        %parallel_loop3A_217 = vector.broadcast %parallel_loop3A_216 : i32 to vector<16xi32>
        tpu.vector_store_idx %arg6[%parallel_loop3A_215, %parallel_loop3A_113], %parallel_loop3A_201 {add = true} : memref<16x4096xf32, #tpu.memory_space<vmem>>[vector<16xi32>, vector<16xi32>], vector<16xf32>,
        tpu.vector_store_idx %arg6[%parallel_loop3A_217, %parallel_loop3A_113], %parallel_loop3A_198 {add = true} : memref<16x4096xf32, #tpu.memory_space<vmem>>[vector<16xi32>, vector<16xi32>], vector<16xf32>,
        tpu.vector_store_idx %arg6[%parallel_loop3A_215, %parallel_loop3A_117], %parallel_loop3A_201 {add = true} : memref<16x4096xf32, #tpu.memory_space<vmem>>[vector<16xi32>, vector<16xi32>], vector<16xf32>,
        tpu.vector_store_idx %arg6[%parallel_loop3A_217, %parallel_loop3A_117], %parallel_loop3A_199 {add = true} : memref<16x4096xf32, #tpu.memory_space<vmem>>[vector<16xi32>, vector<16xi32>], vector<16xf32>,
        tpu.vector_store_idx %arg6[%parallel_loop3A_215, %parallel_loop3A_121], %parallel_loop3A_201 {add = true} : memref<16x4096xf32, #tpu.memory_space<vmem>>[vector<16xi32>, vector<16xi32>], vector<16xf32>,
        tpu.vector_store_idx %arg6[%parallel_loop3A_217, %parallel_loop3A_121], %parallel_loop3A_200 {add = true} : memref<16x4096xf32, #tpu.memory_space<vmem>>[vector<16xi32>, vector<16xi32>], vector<16xf32>,
        %parallel_loop3A_218 = arith.constant 6 : i32
        %parallel_loop3A_219 = vector.broadcast %parallel_loop3A_218 : i32 to vector<16xi32>
        %parallel_loop3A_220 = arith.constant 14 : i32
        %parallel_loop3A_221 = vector.broadcast %parallel_loop3A_220 : i32 to vector<16xi32>
        tpu.vector_store_idx %arg6[%parallel_loop3A_219, %parallel_loop3A_113], %parallel_loop3A_205 {add = true} : memref<16x4096xf32, #tpu.memory_space<vmem>>[vector<16xi32>, vector<16xi32>], vector<16xf32>,
        tpu.vector_store_idx %arg6[%parallel_loop3A_221, %parallel_loop3A_113], %parallel_loop3A_202 {add = true} : memref<16x4096xf32, #tpu.memory_space<vmem>>[vector<16xi32>, vector<16xi32>], vector<16xf32>,
        tpu.vector_store_idx %arg6[%parallel_loop3A_219, %parallel_loop3A_117], %parallel_loop3A_205 {add = true} : memref<16x4096xf32, #tpu.memory_space<vmem>>[vector<16xi32>, vector<16xi32>], vector<16xf32>,
        tpu.vector_store_idx %arg6[%parallel_loop3A_221, %parallel_loop3A_117], %parallel_loop3A_203 {add = true} : memref<16x4096xf32, #tpu.memory_space<vmem>>[vector<16xi32>, vector<16xi32>], vector<16xf32>,
        tpu.vector_store_idx %arg6[%parallel_loop3A_219, %parallel_loop3A_121], %parallel_loop3A_205 {add = true} : memref<16x4096xf32, #tpu.memory_space<vmem>>[vector<16xi32>, vector<16xi32>], vector<16xf32>,
        tpu.vector_store_idx %arg6[%parallel_loop3A_221, %parallel_loop3A_121], %parallel_loop3A_204 {add = true} : memref<16x4096xf32, #tpu.memory_space<vmem>>[vector<16xi32>, vector<16xi32>], vector<16xf32>,
        %parallel_loop3A_222 = arith.constant 7 : i32
        %parallel_loop3A_223 = vector.broadcast %parallel_loop3A_222 : i32 to vector<16xi32>
        %parallel_loop3A_224 = arith.constant 15 : i32
        %parallel_loop3A_225 = vector.broadcast %parallel_loop3A_224 : i32 to vector<16xi32>
        tpu.vector_store_idx %arg6[%parallel_loop3A_223, %parallel_loop3A_113], %parallel_loop3A_209 {add = true} : memref<16x4096xf32, #tpu.memory_space<vmem>>[vector<16xi32>, vector<16xi32>], vector<16xf32>,
        tpu.vector_store_idx %arg6[%parallel_loop3A_225, %parallel_loop3A_113], %parallel_loop3A_206 {add = true} : memref<16x4096xf32, #tpu.memory_space<vmem>>[vector<16xi32>, vector<16xi32>], vector<16xf32>,
        tpu.vector_store_idx %arg6[%parallel_loop3A_223, %parallel_loop3A_117], %parallel_loop3A_209 {add = true} : memref<16x4096xf32, #tpu.memory_space<vmem>>[vector<16xi32>, vector<16xi32>], vector<16xf32>,
        tpu.vector_store_idx %arg6[%parallel_loop3A_225, %parallel_loop3A_117], %parallel_loop3A_207 {add = true} : memref<16x4096xf32, #tpu.memory_space<vmem>>[vector<16xi32>, vector<16xi32>], vector<16xf32>,
        tpu.vector_store_idx %arg6[%parallel_loop3A_223, %parallel_loop3A_121], %parallel_loop3A_209 {add = true} : memref<16x4096xf32, #tpu.memory_space<vmem>>[vector<16xi32>, vector<16xi32>], vector<16xf32>,
        tpu.vector_store_idx %arg6[%parallel_loop3A_225, %parallel_loop3A_121], %parallel_loop3A_208 {add = true} : memref<16x4096xf32, #tpu.memory_space<vmem>>[vector<16xi32>, vector<16xi32>], vector<16xf32>,
      } {sc.loop_unroll_factor = 2 : i64, sc.parallel_access}
      %mul3A_79 = arith.constant 8 : i32
      %mul3A_80 = arith.muli %add3A_48, %mul3A_79 : i32
      %add3A_81 = arith.constant 0 : i32
      %add3A_82 = arith.addi %add3A_81, %mul3A_80 : i32
      %dma_start3A_83 = arith.constant 0 : i32
      %dma_start3A_84 = arith.constant 0 : i32
      %dma_start3A_85 = tpu.memref_slice %arg6[%dma_start3A_83, %dma_start3A_84] : memref<16x4096xf32, #tpu.memory_space<vmem>> -> memref<8x4096xf32, #tpu.memory_space<vmem>>
      %dma_start3A_86 = arith.constant 0 : i32
      %dma_start3A_87 = tpu.memref_slice %arg4[%add3A_82, %dma_start3A_86] : memref<16384x4096xf32, #tpu.memory_space<hbm>> -> memref<8x4096xf32, #tpu.memory_space<hbm>>
      %dma_start3A_88 = arith.constant 0 : i32
      %dma_start3A_89 = tpu.memref_slice %arg4[%add3A_82, %dma_start3A_88] : memref<16384x4096xf32, #tpu.memory_space<hbm>> -> memref<8x4096xf32, #tpu.memory_space<hbm>>
      %dma_start3A_90 = arith.constant 0 : i32
      %dma_start3A_91 = arith.constant 0 : i32
      %dma_start3A_92 = tpu.memref_slice %arg6[%dma_start3A_90, %dma_start3A_91] : memref<16x4096xf32, #tpu.memory_space<vmem>> -> memref<8x4096xf32, #tpu.memory_space<vmem>>
      tpu.enqueue_dma source(%dma_start3A_92 : memref<8x4096xf32, #tpu.memory_space<vmem>>) target(%dma_start3A_89 : memref<8x4096xf32, #tpu.memory_space<hbm>>) target_semaphore(%arg8 : memref<!tpu.dma_semaphore, #tpu.memory_space<semaphore_mem>>)
      %mul3A_93 = arith.constant 8 : i32
      %mul3A_94 = arith.muli %add3A_48, %mul3A_93 : i32
      %add3A_95 = arith.constant 8192 : i32
      %add3A_96 = arith.addi %add3A_95, %mul3A_94 : i32
      %dma_start3A_97 = arith.constant 8 : i32
      %dma_start3A_98 = arith.constant 0 : i32
      %dma_start3A_99 = tpu.memref_slice %arg6[%dma_start3A_97, %dma_start3A_98] : memref<16x4096xf32, #tpu.memory_space<vmem>> -> memref<8x4096xf32, #tpu.memory_space<vmem>>
      %dma_start3A_100 = arith.constant 0 : i32
      %dma_start3A_101 = tpu.memref_slice %arg4[%add3A_96, %dma_start3A_100] : memref<16384x4096xf32, #tpu.memory_space<hbm>> -> memref<8x4096xf32, #tpu.memory_space<hbm>>
      %dma_start3A_102 = arith.constant 0 : i32
      %dma_start3A_103 = tpu.memref_slice %arg4[%add3A_96, %dma_start3A_102] : memref<16384x4096xf32, #tpu.memory_space<hbm>> -> memref<8x4096xf32, #tpu.memory_space<hbm>>
      %dma_start3A_104 = arith.constant 8 : i32
      %dma_start3A_105 = arith.constant 0 : i32
      %dma_start3A_106 = tpu.memref_slice %arg6[%dma_start3A_104, %dma_start3A_105] : memref<16x4096xf32, #tpu.memory_space<vmem>> -> memref<8x4096xf32, #tpu.memory_space<vmem>>
      tpu.enqueue_dma source(%dma_start3A_106 : memref<8x4096xf32, #tpu.memory_space<vmem>>) target(%dma_start3A_103 : memref<8x4096xf32, #tpu.memory_space<hbm>>) target_semaphore(%arg9 : memref<!tpu.dma_semaphore, #tpu.memory_space<semaphore_mem>>)
    }
    %scan3A_6 = arith.constant 32 : i32
    %mul3A_7 = arith.constant 32 : i32
    %mul3A_8 = arith.muli %add3A, %mul3A_7 : i32
    %add3A_9 = arith.constant 32 : i32
    %add3A_10 = arith.addi %mul3A_8, %add3A_9 : i32
    %sub3A = arith.constant 1 : i32
    %sub3A_11 = arith.subi %add3A_10, %sub3A : i32
    %mul3A_12 = arith.constant 8 : i32
    %mul3A_13 = arith.muli %sub3A_11, %mul3A_12 : i32
    %add3A_14 = arith.constant 0 : i32
    %add3A_15 = arith.addi %add3A_14, %mul3A_13 : i32
    %dma_wait3A = arith.constant 0 : i32
    %dma_wait3A_16 = arith.constant 0 : i32
    %dma_wait3A_17 = tpu.memref_slice %arg6[%dma_wait3A, %dma_wait3A_16] : memref<16x4096xf32, #tpu.memory_space<vmem>> -> memref<8x4096xf32, #tpu.memory_space<vmem>>
    %dma_wait3A_18 = arith.constant 0 : i32
    %dma_wait3A_19 = tpu.memref_slice %arg4[%add3A_15, %dma_wait3A_18] : memref<16384x4096xf32, #tpu.memory_space<hbm>> -> memref<8x4096xf32, #tpu.memory_space<hbm>>
    %dma_wait3A_20 = arith.constant 0 : i32
    %dma_wait3A_21 = tpu.memref_slice %arg4[%add3A_15, %dma_wait3A_20] : memref<16384x4096xf32, #tpu.memory_space<hbm>> -> memref<8x4096xf32, #tpu.memory_space<hbm>>
    %dma_wait3A_22 = arith.constant 0 : i32
    %dma_wait3A_23 = arith.constant 0 : i32
    %dma_wait3A_24 = tpu.memref_slice %arg6[%dma_wait3A_22, %dma_wait3A_23] : memref<16x4096xf32, #tpu.memory_space<vmem>> -> memref<8x4096xf32, #tpu.memory_space<vmem>>
    tpu.wait_dma2 semaphore(%arg8 : memref<!tpu.dma_semaphore, #tpu.memory_space<semaphore_mem>>) src(%dma_wait3A_24 : memref<8x4096xf32, #tpu.memory_space<vmem>>) dst(%dma_wait3A_21 : memref<8x4096xf32, #tpu.memory_space<hbm>>)
    %mul3A_25 = arith.constant 32 : i32
    %mul3A_26 = arith.muli %add3A, %mul3A_25 : i32
    %add3A_27 = arith.constant 32 : i32
    %add3A_28 = arith.addi %mul3A_26, %add3A_27 : i32
    %sub3A_29 = arith.constant 1 : i32
    %sub3A_30 = arith.subi %add3A_28, %sub3A_29 : i32
    %mul3A_31 = arith.constant 8 : i32
    %mul3A_32 = arith.muli %sub3A_30, %mul3A_31 : i32
    %add3A_33 = arith.constant 8192 : i32
    %add3A_34 = arith.addi %add3A_33, %mul3A_32 : i32
    %dma_wait3A_35 = arith.constant 8 : i32
    %dma_wait3A_36 = arith.constant 0 : i32
    %dma_wait3A_37 = tpu.memref_slice %arg6[%dma_wait3A_35, %dma_wait3A_36] : memref<16x4096xf32, #tpu.memory_space<vmem>> -> memref<8x4096xf32, #tpu.memory_space<vmem>>
    %dma_wait3A_38 = arith.constant 0 : i32
    %dma_wait3A_39 = tpu.memref_slice %arg4[%add3A_34, %dma_wait3A_38] : memref<16384x4096xf32, #tpu.memory_space<hbm>> -> memref<8x4096xf32, #tpu.memory_space<hbm>>
    %dma_wait3A_40 = arith.constant 0 : i32
    %dma_wait3A_41 = tpu.memref_slice %arg4[%add3A_34, %dma_wait3A_40] : memref<16384x4096xf32, #tpu.memory_space<hbm>> -> memref<8x4096xf32, #tpu.memory_space<hbm>>
    %dma_wait3A_42 = arith.constant 8 : i32
    %dma_wait3A_43 = arith.constant 0 : i32
    %dma_wait3A_44 = tpu.memref_slice %arg6[%dma_wait3A_42, %dma_wait3A_43] : memref<16x4096xf32, #tpu.memory_space<vmem>> -> memref<8x4096xf32, #tpu.memory_space<vmem>>
    tpu.wait_dma2 semaphore(%arg9 : memref<!tpu.dma_semaphore, #tpu.memory_space<semaphore_mem>>) src(%dma_wait3A_44 : memref<8x4096xf32, #tpu.memory_space<vmem>>) dst(%dma_wait3A_41 : memref<8x4096xf32, #tpu.memory_space<hbm>>)
    return
  }
}

</mosaic_0001>

<sc_bundles>
// kernel: gather_offload_async_start.1
scs
__scs_entry_jumppad:
0x0: {  	(pc) =	sbr.rel $0x88, $3  }
0x1: {  	(tag) =	ssettag $0x0;
	lr =	simm.s32 $0x1  }
0x2: {  	[smem:$0x3F9F] =	sst lr;
	_ =	strace $0xD0000000  }
0x3: {  	_ = 	snop  }
0x4: {  	_ = 	snop  }
0x5: {  	_ = 	snop  }
0x6: {  	_ = 	snop  }
0x7: {  	_ = 	snop  }
__scs_overlays_trampoline_lowered:
0x8: {  	[smem:$0x3FAE] =	sst s0  }
0x9: {  	[smem:$0x3FAF] =	sst s1  }
0xa: {  	[smem:$0x3FB0] =	sst s2  }
0xb: {  	[smem:$0x3FB1] =	sst s3  }
0xc: {  	[smem:$0x3FB2] =	sst s4  }
0xd: {  	[smem:$0x3FB3] =	sst s5  }
0xe: {  	[smem:$0x3FB4] =	sst s6  }
0xf: {  	[smem:$0x3FB5] =	sst s7  }
0x10: {  	[smem:$0x3FB6] =	sst s8  }
0x11: {  	[smem:$0x3FB7] =	sst s9;
	s0 =	simm.s32 @!p0 $0x0  }
0x12: {  	s1 =	sld [smem:$0x3F9D];
	s0 =	simm.s32 @p0 $0x1  }
0x13: {  	[smem:$0x3FB8] =	sst s0;
	s0 =	simm.s32 @!p1 $0x0  }
0x14: {  	s2 =	sld [smem:$0x3F9C];
	s0 =	simm.s32 @p1 $0x1  }
0x15: {  	[smem:$0x3FB9] =	sst s0;
	s0 =	simm.s32 @!p2 $0x0  }
0x16: {  	s3 =	sld [smem:$0x3FDB];
	s0 =	simm.s32 @p2 $0x1  }
0x17: {  	s4 =	simm.s32 $0x1BF5;
	[smem:$0x3FBB] =	sst s0  }
0x18: {  	s0 =	sld [smem:$0x3F9E];
	_ =	swait.ge [sflag:s4], $0x0  }
0x19: {  	s7 =	sld [smem:$0x3F9F]  }
0x1a: {  	s8 =	sadd.s32 $0xFFFFE003, lr  }
0x1b: {  	s9 =	sadd.s32 $0xFFFFFEF7, lr;
	s5 =	simm.s32 $0xFFFFFFFF;
	p2 =	slt.u32 s8, $0xFFFFF086  }
0x1c: {  	p1 =	slt.u32 s9, $0xF7A;
	s5 =	simm.s32 @!p2 $0x0  }
0x1d: {  	s5 =	simm.s32 @p1 $0x1;
	p0 =	seq.s32 s7, s2  }
0x1e: {  	s7 =	smul.u32 @!p0 $0xF7A, s2;
	p2 =	seq.s32 @!p0 s5, $0x0  }
0x1f: {  	s9 =	smul.u32 $0xF7A, s1;
	s8 =	simm.s32 @!p0 $0x1BF5;
	p2 =	por !p2, p0  }
0x20: {  	[sflag:s8] =	ssyncset.s32 @!p0 $0xFFFFF086;
	s6 =	sadd.s32 @!p0 s3, s7;
	s7 =	simm.s32 @!p0 $0x108  }
0x21: {  	s3 =	sadd.s32 s3, s9;
	s6 =	sadd.s32 @!p0 $0x88, s6;
	s7 =	simm.s32 @p2 $0x1082  }
0x22: {  	[simem:s7], [sflag:s8] =	dma.local @!p0 [hbm:s6], $0xF7A  }
0x23: {  	s9 =	sor.u32 $0xD0000000, s2;
	s6 =	simm.s32 $0x108;
	_ =	swait.ge @!p0 [sflag:s8], $0x0  }
0x24: {  	s3 =	sadd.s32 $0x88, s3;
	s6 =	simm.s32 @!p1 $0x1082;
	[sflag:s4] =	ssyncset.s32 $0xFFFFF086  }
0x25: {  	[simem:s6], [sflag:s4] =	dma.local [hbm:s3], $0xF7A  }
0x26: {  	[smem:$0x3F9F] =	sst s1;
	(tag) =	ssettag s2;
	_ =	strace s9  }
0x27: {  	s1 =	sld [smem:$0x3FAF]  }
0x28: {  	s2 =	sld [smem:$0x3FB0]  }
0x29: {  	s4 =	sld [smem:$0x3FB2]  }
0x2a: {  	p0 =	seq.s32 s5, $0x0;
	s5 =	sld [smem:$0x3FB3]  }
0x2b: {  	s6 =	sld [smem:$0x3FB4]  }
0x2c: {  	s7 =	sld [smem:$0x3FB5]  }
0x2d: {  	s3 =	simm.s32 $0x108;
	s8 =	sld [smem:$0x3FB6]  }
0x2e: {  	s3 =	simm.s32 @!p0 $0x1082;
	s9 =	sld [smem:$0x3FB7]  }
0x2f: {  	lr =	sadd.s32 s0, s3;
	s0 =	sld [smem:$0x3FAE]  }
0x30: {  	s3 =	sld [smem:$0x3FB1]  }
0x31: {  	[smem:$0x3FBA] =	sst s10  }
0x32: {  	s10 =	sld [smem:$0x3FB8];
	_ =	sdelay $0x3  }
0x33: {  	p0 =	seq.s32 s10, $0x1;
	s10 =	sld [smem:$0x3FBA];
	_ =	sdelay $0x3  }
0x34: {  	[smem:$0x3FBA] =	sst s10  }
0x35: {  	s10 =	sld [smem:$0x3FB9];
	_ =	sdelay $0x3  }
0x36: {  	p1 =	seq.s32 s10, $0x1;
	s10 =	sld [smem:$0x3FBA];
	_ =	sdelay $0x3  }
0x37: {  	[smem:$0x3FBA] =	sst s10  }
0x38: {  	s10 =	sld [smem:$0x3FBB]  }
0x39: {  	_ = 	snop;
	(pc) =	sbr.ind lr, $3  }
0x3a: {  	_ = 	snop  }
0x3b: {  	_ = 	snop  }
0x3c: {  	p2 =	seq.s32 s10, $0x1;
	s10 =	sld [smem:$0x3FBA]  }
0x3d: {  	_ =	shalt  }
0x3e: {  	_ =	shalt  }
0x3f: {  	_ =	shalt  }
0x40: {  	_ =	shalt  }
0x41: {  	_ =	shalt  }
0x42: {  	_ =	shalt  }
0x43: {  	_ =	shalt  }
0x44: {  	_ =	shalt  }
0x45: {  	_ =	shalt  }
0x46: {  	_ =	shalt  }
0x47: {  	_ =	shalt  }
0x48: {  	_ =	shalt  }
0x49: {  	_ =	shalt  }
0x4a: {  	_ =	shalt  }
0x4b: {  	_ =	shalt  }
0x4c: {  	_ =	shalt  }
0x4d: {  	_ =	shalt  }
0x4e: {  	_ =	shalt  }
0x4f: {  	_ =	shalt  }
0x50: {  	_ =	shalt  }
0x51: {  	_ =	shalt  }
0x52: {  	_ =	shalt  }
0x53: {  	_ =	shalt  }
0x54: {  	_ =	shalt  }
0x55: {  	_ =	shalt  }
0x56: {  	_ =	shalt  }
0x57: {  	_ =	shalt  }
0x58: {  	_ =	shalt  }
0x59: {  	_ =	shalt  }
0x5a: {  	_ =	shalt  }
0x5b: {  	_ =	shalt  }
0x5c: {  	_ =	shalt  }
0x5d: {  	_ =	shalt  }
0x5e: {  	_ =	shalt  }
0x5f: {  	_ =	shalt  }
0x60: {  	_ =	shalt  }
0x61: {  	_ =	shalt  }
0x62: {  	_ =	shalt  }
0x63: {  	_ =	shalt  }
0x64: {  	_ =	shalt  }
0x65: {  	_ =	shalt  }
0x66: {  	_ =	shalt  }
0x67: {  	_ =	shalt  }
0x68: {  	_ =	shalt  }
0x69: {  	_ =	shalt  }
0x6a: {  	_ =	shalt  }
0x6b: {  	_ =	shalt  }
0x6c: {  	_ =	shalt  }
0x6d: {  	_ =	shalt  }
0x6e: {  	_ =	shalt  }
0x6f: {  	_ =	shalt  }
0x70: {  	_ =	shalt  }
0x71: {  	_ =	shalt  }
0x72: {  	_ =	shalt  }
0x73: {  	_ =	shalt  }
0x74: {  	_ =	shalt  }
0x75: {  	_ =	shalt  }
0x76: {  	_ =	shalt  }
0x77: {  	_ =	shalt  }
0x78: {  	_ =	shalt  }
0x79: {  	_ =	shalt  }
0x7a: {  	_ =	shalt  }
0x7b: {  	_ =	shalt  }
0x7c: {  	_ =	shalt  }
0x7d: {  	_ =	shalt  }
0x7e: {  	_ =	shalt  }
0x7f: {  	_ =	shalt  }
0x80: {  	_ =	shalt  }
0x81: {  	_ =	shalt  }
0x82: {  	_ =	shalt  }
0x83: {  	_ =	shalt  }
0x84: {  	_ =	shalt  }
0x85: {  	_ =	shalt  }
0x86: {  	_ =	shalt  }
0x87: {  	_ =	shalt  }
.Lfunc_end0:
.L_simem_size_0:
called_computation.1_lowered:
.L_overlay_start_0:
0x88: {  	s2 =	sld [smem:$0x3FD9]  }
0x89: {  	s3 =	sld [smem:$0x3FFE];
	_ =	sdelay $0x1  }
0x8a: {  	s1 =	srdreg.scid  }
0x8b: {  	s0 =	sand.u32 $0x1, s1  }
0x8c: {  	s16 =	sshll.u32 s0, $0xA;
	s2 =	sadd.s32 s3, s2  }
0x8d: {  	s2 =	sadd.s32 s2, s16  }
0x8e: {  	[smem:$0x3FC6] =	sst s2  }
0x8f: {  	_ = 	snop  }
0x90: {  	(tm) =	ssettm $0x1  }
0x91: {  	s17 =	sld [smem:$0x3FFB];
	_ =	sdelay $0x3  }
0x92: {  	_ =	strace s17  }
0x93: {  	s2 =	sld [smem:$0x3FFC];
	_ =	sdelay $0x3  }
0x94: {  	_ =	strace s2  }
0x95: {  	s2 =	sld [smem:$0x3FFD];
	_ =	sdelay $0x3  }
0x96: {  	_ =	strace s2  }
0x97: {  	_ =	strace $0x8FFFFFFF  }
0x98: {  	s18 =	sld [smem:$0x3FDB];
	_ =	sdelay $0x1  }
0x99: {  	s19 =	simm.s32 $_scs_section_size  }
0x9a: {  	s4 =	simm.s32 $_size__tile_overlayer_lowered;
	s5 =	simm.s32 $_tile_overlayer_lowered  }
0x9b: {  	s22 =	simm.s32 $0x1BFF;
	s21 =	sshll.u32 s5, $0x1;
	s2 =	sadd.s32 s19, s18  }
0x9c: {  	s6 =	simm.s32 $0x0;
	s20 =	sshll.u32 s4, $0x1;
	s4 =	sadd.s32 s21, s2  }
0x9d: {  	[timem:s6], [sflag:s22] =	dma.local [hbm:s4], s20  }
0x9e: {  	_ =	swait.ge [sflag:s22], s20  }
0x9f: {  	s3 =	ssub.s32 $0x0, s20;
	[sflag:s22] =	ssyncset.done $0x0  }
0xa0: {  	[sflag:s22] =	ssyncadd.s32 s3;
	_ =	sdelay $0x1  }
0xa1: {  	s23 =	simm.s32 $0x1B8B  }
0xa2: {  	_ =	swait.ge [sflag:s23], $0x1  }
0xa3: {  	[sflag:s23] =	ssyncset.done $0x0  }
0xa4: {  	s25 =	simm.s32 $0x1B8E;
	s24 =	sld [smem:$0x3FFE];
	[sflag:s23] =	ssyncadd.s32 $0xFFFFFFFF  }
0xa5: {  	s26 =	simm.s32 $execute0_lowered;
	[smem:$0x3FD2] =	sst s25  }
0xa6: {  	s4 =	sshll.u32 s26, $0x1;
	_ =	strace $0x80000046;
	[dreg:$0x1] =	wrdreg $0xFFFFFFFF  }
0xa7: {  	s28 =	simm.s32 $_size_execute0_lowered;
	s2 =	sadd.s32 s2, s4;
	[dreg:$0x0] =	wrdreg $0x0  }
0xa8: {  	s4 =	sshll.u32 s28, $0x1;
	[dreg:$0x2] =	wrdreg s2  }
0xa9: {  	[dreg:$0x3] =	wrdreg s4  }
0xaa: {  	[dreg:$0x4] =	wrdreg $0xC0  }
0xab: {  	_ =	task [dreg:s6], $0x5FFFF  }
0xac: {  	[dreg:$0x1] =	wrdreg $0xFFFFFFFF  }
0xad: {  	[dreg:$0x0] =	wrdreg $0x60  }
0xae: {  	[dreg:$0x2] =	wrdreg s24  }
0xaf: {  	[dreg:$0x3] =	wrdreg $0xA  }
0xb0: {  	_ =	task.clear_ibuf [dreg:s6], $0x4FFFF;
	_ =	strace $0x90000046  }
0xb1: {  	s29 =	simm.s32 $0xA;
	_ =	strace $0x80000048  }
0xb2: {  	_ =	swait.ge [sflag:s29], $0x1  }
0xb3: {  	[sflag:s29] =	ssyncadd.s32 $0xFFFFFFFF  }
0xb4: {  	_ =	strace $0x90000048  }
0xb5: {  	_ =	sfence  }
0xb6: {  	s30 =	sld [smem:$0x0];
	_ =	sdelay $0x2  }
0xb7: {  	s31 =	sshll.u32 s1, $0xD;
	s1 =	sshrl.u32 s1, $0x2  }
0xb8: {  	s3 =	sand.u32 $0x4000, s31;
	s1 =	sadd.s32 s1, s30  }
0xb9: {  	s0 =	sor.u32 s3, s0;
	s1 =	sshll.u32 s1, $0x11  }
0xba: {  	s0 =	sor.u32 s1, s0  }
0xbb: {  	s0 =	sadd.s32 $0x8F2B, s0  }
0xbc: {  	[sflag:s0] =	ssyncadd.remote.s32 $0x1  }
0xbd: {  	_ =	sfence.sel $0xFFFF  }
0xbe: {  	[dreg:$0x0] =	wrdreg $0xFFFFFFFF;
	(pc) =	sbr.abs _section_cstart, $3  }
0xbf: {  	[dreg:$0x1] =	wrdreg $0xFFFFFFFF  }
0xc0: {  	_ =	task.clear_ibuf [dreg:s6], $0x2FFFF;
	_ =	strace $0x9FFFFFFF  }
0xc1: {  	(tm) =	ssettm $0x7FFFFFFF  }
tec
execute0_lowered:
.L_overlay_start_1:
0x0: {  	(tag) =	ssettag $0x1  }
0x1: {  	s1 =	srdreg.scid  }
0x2: {  	s0 =	stileid.u32;
	s2 =	rddreg [dreg:$0x0];
	s6 =	simm.s32 $0x1  }
0x3: {  	s9 =	simm.s32 $0x1;
	s10 =	simm.s32 $0x3;
	s1 =	sshll.u32 s1, $0x6  }
0x4: {  	s13 =	simm.s32 $0x0;
	s3 =	sshll.u32 s0, $0x7;
	s4 =	sand.u32 $0x40, s1  }
0x5: {  	s12 =	simm.s32 $0x0;
	s5 =	sadd.s32 $0xA00, s2;
	s3 =	sor.u32 s3, s4  }
0x6: {  	s1 =	rddreg [dreg:$0x1];
	_ =	strace $0x80000047;
	s8 =	ssub.s32 $0x1000, s3  }
.Ltmp0:
0x7: {  	s4 =	sadd.s32 $0x800, s2;
	s7 =	sand.u32 $0x7C0, s8;
	(pc) =	sbr.rel .LBB2_1-.Ltmp0, $4  }
0x8: {  	[sflag:s6] =	ssyncpa.u1 $0x0;
	s11 =	smov.u32 s3;
	p0 =	sne.s32 s7, $0x0  }
0x9: {  	s8 =	sshrl.u32 s8, $0xB;
	s7 =	simm.s32 $0x2;
	s9 =	simm.s32 @!p0 $0x0  }
0xa: {  	[sflag:s7] =	ssyncpa.u1 $0x0;
	p0 =	por $0x0, $0x0;
	s8 =	sadd.s32 s9, s8  }
0xb: {  	vm0 =	vmmov $0xffff;
	[sflag:s10] =	ssyncpa.u1 $0x0;
	s10 =	simm.s32 $0x0;
	s9 =	sadd.s32 $0x1, s8  }
.LBB2_4:
0xc: {  	v2 =	vnsel vm1, $0x0, v2  }
0xd: {  	vm1 =	vgt.s32 v0, $0x0;
	v2 =	vmin.u32 v2, $0xFFF  }
0xe: {  	v0 =	vnsel vm1, $0x0, v0  }
0xf: {  	v0 =	vmin.u32 v0, $0xFFF  }
0x10: {  	[tilespmem:s15], [sflag:$0x1] =	stream.indirect_vreg.gather [hbm4b:s2+s10], $0x1, v1, vm0, $0x4038;
	[tilespmem:$0x100] =	vst v63  }
0x11: {  	(ifvalue) =	ssetifvalue $0x7FFFFFFF  }
0x12: {  	[tilespmem:s16], [sflag:$0x1] =	stream.indirect_vreg.gather [hbm4b:s2+s10], $0x1, v2, vm0, $0x4038;
	[tilespmem:$0x100] =	vst v63  }
0x13: {  	s29 =	sadd.s32 $0x10, s16;
	(ifvalue) =	ssetifvalue $0x7FFFFFFF  }
0x14: {  	[tilespmem:s29], [sflag:$0x1] =	stream.indirect_vreg.gather [hbm4b:s2+s10], $0x1, v0, vm0, $0x4038;
	[tilespmem:$0x100] =	vst v63  }
0x15: {  	_ =	swait.ge [sflag:s6], $0x40  }
0x16: {  	s30 =	sshrl.u32 s13, $0x3;
	[sflag:s6] =	ssyncset.done $0x0  }
0x17: {  	s31 =	sand.u32 $0x7, s13;
	s15 =	sadd.s32 s5, s30;
	[sflag:s6] =	ssyncadd.s32 $0xFFFFFFC0  }
0x18: {  	[hbm4b:s15+s31] =	stream.linear.scatter [tilespmem:s14], [sflag:$0x3], $0x40, $0x38;
	[tilespmem:$0x100] =	vst v63  }
.LBB2_5:
0x19: {  	s15 =	sadd.s32 $0x800, s11  }
0x1a: {  	p2 =	sgt.s32 s15, $0xFFF  }
0x1b: {  	s15 =	smov.u32 @p2 s3;
	p2 =	sne.s32 s12, s9  }
.Ltmp1:
0x1c: {  	p1 =	slt.u32 s12, $0x2;
	(pc) =	sbr.rel @!p2 .LBB2_6-.Ltmp1, $4  }
0x1d: {  	s14 =	simm.s32 @!p1 $0x3  }
0x1e: {  	s16 =	sadd.s32 $0x1, s12;
	_ =	swait.ge @!p1 [sflag:s14], $0x40  }
0x1f: {  	s13 =	smov.u32 s11;
	p0 =	por !p0, !p0;
	[sflag:s14] =	ssyncset.done @!p1 $0x0  }
0x20: {  	s12 =	smov.u32 s16;
	s11 =	smov.u32 s15;
	[sflag:s14] =	ssyncadd.s32 @!p1 $0xFFFFFFC0  }
.LBB2_1:
0x21: {  	p1 =	sge.u32 s12, s8  }
0x22: {  	s14 =	sxor.u32 @!p1 $0xFFFFFFFF, s12  }
0x23: {  	s31 =	sadd.s32 $0xFFFFFFFF, s12;
	s15 =	sshrl.u32 @!p1 s11, $0x3;
	s14 =	sshll.u32 @!p1 s14, $0x6  }
0x24: {  	s16 =	sand.u32 @!p1 $0x7, s11;
	s15 =	sadd.s32 @!p1 s4, s15;
	s14 =	sand.u32 @!p1 $0x40, s14  }
0x25: {  	[tilespmem:s14], [sflag:$0x2] =	stream.linear.gather @!p1 [hbm4b:s15+s16], $0x40, $0x38;
	[tilespmem:$0x100] =	vst v63  }
0x26: {  	p1 =	sge.u32 s31, s8  }
.Ltmp2:
0x27: {  	_ = 	snop;
	(pc) =	sbr.rel @p1 .LBB2_5-.Ltmp2, $1  }
0x28: {  	_ =	sdelay $0x3  }
0x29: {  	s14 =	simm.s32 $0x1  }
0x2a: {  	_ =	swait.ge [sflag:s7], $0x40;
	s14 =	simm.s32 @!p0 $0x0  }
0x2b: {  	[sflag:s7] =	ssyncset.done $0x0;
	s14 =	sshll.u32 s14, $0x6  }
0x2c: {  	[sflag:s7] =	ssyncadd.s32 $0xFFFFFFC0;
	(ifvalue) =	ssetifvalue $0x7FFFFFFF;
	v0 =	vld.msk [tilespmem:s14+$0x0 ss:$0x1], $0xffff;
	_ =	sdelay $0x4  }
0x2d: {  	s15 =	sadd.s32 $0x10, s14;
	vm1 =	vgt.s32 v0, $0x0  }
0x2e: {  	v2 =	vld.msk [tilespmem:s15+$0x0 ss:$0x1], $0xffff;
	v1 =	vnsel vm1, $0x0, v0  }
0x2f: {  	v1 =	vmin.u32 v1, $0xFFF;
	_ =	sdelay $0x1  }
0x30: {  	s16 =	sshll.u32 s12, $0x6;
	s18 =	simm.s32 $0x20  }
0x31: {  	s16 =	sand.u32 $0x40, s16;
	s17 =	sadd.s32 $0x10, s15;
	s15 =	sor.u32 $0x80, s14  }
0x32: {  	s14 =	sor.u32 $0x80, s16;
	s16 =	sadd.s32 $0x10, s15;
	v0 =	vld.msk [tilespmem:s17+$0x0 ss:$0x1], $0xffff;
	vm1 =	vgt.s32 v2, $0x0;
	(ifvalue) =	ssetifvalue $0x7FFFFFFF  }
.LBB2_3:
0x33: {  	[tilespmem:s15], [sflag:$0x1] =	stream.indirect_vreg.gather [hbm4b:s2+s10], $0x1, v1, vm0, $0x4038;
	[tilespmem:$0x100] =	vst v63  }
0x34: {  	s18 =	sadd.s32 $0x10, s18  }
0x35: {  	v2 =	vnsel vm1, $0x0, v2;
	p1 =	slt.u32 s18, $0x30  }
.Ltmp3:
0x36: {  	s15 =	smov.u32 s16;
	v1 =	vmin.u32 v2, $0xFFF;
	(pc) =	sbr.rel @p1 .LBB2_3-.Ltmp3, $3  }
0x37: {  	_ =	sdelay $0x1  }
0x38: {  	s17 =	sadd.s32 $0x10, s17  }
0x39: {  	vm1 =	vgt.s32 v0, $0x0;
	s16 =	sadd.s32 $0x10, s16;
	v2 =	vmov v0;
	(ifvalue) =	ssetifvalue $0x7FFFFFFF;
	v0 =	vld.msk [tilespmem:s17+$0x0 ss:$0x1], $0xffff  }
.Ltmp4:
0x3a: {  	_ = 	snop;
	(pc) =	sbr.rel .LBB2_4-.Ltmp4, $1  }
0x3b: {  	_ =	sdelay $0x3  }
.LBB2_6:
0x3c: {  	_ =	sfence.sel $0x180000  }
0x3d: {  	s2 =	simm.s32 $0x2;
	[bflag:$0x0] =	sbarrier.arrive $0xFFFF  }
0x3e: {  	s30 =	simm.s32 $0x3;
	[sflag:s2] =	ssyncpa.u1 $0x1  }
0x3f: {  	s31 =	simm.s32 $0x1;
	[sflag:s30] =	ssyncpa.u1 $0x1  }
0x40: {  	[sflag:s31] =	ssyncpa.u1 $0x1  }
0x41: {  	p0 =	sne.s32 s0, $0x0;
	_ =	strace $0x90000047  }
0x42: {  	s0 =	sadd.s32 @!p0 $0x100000, s1;
	[bflag:$0x2] =	sbarrier.arrive $0xFFFF  }
0x43: {  	[sflag:s0] =	ssyncadd.tile.s32 @!p0 $0x1;
	_ =	shalt  }
.Lfunc_end2:
_tile_overlayer_lowered:
.L_overlay_start_2:
0x44: {  	(tag) =	ssettag $0x2  }
0x45: {  	s0 =	rddreg [dreg:$0x0];
	s2 =	stileid.u32  }
0x46: {  	s1 =	rddreg [dreg:$0x1];
	p0 =	sne.s32 s2, $0x0  }
0x47: {  	s3 =	rddreg [dreg:$0x2];
	[bflag:$0x3] =	sbarrier.arrive $0xFFFF;
	s2 =	simm.s32 @!p0 $0x1C01  }
0x48: {  	[timem:s3], [sflag:s2] =	dma.local @!p0 [hbm:s0], s1  }
0x49: {  	s0 =	simm.s32 @!p0 $0x1  }
0x4a: {  	_ =	swait.ge @!p0 [sflag:s0], s1  }
0x4b: {  	s1 =	ssub.s32 @!p0 $0x0, s1;
	[sflag:s0] =	ssyncset.done @!p0 $0x0  }
0x4c: {  	[sflag:s0] =	ssyncadd.s32 @!p0 s1  }
0x4d: {  	[bflag:$0x3] =	sbarrier.arrive $0xFFFF  }
0x4e: {  	_ =	shalt  }

// kernel: gather_offload_async_start.2
scs
__scs_entry_jumppad:
0x0: {  	(pc) =	sbr.rel $0x88, $3  }
0x1: {  	(tag) =	ssettag $0x0;
	lr =	simm.s32 $0x1  }
0x2: {  	[smem:$0x3F9F] =	sst lr;
	_ =	strace $0xD0000000  }
0x3: {  	_ = 	snop  }
0x4: {  	_ = 	snop  }
0x5: {  	_ = 	snop  }
0x6: {  	_ = 	snop  }
0x7: {  	_ = 	snop  }
__scs_overlays_trampoline_lowered:
0x8: {  	[smem:$0x3FAE] =	sst s0  }
0x9: {  	[smem:$0x3FAF] =	sst s1  }
0xa: {  	[smem:$0x3FB0] =	sst s2  }
0xb: {  	[smem:$0x3FB1] =	sst s3  }
0xc: {  	[smem:$0x3FB2] =	sst s4  }
0xd: {  	[smem:$0x3FB3] =	sst s5  }
0xe: {  	[smem:$0x3FB4] =	sst s6  }
0xf: {  	[smem:$0x3FB5] =	sst s7  }
0x10: {  	[smem:$0x3FB6] =	sst s8  }
0x11: {  	[smem:$0x3FB7] =	sst s9;
	s0 =	simm.s32 @!p0 $0x0  }
0x12: {  	s1 =	sld [smem:$0x3F9D];
	s0 =	simm.s32 @p0 $0x1  }
0x13: {  	[smem:$0x3FB8] =	sst s0;
	s0 =	simm.s32 @!p1 $0x0  }
0x14: {  	s2 =	sld [smem:$0x3F9C];
	s0 =	simm.s32 @p1 $0x1  }
0x15: {  	[smem:$0x3FB9] =	sst s0;
	s0 =	simm.s32 @!p2 $0x0  }
0x16: {  	s3 =	sld [smem:$0x3FDB];
	s0 =	simm.s32 @p2 $0x1  }
0x17: {  	s4 =	simm.s32 $0x1BF5;
	[smem:$0x3FBB] =	sst s0  }
0x18: {  	s0 =	sld [smem:$0x3F9E];
	_ =	swait.ge [sflag:s4], $0x0  }
0x19: {  	s7 =	sld [smem:$0x3F9F]  }
0x1a: {  	s8 =	sadd.s32 $0xFFFFE003, lr  }
0x1b: {  	s9 =	sadd.s32 $0xFFFFFEF7, lr;
	s5 =	simm.s32 $0xFFFFFFFF;
	p2 =	slt.u32 s8, $0xFFFFF086  }
0x1c: {  	p1 =	slt.u32 s9, $0xF7A;
	s5 =	simm.s32 @!p2 $0x0  }
0x1d: {  	s5 =	simm.s32 @p1 $0x1;
	p0 =	seq.s32 s7, s2  }
0x1e: {  	s7 =	smul.u32 @!p0 $0xF7A, s2;
	p2 =	seq.s32 @!p0 s5, $0x0  }
0x1f: {  	s9 =	smul.u32 $0xF7A, s1;
	s8 =	simm.s32 @!p0 $0x1BF5;
	p2 =	por !p2, p0  }
0x20: {  	[sflag:s8] =	ssyncset.s32 @!p0 $0xFFFFF086;
	s6 =	sadd.s32 @!p0 s3, s7;
	s7 =	simm.s32 @!p0 $0x108  }
0x21: {  	s3 =	sadd.s32 s3, s9;
	s6 =	sadd.s32 @!p0 $0x88, s6;
	s7 =	simm.s32 @p2 $0x1082  }
0x22: {  	[simem:s7], [sflag:s8] =	dma.local @!p0 [hbm:s6], $0xF7A  }
0x23: {  	s9 =	sor.u32 $0xD0000000, s2;
	s6 =	simm.s32 $0x108;
	_ =	swait.ge @!p0 [sflag:s8], $0x0  }
0x24: {  	s3 =	sadd.s32 $0x88, s3;
	s6 =	simm.s32 @!p1 $0x1082;
	[sflag:s4] =	ssyncset.s32 $0xFFFFF086  }
0x25: {  	[simem:s6], [sflag:s4] =	dma.local [hbm:s3], $0xF7A  }
0x26: {  	[smem:$0x3F9F] =	sst s1;
	(tag) =	ssettag s2;
	_ =	strace s9  }
0x27: {  	s1 =	sld [smem:$0x3FAF]  }
0x28: {  	s2 =	sld [smem:$0x3FB0]  }
0x29: {  	s4 =	sld [smem:$0x3FB2]  }
0x2a: {  	p0 =	seq.s32 s5, $0x0;
	s5 =	sld [smem:$0x3FB3]  }
0x2b: {  	s6 =	sld [smem:$0x3FB4]  }
0x2c: {  	s7 =	sld [smem:$0x3FB5]  }
0x2d: {  	s3 =	simm.s32 $0x108;
	s8 =	sld [smem:$0x3FB6]  }
0x2e: {  	s3 =	simm.s32 @!p0 $0x1082;
	s9 =	sld [smem:$0x3FB7]  }
0x2f: {  	lr =	sadd.s32 s0, s3;
	s0 =	sld [smem:$0x3FAE]  }
0x30: {  	s3 =	sld [smem:$0x3FB1]  }
0x31: {  	[smem:$0x3FBA] =	sst s10  }
0x32: {  	s10 =	sld [smem:$0x3FB8];
	_ =	sdelay $0x3  }
0x33: {  	p0 =	seq.s32 s10, $0x1;
	s10 =	sld [smem:$0x3FBA];
	_ =	sdelay $0x3  }
0x34: {  	[smem:$0x3FBA] =	sst s10  }
0x35: {  	s10 =	sld [smem:$0x3FB9];
	_ =	sdelay $0x3  }
0x36: {  	p1 =	seq.s32 s10, $0x1;
	s10 =	sld [smem:$0x3FBA];
	_ =	sdelay $0x3  }
0x37: {  	[smem:$0x3FBA] =	sst s10  }
0x38: {  	s10 =	sld [smem:$0x3FBB]  }
0x39: {  	_ = 	snop;
	(pc) =	sbr.ind lr, $3  }
0x3a: {  	_ = 	snop  }
0x3b: {  	_ = 	snop  }
0x3c: {  	p2 =	seq.s32 s10, $0x1;
	s10 =	sld [smem:$0x3FBA]  }
0x3d: {  	_ =	shalt  }
0x3e: {  	_ =	shalt  }
0x3f: {  	_ =	shalt  }
0x40: {  	_ =	shalt  }
0x41: {  	_ =	shalt  }
0x42: {  	_ =	shalt  }
0x43: {  	_ =	shalt  }
0x44: {  	_ =	shalt  }
0x45: {  	_ =	shalt  }
0x46: {  	_ =	shalt  }
0x47: {  	_ =	shalt  }
0x48: {  	_ =	shalt  }
0x49: {  	_ =	shalt  }
0x4a: {  	_ =	shalt  }
0x4b: {  	_ =	shalt  }
0x4c: {  	_ =	shalt  }
0x4d: {  	_ =	shalt  }
0x4e: {  	_ =	shalt  }
0x4f: {  	_ =	shalt  }
0x50: {  	_ =	shalt  }
0x51: {  	_ =	shalt  }
0x52: {  	_ =	shalt  }
0x53: {  	_ =	shalt  }
0x54: {  	_ =	shalt  }
0x55: {  	_ =	shalt  }
0x56: {  	_ =	shalt  }
0x57: {  	_ =	shalt  }
0x58: {  	_ =	shalt  }
0x59: {  	_ =	shalt  }
0x5a: {  	_ =	shalt  }
0x5b: {  	_ =	shalt  }
0x5c: {  	_ =	shalt  }
0x5d: {  	_ =	shalt  }
0x5e: {  	_ =	shalt  }
0x5f: {  	_ =	shalt  }
0x60: {  	_ =	shalt  }
0x61: {  	_ =	shalt  }
0x62: {  	_ =	shalt  }
0x63: {  	_ =	shalt  }
0x64: {  	_ =	shalt  }
0x65: {  	_ =	shalt  }
0x66: {  	_ =	shalt  }
0x67: {  	_ =	shalt  }
0x68: {  	_ =	shalt  }
0x69: {  	_ =	shalt  }
0x6a: {  	_ =	shalt  }
0x6b: {  	_ =	shalt  }
0x6c: {  	_ =	shalt  }
0x6d: {  	_ =	shalt  }
0x6e: {  	_ =	shalt  }
0x6f: {  	_ =	shalt  }
0x70: {  	_ =	shalt  }
0x71: {  	_ =	shalt  }
0x72: {  	_ =	shalt  }
0x73: {  	_ =	shalt  }
0x74: {  	_ =	shalt  }
0x75: {  	_ =	shalt  }
0x76: {  	_ =	shalt  }
0x77: {  	_ =	shalt  }
0x78: {  	_ =	shalt  }
0x79: {  	_ =	shalt  }
0x7a: {  	_ =	shalt  }
0x7b: {  	_ =	shalt  }
0x7c: {  	_ =	shalt  }
0x7d: {  	_ =	shalt  }
0x7e: {  	_ =	shalt  }
0x7f: {  	_ =	shalt  }
0x80: {  	_ =	shalt  }
0x81: {  	_ =	shalt  }
0x82: {  	_ =	shalt  }
0x83: {  	_ =	shalt  }
0x84: {  	_ =	shalt  }
0x85: {  	_ =	shalt  }
0x86: {  	_ =	shalt  }
0x87: {  	_ =	shalt  }
.Lfunc_end0:
.L_simem_size_0:
called_computation.2_lowered:
.L_overlay_start_0:
0x88: {  	s2 =	sld [smem:$0x3FD9]  }
0x89: {  	s3 =	sld [smem:$0x3FFE];
	_ =	sdelay $0x1  }
0x8a: {  	s1 =	srdreg.scid  }
0x8b: {  	s0 =	sand.u32 $0x1, s1  }
0x8c: {  	s17 =	sshll.u32 s0, $0xA;
	s2 =	sadd.s32 s3, s2  }
0x8d: {  	s2 =	sadd.s32 s2, s17  }
0x8e: {  	[smem:$0x3FC6] =	sst s2  }
0x8f: {  	_ = 	snop  }
0x90: {  	s2 =	sld [smem:$0x3FD0];
	(tm) =	ssettm $0x1  }
0x91: {  	s18 =	sld [smem:$0x3FFB];
	_ =	sdelay $0x3  }
0x92: {  	_ =	strace s18  }
0x93: {  	s3 =	sld [smem:$0x3FFC];
	_ =	sdelay $0x3  }
0x94: {  	_ =	strace s3  }
0x95: {  	s3 =	sld [smem:$0x3FFD];
	_ =	sdelay $0x3  }
0x96: {  	_ =	strace s3  }
0x97: {  	_ =	strace $0x8FFFFFFF  }
0x98: {  	s19 =	sld [smem:$0x3FDB];
	_ =	sdelay $0x1  }
0x99: {  	s4 =	simm.s32 $_scs_section_size  }
0x9a: {  	s5 =	simm.s32 $_size__tile_overlayer_lowered;
	s6 =	simm.s32 $_tile_overlayer_lowered  }
0x9b: {  	s22 =	simm.s32 $0x1BFF;
	s21 =	sshll.u32 s6, $0x1;
	s3 =	sadd.s32 s4, s19  }
0x9c: {  	s7 =	simm.s32 $0x0;
	s20 =	sshll.u32 s5, $0x1;
	s5 =	sadd.s32 s21, s3  }
0x9d: {  	[timem:s7], [sflag:s22] =	dma.local [hbm:s5], s20  }
0x9e: {  	_ =	swait.ge [sflag:s22], s20  }
0x9f: {  	s4 =	ssub.s32 $0x0, s20;
	[sflag:s22] =	ssyncset.done $0x0  }
0xa0: {  	[sflag:s22] =	ssyncadd.s32 s4;
	_ =	sdelay $0x1  }
0xa1: {  	s23 =	simm.s32 $0x1B8B  }
0xa2: {  	_ =	swait.ge [sflag:s23], $0x1  }
0xa3: {  	[sflag:s23] =	ssyncset.done $0x0  }
0xa4: {  	s25 =	simm.s32 $0x1B8E;
	s24 =	sld [smem:$0x3FFE];
	[sflag:s23] =	ssyncadd.s32 $0xFFFFFFFF  }
0xa5: {  	s26 =	simm.s32 $execute0_lowered;
	[smem:$0x3FD2] =	sst s25  }
0xa6: {  	s5 =	sshll.u32 s26, $0x1;
	_ =	strace $0x80000052;
	[dreg:$0x1] =	wrdreg $0xFFFFFFFF  }
0xa7: {  	s28 =	simm.s32 $_size_execute0_lowered;
	s3 =	sadd.s32 s3, s5;
	[dreg:$0x0] =	wrdreg $0x0  }
0xa8: {  	s5 =	sshll.u32 s28, $0x1;
	[dreg:$0x2] =	wrdreg s3  }
0xa9: {  	[dreg:$0x3] =	wrdreg s5  }
0xaa: {  	[dreg:$0x4] =	wrdreg $0xC0  }
0xab: {  	_ =	task [dreg:s7], $0x5FFFF  }
0xac: {  	[dreg:$0x1] =	wrdreg $0xFFFFFFFF  }
0xad: {  	[dreg:$0x0] =	wrdreg $0x60  }
0xae: {  	[dreg:$0x2] =	wrdreg s2  }
0xaf: {  	[dreg:$0x3] =	wrdreg s24  }
0xb0: {  	[dreg:$0x4] =	wrdreg $0x9  }
0xb1: {  	_ =	task.clear_ibuf [dreg:s7], $0x5FFFF;
	_ =	strace $0x90000052  }
0xb2: {  	s29 =	simm.s32 $0x9;
	_ =	strace $0x80000054  }
0xb3: {  	_ =	swait.ge [sflag:s29], $0x1  }
0xb4: {  	[sflag:s29] =	ssyncadd.s32 $0xFFFFFFFF  }
0xb5: {  	_ =	strace $0x90000054  }
0xb6: {  	_ =	sfence  }
0xb7: {  	s30 =	sld [smem:$0x0];
	_ =	sdelay $0x2  }
0xb8: {  	s31 =	sshll.u32 s1, $0xD;
	s1 =	sshrl.u32 s1, $0x2  }
0xb9: {  	s3 =	sand.u32 $0x4000, s31;
	s1 =	sadd.s32 s1, s30  }
0xba: {  	s0 =	sor.u32 s3, s0;
	s1 =	sshll.u32 s1, $0x11  }
0xbb: {  	s0 =	sor.u32 s1, s0  }
0xbc: {  	s0 =	sadd.s32 $0x8F2B, s0  }
0xbd: {  	[sflag:s0] =	ssyncadd.remote.s32 $0x1  }
0xbe: {  	_ =	sfence.sel $0xFFFF  }
0xbf: {  	[dreg:$0x0] =	wrdreg $0xFFFFFFFF;
	(pc) =	sbr.abs _section_cstart, $3  }
0xc0: {  	[dreg:$0x1] =	wrdreg $0xFFFFFFFF  }
0xc1: {  	_ =	task.clear_ibuf [dreg:s7], $0x2FFFF;
	_ =	strace $0x9FFFFFFF  }
0xc2: {  	(tm) =	ssettm $0x7FFFFFFF  }
0xc3: {  	_ =	shalt  }
tec
execute0_lowered:
.L_overlay_start_1:
0x0: {  	(tag) =	ssettag $0x1  }
0x1: {  	s2 =	rddreg [dreg:$0x0]  }
0x2: {  	s3 =	rddreg [dreg:$0x1]  }
0x3: {  	s0 =	rddreg [dreg:$0x2];
	s1 =	srdreg.scid;
	_ =	strace $0x80000053  }
0x4: {  	s4 =	simm.s32 $0x1;
	s9 =	simm.s32 $0x3;
	s5 =	sshll.u32 s1, $0x4  }
.Ltmp0:
0x5: {  	s1 =	stileid.u32;
	s5 =	sand.u32 $0x10, s5;
	(pc) =	sbr.rel .LBB2_1-.Ltmp0, $4  }
0x6: {  	s12 =	simm.s32 $0x0;
	s10 =	simm.s32 $0x0;
	s6 =	sor.u32 s1, s5  }
0x7: {  	[sflag:s4] =	ssyncpa.u1 $0x0;
	s5 =	simm.s32 $0x2;
	s6 =	sshll.u32 s6, $0x7  }
0x8: {  	s7 =	sadd.s32 $0x200, s3;
	[sflag:s5] =	ssyncpa.u1 $0x0;
	s8 =	sadd.s32 $0x80, s6  }
0x9: {  	vm0 =	vmmov $0xff;
	vm1 =	vcmask $0x3F20;
	[sflag:s9] =	ssyncpa.u1 $0x0;
	s9 =	simm.s32 $0x80;
	s11 =	smov.u32 s6  }
.LBB2_9:
0xa: {  	p0 =	seq.s32 s10, $0x2  }
.Ltmp1:
0xb: {  	_ = 	snop;
	(pc) =	sbr.rel @p0 .LBB2_11-.Ltmp1, $1  }
0xc: {  	_ =	sdelay $0x3  }
.LBB2_10:
0xd: {  	s12 =	sadd.s32 $0x80, s11  }
0xe: {  	s13 =	smov.u32 s6;
	p0 =	slt.s32 s12, s8  }
0xf: {  	s13 =	smov.u32 @p0 s12  }
0x10: {  	s10 =	sadd.s32 $0x1, s10;
	s12 =	smov.u32 s11;
	s11 =	smov.u32 s13  }
.LBB2_1:
0x11: {  	p0 =	sne.s32 s10, $0x0  }
.Ltmp2:
0x12: {  	_ = 	snop;
	(pc) =	sbr.rel @!p0 .LBB2_2-.Ltmp2, $1  }
0x13: {  	_ =	sdelay $0x3  }
0x14: {  	s13 =	sand.u32 $0x1, s10  }
0x15: {  	p0 =	seq.s32 s13, $0x0  }
.Ltmp3:
0x16: {  	_ = 	snop;
	(pc) =	sbr.rel @p0 .LBB2_9-.Ltmp3, $1  }
0x17: {  	_ =	sdelay $0x3  }
0x18: {  	_ =	swait.ge [sflag:s5], $0x80  }
0x19: {  	[sflag:s5] =	ssyncset.done $0x0  }
0x1a: {  	s13 =	simm.s32 $0x0;
	[sflag:s5] =	ssyncadd.s32 $0xFFFFFF80  }
0x1b: {  	v0 =	vld.msk [tilespmem:s13+$0x80 ss:$0x1], $0xffff;
	_ =	sdelay $0x4  }
0x1c: {  	vm2 =	vgt.s32 v0, $0x0  }
0x1d: {  	v0 =	vnsel vm2, $0x0, v0  }
0x1e: {  	v0 =	vmin.u32 v0, $0xFFF  }
0x1f: {  	v0 =	vshll.u32 v0, $0x4;
	_ =	sdelay $0x3  }
0x20: {  	s13 =	simm.s32 $0x4100  }
0x21: {  	[tilespmem:s13], [sflag:$0x1] =	stream.indirect_vreg.gather [hbm:s2], $0x80, v0, vm0, $0x38;
	[tilespmem:$0x8100] =	vst v63  }
0x22: {  	s14 =	simm.s32 $0x4500;
	s31 =	simm.s32 $0x10  }
0x23: {  	[tilespmem:s14], [sflag:$0x1] =	stream.indirect_vreg.gather [hbm:s2], $0x80, v0, vm1, $0x38;
	[tilespmem:$0x8100] =	vst v63  }
0x24: {  	s14 =	simm.s32 $0x80;
	v0 =	vld.msk [tilespmem:s31+$0x80 ss:$0x1], $0xffff  }
.LBB2_5:
0x25: {  	p0 =	sne.s32 s14, $0x1C0;
	_ =	sdelay $0x4  }
0x26: {  	vm2 =	vgt.s32 v0, $0x0  }
0x27: {  	v0 =	vnsel vm2, $0x0, v0  }
0x28: {  	v0 =	vmin.u32 v0, $0xFFF  }
0x29: {  	v0 =	vshll.u32 v0, $0x4;
	_ =	sdelay $0x3  }
.Ltmp4:
0x2a: {  	s13 =	sadd.s32 $0x800, s13;
	(pc) =	sbr.rel @p0 .LBB2_5-.Ltmp4, $4  }
0x2b: {  	[tilespmem:s13], [sflag:$0x1] =	stream.indirect_vreg.gather [hbm:s2], $0x80, v0, vm0, $0x38;
	[tilespmem:$0x8100] =	vst v63  }
0x2c: {  	s15 =	sshra.s32 s14, $0x2;
	s16 =	sadd.s32 $0x400, s13  }
0x2d: {  	[tilespmem:s16], [sflag:$0x1] =	stream.indirect_vreg.gather [hbm:s2], $0x80, v0, vm1, $0x38;
	[tilespmem:$0x8100] =	vst v63  }
0x2e: {  	s14 =	sadd.s32 $0x40, s14;
	v0 =	vld.msk [tilespmem:s15+$0x80 ss:$0x1], $0xffff  }
0x2f: {  	_ =	sdelay $0x3  }
0x30: {  	vm2 =	vgt.s32 v0, $0x0  }
0x31: {  	v0 =	vnsel vm2, $0x0, v0  }
0x32: {  	v0 =	vmin.u32 v0, $0xFFF  }
0x33: {  	v0 =	vshll.u32 v0, $0x4;
	_ =	sdelay $0x3  }
0x34: {  	s13 =	sadd.s32 $0x800, s13  }
0x35: {  	[tilespmem:s13], [sflag:$0x1] =	stream.indirect_vreg.gather [hbm:s2], $0x80, v0, vm0, $0x38;
	[tilespmem:$0x8100] =	vst v63  }
0x36: {  	s13 =	sadd.s32 $0x400, s13  }
0x37: {  	[tilespmem:s13], [sflag:$0x1] =	stream.indirect_vreg.gather [hbm:s2], $0x80, v0, vm1, $0x38;
	[tilespmem:$0x8100] =	vst v63  }
0x38: {  	s12 =	sshll.u32 s12, $0x4;
	s14 =	simm.s32 $0x80;
	_ =	swait.ge [sflag:s4], $0x4000  }
0x39: {  	s15 =	simm.s32 $0x4500;
	s12 =	sadd.s32 s12, s7;
	[sflag:s4] =	ssyncset.done $0x0  }
0x3a: {  	s16 =	sadd.s32 $0x0, s12;
	s13 =	simm.s32 $0x4100;
	[sflag:s4] =	ssyncadd.s32 $0xFFFFC000  }
.LBB2_7:
0x3b: {  	[hbm:s16] =	stream.linear.scatter [tilespmem:s13], [sflag:$0x3], $0x400, $0x38;
	[tilespmem:$0x8100] =	vst v63  }
0x3c: {  	s16 =	smov.u32 s14;
	s13 =	smov.u32 s15;
	p0 =	sne.s32 s14, $0x780  }
.Ltmp5:
0x3d: {  	s14 =	sadd.s32 $0x80, s14;
	(pc) =	sbr.rel @p0 .LBB2_7-.Ltmp5, $2  }
0x3e: {  	_ =	sdelay $0x2  }
0x3f: {  	s15 =	sadd.s32 $0x400, s15;
	s16 =	sadd.s32 s16, s12  }
.Ltmp6:
0x40: {  	(pc) =	sbr.rel .LBB2_9-.Ltmp6, $2  }
0x41: {  	_ =	sdelay $0x2  }
0x42: {  	[hbm:s16] =	stream.linear.scatter [tilespmem:s13], [sflag:$0x3], $0x400, $0x38;
	[tilespmem:$0x8100] =	vst v63  }
.LBB2_2:
.Ltmp7:
0x43: {  	(pc) =	sbr.rel .LBB2_10-.Ltmp7, $4  }
0x44: {  	_ = 	snop  }
0x45: {  	s12 =	sshrl.u32 s11, $0x3  }
0x46: {  	s13 =	sand.u32 $0x7, s11;
	s12 =	sadd.s32 s3, s12  }
0x47: {  	[tilespmem:s9], [sflag:$0x2] =	stream.linear.gather [hbm4b:s12+s13], $0x80, $0x38;
	[tilespmem:$0x8100] =	vst v63  }
.LBB2_11:
0x48: {  	s2 =	simm.s32 $0x3  }
0x49: {  	_ =	swait.ge [sflag:s2], $0x4000  }
0x4a: {  	[sflag:s2] =	ssyncset.done $0x0  }
0x4b: {  	[sflag:s2] =	ssyncadd.s32 $0xFFFFC000  }
0x4c: {  	_ =	sfence.sel $0x180000  }
0x4d: {  	s3 =	simm.s32 $0x2;
	[bflag:$0x0] =	sbarrier.arrive $0xFFFF  }
0x4e: {  	[sflag:s3] =	ssyncpa.u1 $0x1  }
0x4f: {  	s31 =	simm.s32 $0x1;
	[sflag:s2] =	ssyncpa.u1 $0x1  }
0x50: {  	[sflag:s31] =	ssyncpa.u1 $0x1  }
0x51: {  	p0 =	sne.s32 s1, $0x0;
	_ =	strace $0x90000053  }
0x52: {  	s0 =	sadd.s32 @!p0 $0x100000, s0;
	[bflag:$0x2] =	sbarrier.arrive $0xFFFF  }
0x53: {  	[sflag:s0] =	ssyncadd.tile.s32 @!p0 $0x1;
	_ =	shalt  }
.Lfunc_end2:
_tile_overlayer_lowered:
.L_overlay_start_2:
0x54: {  	(tag) =	ssettag $0x2  }
0x55: {  	s0 =	rddreg [dreg:$0x0];
	s2 =	stileid.u32  }
0x56: {  	s1 =	rddreg [dreg:$0x1];
	p0 =	sne.s32 s2, $0x0  }
0x57: {  	s3 =	rddreg [dreg:$0x2];
	[bflag:$0x3] =	sbarrier.arrive $0xFFFF;
	s2 =	simm.s32 @!p0 $0x1C01  }
0x58: {  	[timem:s3], [sflag:s2] =	dma.local @!p0 [hbm:s0], s1  }
0x59: {  	s0 =	simm.s32 @!p0 $0x1  }
0x5a: {  	_ =	swait.ge @!p0 [sflag:s0], s1  }
0x5b: {  	s1 =	ssub.s32 @!p0 $0x0, s1;
	[sflag:s0] =	ssyncset.done @!p0 $0x0  }
0x5c: {  	[sflag:s0] =	ssyncadd.s32 @!p0 s1  }
0x5d: {  	[bflag:$0x3] =	sbarrier.arrive $0xFFFF  }
0x5e: {  	_ =	shalt  }

// kernel: gather_offload_async_start.3
scs
__scs_entry_jumppad:
0x0: {  	(pc) =	sbr.rel $0x88, $3  }
0x1: {  	(tag) =	ssettag $0x0;
	lr =	simm.s32 $0x1  }
0x2: {  	[smem:$0x3F9F] =	sst lr;
	_ =	strace $0xD0000000  }
0x3: {  	_ = 	snop  }
0x4: {  	_ = 	snop  }
0x5: {  	_ = 	snop  }
0x6: {  	_ = 	snop  }
0x7: {  	_ = 	snop  }
__scs_overlays_trampoline_lowered:
0x8: {  	[smem:$0x3FAE] =	sst s0  }
0x9: {  	[smem:$0x3FAF] =	sst s1  }
0xa: {  	[smem:$0x3FB0] =	sst s2  }
0xb: {  	[smem:$0x3FB1] =	sst s3  }
0xc: {  	[smem:$0x3FB2] =	sst s4  }
0xd: {  	[smem:$0x3FB3] =	sst s5  }
0xe: {  	[smem:$0x3FB4] =	sst s6  }
0xf: {  	[smem:$0x3FB5] =	sst s7  }
0x10: {  	[smem:$0x3FB6] =	sst s8  }
0x11: {  	[smem:$0x3FB7] =	sst s9;
	s0 =	simm.s32 @!p0 $0x0  }
0x12: {  	s1 =	sld [smem:$0x3F9D];
	s0 =	simm.s32 @p0 $0x1  }
0x13: {  	[smem:$0x3FB8] =	sst s0;
	s0 =	simm.s32 @!p1 $0x0  }
0x14: {  	s2 =	sld [smem:$0x3F9C];
	s0 =	simm.s32 @p1 $0x1  }
0x15: {  	[smem:$0x3FB9] =	sst s0;
	s0 =	simm.s32 @!p2 $0x0  }
0x16: {  	s3 =	sld [smem:$0x3FDB];
	s0 =	simm.s32 @p2 $0x1  }
0x17: {  	s4 =	simm.s32 $0x1BF5;
	[smem:$0x3FBB] =	sst s0  }
0x18: {  	s0 =	sld [smem:$0x3F9E];
	_ =	swait.ge [sflag:s4], $0x0  }
0x19: {  	s7 =	sld [smem:$0x3F9F]  }
0x1a: {  	s8 =	sadd.s32 $0xFFFFE003, lr  }
0x1b: {  	s9 =	sadd.s32 $0xFFFFFEF7, lr;
	s5 =	simm.s32 $0xFFFFFFFF;
	p2 =	slt.u32 s8, $0xFFFFF086  }
0x1c: {  	p1 =	slt.u32 s9, $0xF7A;
	s5 =	simm.s32 @!p2 $0x0  }
0x1d: {  	s5 =	simm.s32 @p1 $0x1;
	p0 =	seq.s32 s7, s2  }
0x1e: {  	s7 =	smul.u32 @!p0 $0xF7A, s2;
	p2 =	seq.s32 @!p0 s5, $0x0  }
0x1f: {  	s9 =	smul.u32 $0xF7A, s1;
	s8 =	simm.s32 @!p0 $0x1BF5;
	p2 =	por !p2, p0  }
0x20: {  	[sflag:s8] =	ssyncset.s32 @!p0 $0xFFFFF086;
	s6 =	sadd.s32 @!p0 s3, s7;
	s7 =	simm.s32 @!p0 $0x108  }
0x21: {  	s3 =	sadd.s32 s3, s9;
	s6 =	sadd.s32 @!p0 $0x88, s6;
	s7 =	simm.s32 @p2 $0x1082  }
0x22: {  	[simem:s7], [sflag:s8] =	dma.local @!p0 [hbm:s6], $0xF7A  }
0x23: {  	s9 =	sor.u32 $0xD0000000, s2;
	s6 =	simm.s32 $0x108;
	_ =	swait.ge @!p0 [sflag:s8], $0x0  }
0x24: {  	s3 =	sadd.s32 $0x88, s3;
	s6 =	simm.s32 @!p1 $0x1082;
	[sflag:s4] =	ssyncset.s32 $0xFFFFF086  }
0x25: {  	[simem:s6], [sflag:s4] =	dma.local [hbm:s3], $0xF7A  }
0x26: {  	[smem:$0x3F9F] =	sst s1;
	(tag) =	ssettag s2;
	_ =	strace s9  }
0x27: {  	s1 =	sld [smem:$0x3FAF]  }
0x28: {  	s2 =	sld [smem:$0x3FB0]  }
0x29: {  	s4 =	sld [smem:$0x3FB2]  }
0x2a: {  	p0 =	seq.s32 s5, $0x0;
	s5 =	sld [smem:$0x3FB3]  }
0x2b: {  	s6 =	sld [smem:$0x3FB4]  }
0x2c: {  	s7 =	sld [smem:$0x3FB5]  }
0x2d: {  	s3 =	simm.s32 $0x108;
	s8 =	sld [smem:$0x3FB6]  }
0x2e: {  	s3 =	simm.s32 @!p0 $0x1082;
	s9 =	sld [smem:$0x3FB7]  }
0x2f: {  	lr =	sadd.s32 s0, s3;
	s0 =	sld [smem:$0x3FAE]  }
0x30: {  	s3 =	sld [smem:$0x3FB1]  }
0x31: {  	[smem:$0x3FBA] =	sst s10  }
0x32: {  	s10 =	sld [smem:$0x3FB8];
	_ =	sdelay $0x3  }
0x33: {  	p0 =	seq.s32 s10, $0x1;
	s10 =	sld [smem:$0x3FBA];
	_ =	sdelay $0x3  }
0x34: {  	[smem:$0x3FBA] =	sst s10  }
0x35: {  	s10 =	sld [smem:$0x3FB9];
	_ =	sdelay $0x3  }
0x36: {  	p1 =	seq.s32 s10, $0x1;
	s10 =	sld [smem:$0x3FBA];
	_ =	sdelay $0x3  }
0x37: {  	[smem:$0x3FBA] =	sst s10  }
0x38: {  	s10 =	sld [smem:$0x3FBB]  }
0x39: {  	_ = 	snop;
	(pc) =	sbr.ind lr, $3  }
0x3a: {  	_ = 	snop  }
0x3b: {  	_ = 	snop  }
0x3c: {  	p2 =	seq.s32 s10, $0x1;
	s10 =	sld [smem:$0x3FBA]  }
0x3d: {  	_ =	shalt  }
0x3e: {  	_ =	shalt  }
0x3f: {  	_ =	shalt  }
0x40: {  	_ =	shalt  }
0x41: {  	_ =	shalt  }
0x42: {  	_ =	shalt  }
0x43: {  	_ =	shalt  }
0x44: {  	_ =	shalt  }
0x45: {  	_ =	shalt  }
0x46: {  	_ =	shalt  }
0x47: {  	_ =	shalt  }
0x48: {  	_ =	shalt  }
0x49: {  	_ =	shalt  }
0x4a: {  	_ =	shalt  }
0x4b: {  	_ =	shalt  }
0x4c: {  	_ =	shalt  }
0x4d: {  	_ =	shalt  }
0x4e: {  	_ =	shalt  }
0x4f: {  	_ =	shalt  }
0x50: {  	_ =	shalt  }
0x51: {  	_ =	shalt  }
0x52: {  	_ =	shalt  }
0x53: {  	_ =	shalt  }
0x54: {  	_ =	shalt  }
0x55: {  	_ =	shalt  }
0x56: {  	_ =	shalt  }
0x57: {  	_ =	shalt  }
0x58: {  	_ =	shalt  }
0x59: {  	_ =	shalt  }
0x5a: {  	_ =	shalt  }
0x5b: {  	_ =	shalt  }
0x5c: {  	_ =	shalt  }
0x5d: {  	_ =	shalt  }
0x5e: {  	_ =	shalt  }
0x5f: {  	_ =	shalt  }
0x60: {  	_ =	shalt  }
0x61: {  	_ =	shalt  }
0x62: {  	_ =	shalt  }
0x63: {  	_ =	shalt  }
0x64: {  	_ =	shalt  }
0x65: {  	_ =	shalt  }
0x66: {  	_ =	shalt  }
0x67: {  	_ =	shalt  }
0x68: {  	_ =	shalt  }
0x69: {  	_ =	shalt  }
0x6a: {  	_ =	shalt  }
0x6b: {  	_ =	shalt  }
0x6c: {  	_ =	shalt  }
0x6d: {  	_ =	shalt  }
0x6e: {  	_ =	shalt  }
0x6f: {  	_ =	shalt  }
0x70: {  	_ =	shalt  }
0x71: {  	_ =	shalt  }
0x72: {  	_ =	shalt  }
0x73: {  	_ =	shalt  }
0x74: {  	_ =	shalt  }
0x75: {  	_ =	shalt  }
0x76: {  	_ =	shalt  }
0x77: {  	_ =	shalt  }
0x78: {  	_ =	shalt  }
0x79: {  	_ =	shalt  }
0x7a: {  	_ =	shalt  }
0x7b: {  	_ =	shalt  }
0x7c: {  	_ =	shalt  }
0x7d: {  	_ =	shalt  }
0x7e: {  	_ =	shalt  }
0x7f: {  	_ =	shalt  }
0x80: {  	_ =	shalt  }
0x81: {  	_ =	shalt  }
0x82: {  	_ =	shalt  }
0x83: {  	_ =	shalt  }
0x84: {  	_ =	shalt  }
0x85: {  	_ =	shalt  }
0x86: {  	_ =	shalt  }
0x87: {  	_ =	shalt  }
.Lfunc_end0:
.L_simem_size_0:
called_computation.3_lowered:
.L_overlay_start_0:
0x88: {  	s2 =	sld [smem:$0x3FD9]  }
0x89: {  	s3 =	sld [smem:$0x3FFE];
	_ =	sdelay $0x1  }
0x8a: {  	s1 =	srdreg.scid  }
0x8b: {  	s0 =	sand.u32 $0x1, s1  }
0x8c: {  	s16 =	sshll.u32 s0, $0xA;
	s2 =	sadd.s32 s3, s2  }
0x8d: {  	s2 =	sadd.s32 s2, s16  }
0x8e: {  	[smem:$0x3FC6] =	sst s2  }
0x8f: {  	_ = 	snop  }
0x90: {  	(tm) =	ssettm $0x1  }
0x91: {  	s17 =	sld [smem:$0x3FFB];
	_ =	sdelay $0x3  }
0x92: {  	_ =	strace s17  }
0x93: {  	s2 =	sld [smem:$0x3FFC];
	_ =	sdelay $0x3  }
0x94: {  	_ =	strace s2  }
0x95: {  	s2 =	sld [smem:$0x3FFD];
	_ =	sdelay $0x3  }
0x96: {  	_ =	strace s2  }
0x97: {  	_ =	strace $0x8FFFFFFF  }
0x98: {  	s18 =	sld [smem:$0x3FDB];
	_ =	sdelay $0x1  }
0x99: {  	s19 =	simm.s32 $_scs_section_size  }
0x9a: {  	s4 =	simm.s32 $_size__tile_overlayer_lowered;
	s5 =	simm.s32 $_tile_overlayer_lowered  }
0x9b: {  	s22 =	simm.s32 $0x1BFF;
	s21 =	sshll.u32 s5, $0x1;
	s2 =	sadd.s32 s19, s18  }
0x9c: {  	s6 =	simm.s32 $0x0;
	s20 =	sshll.u32 s4, $0x1;
	s4 =	sadd.s32 s21, s2  }
0x9d: {  	[timem:s6], [sflag:s22] =	dma.local [hbm:s4], s20  }
0x9e: {  	_ =	swait.ge [sflag:s22], s20  }
0x9f: {  	s3 =	ssub.s32 $0x0, s20;
	[sflag:s22] =	ssyncset.done $0x0  }
0xa0: {  	[sflag:s22] =	ssyncadd.s32 s3;
	_ =	sdelay $0x1  }
0xa1: {  	s23 =	simm.s32 $0x1B8B  }
0xa2: {  	_ =	swait.ge [sflag:s23], $0x1  }
0xa3: {  	[sflag:s23] =	ssyncset.done $0x0  }
0xa4: {  	s25 =	simm.s32 $0x1B8E;
	s24 =	sld [smem:$0x3FFE];
	[sflag:s23] =	ssyncadd.s32 $0xFFFFFFFF  }
0xa5: {  	s26 =	simm.s32 $execute0_lowered;
	[smem:$0x3FD2] =	sst s25  }
0xa6: {  	s4 =	sshll.u32 s26, $0x1;
	_ =	strace $0x8000004C;
	[dreg:$0x1] =	wrdreg $0xFFFFFFFF  }
0xa7: {  	s28 =	simm.s32 $_size_execute0_lowered;
	s2 =	sadd.s32 s2, s4;
	[dreg:$0x0] =	wrdreg $0x0  }
0xa8: {  	s4 =	sshll.u32 s28, $0x1;
	[dreg:$0x2] =	wrdreg s2  }
0xa9: {  	[dreg:$0x3] =	wrdreg s4  }
0xaa: {  	[dreg:$0x4] =	wrdreg $0xC0  }
0xab: {  	_ =	task [dreg:s6], $0x5FFFF  }
0xac: {  	[dreg:$0x1] =	wrdreg $0xFFFFFFFF  }
0xad: {  	[dreg:$0x0] =	wrdreg $0x60  }
0xae: {  	[dreg:$0x2] =	wrdreg s24  }
0xaf: {  	[dreg:$0x3] =	wrdreg $0x9  }
0xb0: {  	_ =	task.clear_ibuf [dreg:s6], $0x4FFFF;
	_ =	strace $0x9000004C  }
0xb1: {  	s29 =	simm.s32 $0x9;
	_ =	strace $0x8000004E  }
0xb2: {  	_ =	swait.ge [sflag:s29], $0x1  }
0xb3: {  	[sflag:s29] =	ssyncadd.s32 $0xFFFFFFFF  }
0xb4: {  	_ =	strace $0x9000004E  }
0xb5: {  	_ =	sfence  }
0xb6: {  	s30 =	sld [smem:$0x0];
	_ =	sdelay $0x2  }
0xb7: {  	s31 =	sshll.u32 s1, $0xD;
	s1 =	sshrl.u32 s1, $0x2  }
0xb8: {  	s3 =	sand.u32 $0x4000, s31;
	s1 =	sadd.s32 s1, s30  }
0xb9: {  	s0 =	sor.u32 s3, s0;
	s1 =	sshll.u32 s1, $0x11  }
0xba: {  	s0 =	sor.u32 s1, s0  }
0xbb: {  	s0 =	sadd.s32 $0x8F2B, s0  }
0xbc: {  	[sflag:s0] =	ssyncadd.remote.s32 $0x1  }
0xbd: {  	_ =	sfence.sel $0xFFFF  }
0xbe: {  	[dreg:$0x0] =	wrdreg $0xFFFFFFFF;
	(pc) =	sbr.abs _section_cstart, $3  }
0xbf: {  	[dreg:$0x1] =	wrdreg $0xFFFFFFFF  }
0xc0: {  	_ =	task.clear_ibuf [dreg:s6], $0x2FFFF;
	_ =	strace $0x9FFFFFFF  }
0xc1: {  	(tm) =	ssettm $0x7FFFFFFF  }
tec
execute0_lowered:
.L_overlay_start_1:
0x0: {  	(tag) =	ssettag $0x1  }
0x1: {  	s1 =	srdreg.scid  }
0x2: {  	s0 =	stileid.u32;
	s2 =	rddreg [dreg:$0x0];
	s6 =	simm.s32 $0x1  }
0x3: {  	s9 =	simm.s32 $0x1;
	s10 =	simm.s32 $0x3;
	s1 =	sshll.u32 s1, $0x6  }
0x4: {  	s13 =	simm.s32 $0x0;
	s3 =	sshll.u32 s0, $0x7;
	s4 =	sand.u32 $0x40, s1  }
0x5: {  	s12 =	simm.s32 $0x0;
	s5 =	sadd.s32 $0x200, s2;
	s3 =	sor.u32 s3, s4  }
0x6: {  	s1 =	rddreg [dreg:$0x1];
	_ =	strace $0x8000004D;
	s8 =	ssub.s32 $0x1000, s3  }
.Ltmp0:
0x7: {  	s4 =	sadd.s32 $0x400, s2;
	s7 =	sand.u32 $0x7C0, s8;
	(pc) =	sbr.rel .LBB2_1-.Ltmp0, $4  }
0x8: {  	[sflag:s6] =	ssyncpa.u1 $0x0;
	s11 =	smov.u32 s3;
	p0 =	sne.s32 s7, $0x0  }
0x9: {  	s8 =	sshrl.u32 s8, $0xB;
	s7 =	simm.s32 $0x2;
	s9 =	simm.s32 @!p0 $0x0  }
0xa: {  	[sflag:s7] =	ssyncpa.u1 $0x0;
	p0 =	por $0x0, $0x0;
	s8 =	sadd.s32 s9, s8  }
0xb: {  	vm0 =	vmmov $0xffff;
	[sflag:s10] =	ssyncpa.u1 $0x0;
	s10 =	simm.s32 $0x0;
	s9 =	sadd.s32 $0x1, s8  }
.LBB2_4:
0xc: {  	vm1 =	veq.s32 v0, $0x80000000;
	v63 =	vand.u32 $0xF, v0;
	v2 =	vand.u32 $0xFF, v2  }
0xd: {  	v0 =	vsel vm1, $0xFFFFFFFF, v63;
	v2 =	vsel vm1, $0xFFFFFFFF, v2  }
0xe: {  	v3 =	vshll.u32 v0, $0x8;
	v4 =	vshll.u32 v2, $0x3  }
0xf: {  	v0 =	vshll.u32 v0, $0x7;
	v3 =	vand.u32 $0xFFFFF800, v3;
	v4 =	vand.u32 $0xFFFFFC00, v4  }
0x10: {  	v0 =	vand.u32 $0x380, v0;
	v3 =	vadd.s32 v3, v4  }
0x11: {  	v2 =	vand.u32 $0x7F, v2;
	v0 =	vor.u32 v0, v3  }
0x12: {  	v0 =	vor.u32 v2, v0;
	_ =	sdelay $0x1  }
0x13: {  	(ifvalue) =	ssetifvalue $0x7FFFFFFF;
	s14 =	sadd.s32 $0x10, s14  }
0x14: {  	[tilespmem:s14], [sflag:$0x1] =	stream.indirect_vreg.gather [hbm4b:s4+s10], $0x1, v1, vm0, $0x4038;
	[tilespmem:$0x100] =	vst v63  }
0x15: {  	(ifvalue) =	ssetifvalue $0x7FFFFFFF;
	s14 =	sadd.s32 $0x10, s14  }
0x16: {  	[tilespmem:s14], [sflag:$0x1] =	stream.indirect_vreg.gather [hbm4b:s4+s10], $0x1, v0, vm0, $0x4038;
	[tilespmem:$0x100] =	vst v63  }
0x17: {  	_ =	swait.ge [sflag:s6], $0x40  }
0x18: {  	s30 =	sshrl.u32 s13, $0x3;
	[sflag:s6] =	ssyncset.done $0x0  }
0x19: {  	s31 =	sand.u32 $0x7, s13;
	s14 =	sadd.s32 s5, s30;
	[sflag:s6] =	ssyncadd.s32 $0xFFFFFFC0  }
0x1a: {  	[hbm4b:s14+s31] =	stream.linear.scatter [tilespmem:s15], [sflag:$0x3], $0x40, $0x38;
	[tilespmem:$0x100] =	vst v63  }
.LBB2_5:
0x1b: {  	s15 =	sadd.s32 $0x800, s11  }
0x1c: {  	p2 =	sgt.s32 s15, $0xFFF  }
0x1d: {  	s15 =	smov.u32 @p2 s3;
	p2 =	sne.s32 s12, s9  }
.Ltmp1:
0x1e: {  	p1 =	slt.u32 s12, $0x2;
	(pc) =	sbr.rel @!p2 .LBB2_6-.Ltmp1, $4  }
0x1f: {  	s14 =	simm.s32 @!p1 $0x3  }
0x20: {  	s16 =	sadd.s32 $0x1, s12;
	_ =	swait.ge @!p1 [sflag:s14], $0x40  }
0x21: {  	s13 =	smov.u32 s11;
	p0 =	por !p0, !p0;
	[sflag:s14] =	ssyncset.done @!p1 $0x0  }
0x22: {  	s12 =	smov.u32 s16;
	s11 =	smov.u32 s15;
	[sflag:s14] =	ssyncadd.s32 @!p1 $0xFFFFFFC0  }
.LBB2_1:
0x23: {  	p1 =	sge.u32 s12, s8  }
0x24: {  	s14 =	sxor.u32 @!p1 $0xFFFFFFFF, s12  }
0x25: {  	s31 =	sadd.s32 $0xFFFFFFFF, s12;
	s15 =	sshrl.u32 @!p1 s11, $0x3;
	s14 =	sshll.u32 @!p1 s14, $0x6  }
0x26: {  	s16 =	sand.u32 @!p1 $0x7, s11;
	s15 =	sadd.s32 @!p1 s2, s15;
	s14 =	sand.u32 @!p1 $0x40, s14  }
0x27: {  	[tilespmem:s14], [sflag:$0x2] =	stream.linear.gather @!p1 [hbm4b:s15+s16], $0x40, $0x38;
	[tilespmem:$0x100] =	vst v63  }
0x28: {  	p1 =	sge.u32 s31, s8  }
.Ltmp2:
0x29: {  	_ = 	snop;
	(pc) =	sbr.rel @p1 .LBB2_5-.Ltmp2, $1  }
0x2a: {  	_ =	sdelay $0x3  }
0x2b: {  	s14 =	simm.s32 $0x1  }
0x2c: {  	_ =	swait.ge [sflag:s7], $0x40;
	s14 =	simm.s32 @!p0 $0x0  }
0x2d: {  	[sflag:s7] =	ssyncset.done $0x0;
	s14 =	sshll.u32 s14, $0x6  }
0x2e: {  	[sflag:s7] =	ssyncadd.s32 $0xFFFFFFC0;
	(ifvalue) =	ssetifvalue $0x7FFFFFFF;
	v0 =	vld.msk [tilespmem:s14+$0x0 ss:$0x1], $0xffff;
	_ =	sdelay $0x3  }
0x2f: {  	s15 =	sadd.s32 $0x10, s14  }
0x30: {  	v2 =	vld.msk [tilespmem:s15+$0x0 ss:$0x1], $0xffff;
	v1 =	vshrl.u32 v0, $0x4  }
0x31: {  	vm1 =	veq.s32 v0, $0x80000000;
	v0 =	vand.u32 $0xF, v0;
	v1 =	vand.u32 $0xFF, v1  }
0x32: {  	v0 =	vsel vm1, $0xFFFFFFFF, v0;
	v1 =	vsel vm1, $0xFFFFFFFF, v1  }
0x33: {  	v3 =	vshll.u32 v0, $0x8;
	v4 =	vshll.u32 v1, $0x3  }
0x34: {  	v0 =	vshll.u32 v0, $0x7;
	v3 =	vand.u32 $0xFFFFF800, v3;
	v4 =	vand.u32 $0xFFFFFC00, v4  }
0x35: {  	vm1 =	veq.s32 v2, $0x80000000;
	v0 =	vand.u32 $0x380, v0;
	v3 =	vadd.s32 v3, v4  }
0x36: {  	v1 =	vand.u32 $0x7F, v1;
	v0 =	vor.u32 v0, v3;
	v3 =	vshrl.u32 v2, $0x4  }
0x37: {  	s17 =	sadd.s32 $0x10, s15;
	v2 =	vand.u32 $0xF, v2;
	v1 =	vor.u32 v1, v0;
	v3 =	vand.u32 $0xFF, v3  }
0x38: {  	v0 =	vld.msk [tilespmem:s17+$0x0 ss:$0x1], $0xffff;
	v2 =	vsel vm1, $0xFFFFFFFF, v2;
	v3 =	vsel vm1, $0xFFFFFFFF, v3  }
0x39: {  	v63 =	vshll.u32 v2, $0x8;
	v5 =	vshll.u32 v3, $0x3  }
0x3a: {  	s31 =	sshll.u32 s12, $0x6;
	v2 =	vshll.u32 v2, $0x7;
	v4 =	vand.u32 $0xFFFFF800, v63;
	v5 =	vand.u32 $0xFFFFFC00, v5  }
0x3b: {  	s14 =	sor.u32 $0x80, s14;
	s15 =	sand.u32 $0x40, s31;
	(ifvalue) =	ssetifvalue $0x7FFFFFFF;
	v2 =	vand.u32 $0x380, v2;
	v4 =	vadd.s32 v4, v5  }
0x3c: {  	[tilespmem:s14], [sflag:$0x1] =	stream.indirect_vreg.gather [hbm4b:s4+s10], $0x1, v1, vm0, $0x4038;
	v1 =	vand.u32 $0x7F, v3;
	v3 =	vor.u32 v2, v4;
	[tilespmem:$0x100] =	vst v63  }
0x3d: {  	s16 =	simm.s32 $0x20;
	s15 =	sor.u32 $0x80, s15;
	s17 =	sadd.s32 $0x10, s17;
	v2 =	vshrl.u32 v0, $0x4;
	v1 =	vor.u32 v1, v3  }
.LBB2_3:
0x3e: {  	s16 =	sadd.s32 $0x10, s16;
	vm1 =	veq.s32 v0, $0x80000000;
	v3 =	vand.u32 $0xF, v0;
	v0 =	vld.msk [tilespmem:s17+$0x0 ss:$0x1], $0xffff;
	v2 =	vand.u32 $0xFF, v2  }
0x3f: {  	p1 =	slt.u32 s16, $0x30;
	v3 =	vsel vm1, $0xFFFFFFFF, v3;
	v2 =	vsel vm1, $0xFFFFFFFF, v2  }
.Ltmp3:
0x40: {  	v4 =	vshll.u32 v3, $0x8;
	v5 =	vshll.u32 v2, $0x3;
	(pc) =	sbr.rel @p1 .LBB2_3-.Ltmp3, $4  }
0x41: {  	s14 =	sadd.s32 $0x10, s14;
	v3 =	vshll.u32 v3, $0x7;
	v4 =	vand.u32 $0xFFFFF800, v4;
	v5 =	vand.u32 $0xFFFFFC00, v5;
	(ifvalue) =	ssetifvalue $0x7FFFFFFF  }
0x42: {  	v3 =	vand.u32 $0x380, v3;
	v4 =	vadd.s32 v4, v5;
	[tilespmem:s14], [sflag:$0x1] =	stream.indirect_vreg.gather [hbm4b:s4+s10], $0x1, v1, vm0, $0x4038;
	[tilespmem:$0x100] =	vst v63  }
0x43: {  	v1 =	vand.u32 $0x7F, v2;
	v3 =	vor.u32 v3, v4  }
0x44: {  	s17 =	sadd.s32 $0x10, s17;
	v2 =	vshrl.u32 v0, $0x4;
	v1 =	vor.u32 v1, v3  }
.Ltmp4:
0x45: {  	_ = 	snop;
	(pc) =	sbr.rel .LBB2_4-.Ltmp4, $1  }
0x46: {  	_ =	sdelay $0x3  }
.LBB2_6:
0x47: {  	_ =	sfence.sel $0x180000  }
0x48: {  	s2 =	simm.s32 $0x2;
	[bflag:$0x0] =	sbarrier.arrive $0xFFFF  }
0x49: {  	s30 =	simm.s32 $0x3;
	[sflag:s2] =	ssyncpa.u1 $0x1  }
0x4a: {  	s31 =	simm.s32 $0x1;
	[sflag:s30] =	ssyncpa.u1 $0x1  }
0x4b: {  	[sflag:s31] =	ssyncpa.u1 $0x1  }
0x4c: {  	p0 =	sne.s32 s0, $0x0;
	_ =	strace $0x9000004D  }
0x4d: {  	s0 =	sadd.s32 @!p0 $0x100000, s1;
	[bflag:$0x2] =	sbarrier.arrive $0xFFFF  }
0x4e: {  	[sflag:s0] =	ssyncadd.tile.s32 @!p0 $0x1;
	_ =	shalt  }
.Lfunc_end2:
_tile_overlayer_lowered:
.L_overlay_start_2:
0x4f: {  	(tag) =	ssettag $0x2  }
0x50: {  	s0 =	rddreg [dreg:$0x0];
	s2 =	stileid.u32  }
0x51: {  	s1 =	rddreg [dreg:$0x1];
	p0 =	sne.s32 s2, $0x0  }
0x52: {  	s3 =	rddreg [dreg:$0x2];
	[bflag:$0x3] =	sbarrier.arrive $0xFFFF;
	s2 =	simm.s32 @!p0 $0x1C01  }
0x53: {  	[timem:s3], [sflag:s2] =	dma.local @!p0 [hbm:s0], s1  }
0x54: {  	s0 =	simm.s32 @!p0 $0x1  }
0x55: {  	_ =	swait.ge @!p0 [sflag:s0], s1  }
0x56: {  	s1 =	ssub.s32 @!p0 $0x0, s1;
	[sflag:s0] =	ssyncset.done @!p0 $0x0  }
0x57: {  	[sflag:s0] =	ssyncadd.s32 @!p0 s1  }
0x58: {  	[bflag:$0x3] =	sbarrier.arrive $0xFFFF  }
0x59: {  	_ =	shalt  }

// kernel: gather_offload_async_start.4
scs
__scs_entry_jumppad:
0x0: {  	(pc) =	sbr.rel $0x88, $3  }
0x1: {  	(tag) =	ssettag $0x0;
	lr =	simm.s32 $0x1  }
0x2: {  	[smem:$0x3F9F] =	sst lr;
	_ =	strace $0xD0000000  }
0x3: {  	_ = 	snop  }
0x4: {  	_ = 	snop  }
0x5: {  	_ = 	snop  }
0x6: {  	_ = 	snop  }
0x7: {  	_ = 	snop  }
__scs_overlays_trampoline_lowered:
0x8: {  	[smem:$0x3FAE] =	sst s0  }
0x9: {  	[smem:$0x3FAF] =	sst s1  }
0xa: {  	[smem:$0x3FB0] =	sst s2  }
0xb: {  	[smem:$0x3FB1] =	sst s3  }
0xc: {  	[smem:$0x3FB2] =	sst s4  }
0xd: {  	[smem:$0x3FB3] =	sst s5  }
0xe: {  	[smem:$0x3FB4] =	sst s6  }
0xf: {  	[smem:$0x3FB5] =	sst s7  }
0x10: {  	[smem:$0x3FB6] =	sst s8  }
0x11: {  	[smem:$0x3FB7] =	sst s9;
	s0 =	simm.s32 @!p0 $0x0  }
0x12: {  	s1 =	sld [smem:$0x3F9D];
	s0 =	simm.s32 @p0 $0x1  }
0x13: {  	[smem:$0x3FB8] =	sst s0;
	s0 =	simm.s32 @!p1 $0x0  }
0x14: {  	s2 =	sld [smem:$0x3F9C];
	s0 =	simm.s32 @p1 $0x1  }
0x15: {  	[smem:$0x3FB9] =	sst s0;
	s0 =	simm.s32 @!p2 $0x0  }
0x16: {  	s3 =	sld [smem:$0x3FDB];
	s0 =	simm.s32 @p2 $0x1  }
0x17: {  	s4 =	simm.s32 $0x1BF5;
	[smem:$0x3FBB] =	sst s0  }
0x18: {  	s0 =	sld [smem:$0x3F9E];
	_ =	swait.ge [sflag:s4], $0x0  }
0x19: {  	s7 =	sld [smem:$0x3F9F]  }
0x1a: {  	s8 =	sadd.s32 $0xFFFFE003, lr  }
0x1b: {  	s9 =	sadd.s32 $0xFFFFFEF7, lr;
	s5 =	simm.s32 $0xFFFFFFFF;
	p2 =	slt.u32 s8, $0xFFFFF086  }
0x1c: {  	p1 =	slt.u32 s9, $0xF7A;
	s5 =	simm.s32 @!p2 $0x0  }
0x1d: {  	s5 =	simm.s32 @p1 $0x1;
	p0 =	seq.s32 s7, s2  }
0x1e: {  	s7 =	smul.u32 @!p0 $0xF7A, s2;
	p2 =	seq.s32 @!p0 s5, $0x0  }
0x1f: {  	s9 =	smul.u32 $0xF7A, s1;
	s8 =	simm.s32 @!p0 $0x1BF5;
	p2 =	por !p2, p0  }
0x20: {  	[sflag:s8] =	ssyncset.s32 @!p0 $0xFFFFF086;
	s6 =	sadd.s32 @!p0 s3, s7;
	s7 =	simm.s32 @!p0 $0x108  }
0x21: {  	s3 =	sadd.s32 s3, s9;
	s6 =	sadd.s32 @!p0 $0x88, s6;
	s7 =	simm.s32 @p2 $0x1082  }
0x22: {  	[simem:s7], [sflag:s8] =	dma.local @!p0 [hbm:s6], $0xF7A  }
0x23: {  	s9 =	sor.u32 $0xD0000000, s2;
	s6 =	simm.s32 $0x108;
	_ =	swait.ge @!p0 [sflag:s8], $0x0  }
0x24: {  	s3 =	sadd.s32 $0x88, s3;
	s6 =	simm.s32 @!p1 $0x1082;
	[sflag:s4] =	ssyncset.s32 $0xFFFFF086  }
0x25: {  	[simem:s6], [sflag:s4] =	dma.local [hbm:s3], $0xF7A  }
0x26: {  	[smem:$0x3F9F] =	sst s1;
	(tag) =	ssettag s2;
	_ =	strace s9  }
0x27: {  	s1 =	sld [smem:$0x3FAF]  }
0x28: {  	s2 =	sld [smem:$0x3FB0]  }
0x29: {  	s4 =	sld [smem:$0x3FB2]  }
0x2a: {  	p0 =	seq.s32 s5, $0x0;
	s5 =	sld [smem:$0x3FB3]  }
0x2b: {  	s6 =	sld [smem:$0x3FB4]  }
0x2c: {  	s7 =	sld [smem:$0x3FB5]  }
0x2d: {  	s3 =	simm.s32 $0x108;
	s8 =	sld [smem:$0x3FB6]  }
0x2e: {  	s3 =	simm.s32 @!p0 $0x1082;
	s9 =	sld [smem:$0x3FB7]  }
0x2f: {  	lr =	sadd.s32 s0, s3;
	s0 =	sld [smem:$0x3FAE]  }
0x30: {  	s3 =	sld [smem:$0x3FB1]  }
0x31: {  	[smem:$0x3FBA] =	sst s10  }
0x32: {  	s10 =	sld [smem:$0x3FB8];
	_ =	sdelay $0x3  }
0x33: {  	p0 =	seq.s32 s10, $0x1;
	s10 =	sld [smem:$0x3FBA];
	_ =	sdelay $0x3  }
0x34: {  	[smem:$0x3FBA] =	sst s10  }
0x35: {  	s10 =	sld [smem:$0x3FB9];
	_ =	sdelay $0x3  }
0x36: {  	p1 =	seq.s32 s10, $0x1;
	s10 =	sld [smem:$0x3FBA];
	_ =	sdelay $0x3  }
0x37: {  	[smem:$0x3FBA] =	sst s10  }
0x38: {  	s10 =	sld [smem:$0x3FBB]  }
0x39: {  	_ = 	snop;
	(pc) =	sbr.ind lr, $3  }
0x3a: {  	_ = 	snop  }
0x3b: {  	_ = 	snop  }
0x3c: {  	p2 =	seq.s32 s10, $0x1;
	s10 =	sld [smem:$0x3FBA]  }
0x3d: {  	_ =	shalt  }
0x3e: {  	_ =	shalt  }
0x3f: {  	_ =	shalt  }
0x40: {  	_ =	shalt  }
0x41: {  	_ =	shalt  }
0x42: {  	_ =	shalt  }
0x43: {  	_ =	shalt  }
0x44: {  	_ =	shalt  }
0x45: {  	_ =	shalt  }
0x46: {  	_ =	shalt  }
0x47: {  	_ =	shalt  }
0x48: {  	_ =	shalt  }
0x49: {  	_ =	shalt  }
0x4a: {  	_ =	shalt  }
0x4b: {  	_ =	shalt  }
0x4c: {  	_ =	shalt  }
0x4d: {  	_ =	shalt  }
0x4e: {  	_ =	shalt  }
0x4f: {  	_ =	shalt  }
0x50: {  	_ =	shalt  }
0x51: {  	_ =	shalt  }
0x52: {  	_ =	shalt  }
0x53: {  	_ =	shalt  }
0x54: {  	_ =	shalt  }
0x55: {  	_ =	shalt  }
0x56: {  	_ =	shalt  }
0x57: {  	_ =	shalt  }
0x58: {  	_ =	shalt  }
0x59: {  	_ =	shalt  }
0x5a: {  	_ =	shalt  }
0x5b: {  	_ =	shalt  }
0x5c: {  	_ =	shalt  }
0x5d: {  	_ =	shalt  }
0x5e: {  	_ =	shalt  }
0x5f: {  	_ =	shalt  }
0x60: {  	_ =	shalt  }
0x61: {  	_ =	shalt  }
0x62: {  	_ =	shalt  }
0x63: {  	_ =	shalt  }
0x64: {  	_ =	shalt  }
0x65: {  	_ =	shalt  }
0x66: {  	_ =	shalt  }
0x67: {  	_ =	shalt  }
0x68: {  	_ =	shalt  }
0x69: {  	_ =	shalt  }
0x6a: {  	_ =	shalt  }
0x6b: {  	_ =	shalt  }
0x6c: {  	_ =	shalt  }
0x6d: {  	_ =	shalt  }
0x6e: {  	_ =	shalt  }
0x6f: {  	_ =	shalt  }
0x70: {  	_ =	shalt  }
0x71: {  	_ =	shalt  }
0x72: {  	_ =	shalt  }
0x73: {  	_ =	shalt  }
0x74: {  	_ =	shalt  }
0x75: {  	_ =	shalt  }
0x76: {  	_ =	shalt  }
0x77: {  	_ =	shalt  }
0x78: {  	_ =	shalt  }
0x79: {  	_ =	shalt  }
0x7a: {  	_ =	shalt  }
0x7b: {  	_ =	shalt  }
0x7c: {  	_ =	shalt  }
0x7d: {  	_ =	shalt  }
0x7e: {  	_ =	shalt  }
0x7f: {  	_ =	shalt  }
0x80: {  	_ =	shalt  }
0x81: {  	_ =	shalt  }
0x82: {  	_ =	shalt  }
0x83: {  	_ =	shalt  }
0x84: {  	_ =	shalt  }
0x85: {  	_ =	shalt  }
0x86: {  	_ =	shalt  }
0x87: {  	_ =	shalt  }
.Lfunc_end0:
.L_simem_size_0:
called_computation.4_lowered:
.L_overlay_start_0:
0x88: {  	s2 =	sld [smem:$0x3FD9]  }
0x89: {  	s3 =	sld [smem:$0x3FFE];
	_ =	sdelay $0x1  }
0x8a: {  	s1 =	srdreg.scid  }
0x8b: {  	s0 =	sand.u32 $0x1, s1  }
0x8c: {  	s16 =	sshll.u32 s0, $0xA;
	s2 =	sadd.s32 s3, s2  }
0x8d: {  	s2 =	sadd.s32 s2, s16  }
0x8e: {  	[smem:$0x3FC6] =	sst s2  }
0x8f: {  	_ = 	snop  }
0x90: {  	(tm) =	ssettm $0x1  }
0x91: {  	s17 =	sld [smem:$0x3FFB];
	_ =	sdelay $0x3  }
0x92: {  	_ =	strace s17  }
0x93: {  	s2 =	sld [smem:$0x3FFC];
	_ =	sdelay $0x3  }
0x94: {  	_ =	strace s2  }
0x95: {  	s2 =	sld [smem:$0x3FFD];
	_ =	sdelay $0x3  }
0x96: {  	_ =	strace s2  }
0x97: {  	_ =	strace $0x8FFFFFFF  }
0x98: {  	s18 =	sld [smem:$0x3FDB];
	_ =	sdelay $0x1  }
0x99: {  	s19 =	simm.s32 $_scs_section_size  }
0x9a: {  	s4 =	simm.s32 $_size__tile_overlayer_lowered;
	s5 =	simm.s32 $_tile_overlayer_lowered  }
0x9b: {  	s22 =	simm.s32 $0x1BFF;
	s21 =	sshll.u32 s5, $0x1;
	s2 =	sadd.s32 s19, s18  }
0x9c: {  	s6 =	simm.s32 $0x0;
	s20 =	sshll.u32 s4, $0x1;
	s4 =	sadd.s32 s21, s2  }
0x9d: {  	[timem:s6], [sflag:s22] =	dma.local [hbm:s4], s20  }
0x9e: {  	_ =	swait.ge [sflag:s22], s20  }
0x9f: {  	s3 =	ssub.s32 $0x0, s20;
	[sflag:s22] =	ssyncset.done $0x0  }
0xa0: {  	[sflag:s22] =	ssyncadd.s32 s3;
	_ =	sdelay $0x1  }
0xa1: {  	s23 =	simm.s32 $0x1B8B  }
0xa2: {  	_ =	swait.ge [sflag:s23], $0x1  }
0xa3: {  	[sflag:s23] =	ssyncset.done $0x0  }
0xa4: {  	s25 =	simm.s32 $0x1B8E;
	s24 =	sld [smem:$0x3FFE];
	[sflag:s23] =	ssyncadd.s32 $0xFFFFFFFF  }
0xa5: {  	s26 =	simm.s32 $execute0_lowered;
	[smem:$0x3FD2] =	sst s25  }
0xa6: {  	s4 =	sshll.u32 s26, $0x1;
	_ =	strace $0x8000004F;
	[dreg:$0x1] =	wrdreg $0xFFFFFFFF  }
0xa7: {  	s28 =	simm.s32 $_size_execute0_lowered;
	s2 =	sadd.s32 s2, s4;
	[dreg:$0x0] =	wrdreg $0x0  }
0xa8: {  	s4 =	sshll.u32 s28, $0x1;
	[dreg:$0x2] =	wrdreg s2  }
0xa9: {  	[dreg:$0x3] =	wrdreg s4  }
0xaa: {  	[dreg:$0x4] =	wrdreg $0xC0  }
0xab: {  	_ =	task [dreg:s6], $0x5FFFF  }
0xac: {  	[dreg:$0x1] =	wrdreg $0xFFFFFFFF  }
0xad: {  	[dreg:$0x0] =	wrdreg $0x60  }
0xae: {  	[dreg:$0x2] =	wrdreg s24  }
0xaf: {  	[dreg:$0x3] =	wrdreg $0x9  }
0xb0: {  	_ =	task.clear_ibuf [dreg:s6], $0x4FFFF;
	_ =	strace $0x9000004F  }
0xb1: {  	s29 =	simm.s32 $0x9;
	_ =	strace $0x80000051  }
0xb2: {  	_ =	swait.ge [sflag:s29], $0x1  }
0xb3: {  	[sflag:s29] =	ssyncadd.s32 $0xFFFFFFFF  }
0xb4: {  	_ =	strace $0x90000051  }
0xb5: {  	_ =	sfence  }
0xb6: {  	s30 =	sld [smem:$0x0];
	_ =	sdelay $0x2  }
0xb7: {  	s31 =	sshll.u32 s1, $0xD;
	s1 =	sshrl.u32 s1, $0x2  }
0xb8: {  	s3 =	sand.u32 $0x4000, s31;
	s1 =	sadd.s32 s1, s30  }
0xb9: {  	s0 =	sor.u32 s3, s0;
	s1 =	sshll.u32 s1, $0x11  }
0xba: {  	s0 =	sor.u32 s1, s0  }
0xbb: {  	s0 =	sadd.s32 $0x8F2B, s0  }
0xbc: {  	[sflag:s0] =	ssyncadd.remote.s32 $0x1  }
0xbd: {  	_ =	sfence.sel $0xFFFF  }
0xbe: {  	[dreg:$0x0] =	wrdreg $0xFFFFFFFF;
	(pc) =	sbr.abs _section_cstart, $3  }
0xbf: {  	[dreg:$0x1] =	wrdreg $0xFFFFFFFF  }
0xc0: {  	_ =	task.clear_ibuf [dreg:s6], $0x2FFFF;
	_ =	strace $0x9FFFFFFF  }
0xc1: {  	(tm) =	ssettm $0x7FFFFFFF  }
tec
execute0_lowered:
.L_overlay_start_1:
0x0: {  	(tag) =	ssettag $0x1  }
0x1: {  	s1 =	srdreg.scid  }
0x2: {  	s0 =	stileid.u32;
	s2 =	rddreg [dreg:$0x0];
	s6 =	simm.s32 $0x1  }
0x3: {  	s9 =	simm.s32 $0x1;
	s10 =	simm.s32 $0x3;
	s1 =	sshll.u32 s1, $0x6  }
0x4: {  	s13 =	simm.s32 $0x0;
	s3 =	sshll.u32 s0, $0x7;
	s4 =	sand.u32 $0x40, s1  }
0x5: {  	s12 =	simm.s32 $0x0;
	s5 =	sadd.s32 $0x200, s2;
	s3 =	sor.u32 s3, s4  }
0x6: {  	s1 =	rddreg [dreg:$0x1];
	_ =	strace $0x80000050;
	s8 =	ssub.s32 $0x1000, s3  }
.Ltmp0:
0x7: {  	s4 =	sadd.s32 $0x600, s2;
	s7 =	sand.u32 $0x7C0, s8;
	(pc) =	sbr.rel .LBB2_1-.Ltmp0, $4  }
0x8: {  	[sflag:s6] =	ssyncpa.u1 $0x0;
	s11 =	smov.u32 s3;
	p0 =	sne.s32 s7, $0x0  }
0x9: {  	s8 =	sshrl.u32 s8, $0xB;
	s7 =	simm.s32 $0x2;
	s9 =	simm.s32 @!p0 $0x0  }
0xa: {  	[sflag:s7] =	ssyncpa.u1 $0x0;
	p0 =	por $0x0, $0x0;
	s8 =	sadd.s32 s9, s8  }
0xb: {  	vm0 =	vmmov $0xffff;
	[sflag:s10] =	ssyncpa.u1 $0x0;
	s10 =	simm.s32 $0x0;
	s9 =	sadd.s32 $0x1, s8  }
.LBB2_4:
0xc: {  	vm1 =	veq.s32 v0, $0x80000000;
	v63 =	vand.u32 $0xF, v0;
	v2 =	vand.u32 $0xFF, v2  }
0xd: {  	v0 =	vsel vm1, $0xFFFFFFFF, v63;
	v2 =	vsel vm1, $0xFFFFFFFF, v2  }
0xe: {  	v3 =	vshll.u32 v0, $0x8;
	v4 =	vshll.u32 v2, $0x3  }
0xf: {  	v0 =	vshll.u32 v0, $0x7;
	v3 =	vand.u32 $0xFFFFF800, v3;
	v4 =	vand.u32 $0xFFFFFC00, v4  }
0x10: {  	v0 =	vand.u32 $0x380, v0;
	v3 =	vadd.s32 v3, v4  }
0x11: {  	v2 =	vand.u32 $0x7F, v2;
	v0 =	vor.u32 v0, v3  }
0x12: {  	v0 =	vor.u32 v2, v0;
	_ =	sdelay $0x1  }
0x13: {  	(ifvalue) =	ssetifvalue $0x7FFFFFFF;
	s14 =	sadd.s32 $0x10, s14  }
0x14: {  	[tilespmem:s14], [sflag:$0x1] =	stream.indirect_vreg.gather [hbm4b:s2+s10], $0x1, v1, vm0, $0x4038;
	[tilespmem:$0x100] =	vst v63  }
0x15: {  	(ifvalue) =	ssetifvalue $0x7FFFFFFF;
	s14 =	sadd.s32 $0x10, s14  }
0x16: {  	[tilespmem:s14], [sflag:$0x1] =	stream.indirect_vreg.gather [hbm4b:s2+s10], $0x1, v0, vm0, $0x4038;
	[tilespmem:$0x100] =	vst v63  }
0x17: {  	_ =	swait.ge [sflag:s6], $0x40  }
0x18: {  	s30 =	sshrl.u32 s13, $0x3;
	[sflag:s6] =	ssyncset.done $0x0  }
0x19: {  	s31 =	sand.u32 $0x7, s13;
	s14 =	sadd.s32 s5, s30;
	[sflag:s6] =	ssyncadd.s32 $0xFFFFFFC0  }
0x1a: {  	[hbm4b:s14+s31] =	stream.linear.scatter [tilespmem:s15], [sflag:$0x3], $0x40, $0x38;
	[tilespmem:$0x100] =	vst v63  }
.LBB2_5:
0x1b: {  	s15 =	sadd.s32 $0x800, s11  }
0x1c: {  	p2 =	sgt.s32 s15, $0xFFF  }
0x1d: {  	s15 =	smov.u32 @p2 s3;
	p2 =	sne.s32 s12, s9  }
.Ltmp1:
0x1e: {  	p1 =	slt.u32 s12, $0x2;
	(pc) =	sbr.rel @!p2 .LBB2_6-.Ltmp1, $4  }
0x1f: {  	s14 =	simm.s32 @!p1 $0x3  }
0x20: {  	s16 =	sadd.s32 $0x1, s12;
	_ =	swait.ge @!p1 [sflag:s14], $0x40  }
0x21: {  	s13 =	smov.u32 s11;
	p0 =	por !p0, !p0;
	[sflag:s14] =	ssyncset.done @!p1 $0x0  }
0x22: {  	s12 =	smov.u32 s16;
	s11 =	smov.u32 s15;
	[sflag:s14] =	ssyncadd.s32 @!p1 $0xFFFFFFC0  }
.LBB2_1:
0x23: {  	p1 =	sge.u32 s12, s8  }
0x24: {  	s14 =	sxor.u32 @!p1 $0xFFFFFFFF, s12  }
0x25: {  	s31 =	sadd.s32 $0xFFFFFFFF, s12;
	s15 =	sshrl.u32 @!p1 s11, $0x3;
	s14 =	sshll.u32 @!p1 s14, $0x6  }
0x26: {  	s16 =	sand.u32 @!p1 $0x7, s11;
	s15 =	sadd.s32 @!p1 s4, s15;
	s14 =	sand.u32 @!p1 $0x40, s14  }
0x27: {  	[tilespmem:s14], [sflag:$0x2] =	stream.linear.gather @!p1 [hbm4b:s15+s16], $0x40, $0x38;
	[tilespmem:$0x100] =	vst v63  }
0x28: {  	p1 =	sge.u32 s31, s8  }
.Ltmp2:
0x29: {  	_ = 	snop;
	(pc) =	sbr.rel @p1 .LBB2_5-.Ltmp2, $1  }
0x2a: {  	_ =	sdelay $0x3  }
0x2b: {  	s14 =	simm.s32 $0x1  }
0x2c: {  	_ =	swait.ge [sflag:s7], $0x40;
	s14 =	simm.s32 @!p0 $0x0  }
0x2d: {  	[sflag:s7] =	ssyncset.done $0x0;
	s14 =	sshll.u32 s14, $0x6  }
0x2e: {  	[sflag:s7] =	ssyncadd.s32 $0xFFFFFFC0;
	(ifvalue) =	ssetifvalue $0x7FFFFFFF;
	v0 =	vld.msk [tilespmem:s14+$0x0 ss:$0x1], $0xffff;
	_ =	sdelay $0x3  }
0x2f: {  	s15 =	sadd.s32 $0x10, s14  }
0x30: {  	v2 =	vld.msk [tilespmem:s15+$0x0 ss:$0x1], $0xffff;
	v1 =	vshrl.u32 v0, $0x4  }
0x31: {  	vm1 =	veq.s32 v0, $0x80000000;
	v0 =	vand.u32 $0xF, v0;
	v1 =	vand.u32 $0xFF, v1  }
0x32: {  	v0 =	vsel vm1, $0xFFFFFFFF, v0;
	v1 =	vsel vm1, $0xFFFFFFFF, v1  }
0x33: {  	v3 =	vshll.u32 v0, $0x8;
	v4 =	vshll.u32 v1, $0x3  }
0x34: {  	v0 =	vshll.u32 v0, $0x7;
	v3 =	vand.u32 $0xFFFFF800, v3;
	v4 =	vand.u32 $0xFFFFFC00, v4  }
0x35: {  	vm1 =	veq.s32 v2, $0x80000000;
	v0 =	vand.u32 $0x380, v0;
	v3 =	vadd.s32 v3, v4  }
0x36: {  	v1 =	vand.u32 $0x7F, v1;
	v0 =	vor.u32 v0, v3;
	v3 =	vshrl.u32 v2, $0x4  }
0x37: {  	s17 =	sadd.s32 $0x10, s15;
	v2 =	vand.u32 $0xF, v2;
	v1 =	vor.u32 v1, v0;
	v3 =	vand.u32 $0xFF, v3  }
0x38: {  	v0 =	vld.msk [tilespmem:s17+$0x0 ss:$0x1], $0xffff;
	v2 =	vsel vm1, $0xFFFFFFFF, v2;
	v3 =	vsel vm1, $0xFFFFFFFF, v3  }
0x39: {  	v63 =	vshll.u32 v2, $0x8;
	v5 =	vshll.u32 v3, $0x3  }
0x3a: {  	s31 =	sshll.u32 s12, $0x6;
	v2 =	vshll.u32 v2, $0x7;
	v4 =	vand.u32 $0xFFFFF800, v63;
	v5 =	vand.u32 $0xFFFFFC00, v5  }
0x3b: {  	s14 =	sor.u32 $0x80, s14;
	s15 =	sand.u32 $0x40, s31;
	(ifvalue) =	ssetifvalue $0x7FFFFFFF;
	v2 =	vand.u32 $0x380, v2;
	v4 =	vadd.s32 v4, v5  }
0x3c: {  	[tilespmem:s14], [sflag:$0x1] =	stream.indirect_vreg.gather [hbm4b:s2+s10], $0x1, v1, vm0, $0x4038;
	v1 =	vand.u32 $0x7F, v3;
	v3 =	vor.u32 v2, v4;
	[tilespmem:$0x100] =	vst v63  }
0x3d: {  	s16 =	simm.s32 $0x20;
	s15 =	sor.u32 $0x80, s15;
	s17 =	sadd.s32 $0x10, s17;
	v2 =	vshrl.u32 v0, $0x4;
	v1 =	vor.u32 v1, v3  }
.LBB2_3:
0x3e: {  	s16 =	sadd.s32 $0x10, s16;
	vm1 =	veq.s32 v0, $0x80000000;
	v3 =	vand.u32 $0xF, v0;
	v0 =	vld.msk [tilespmem:s17+$0x0 ss:$0x1], $0xffff;
	v2 =	vand.u32 $0xFF, v2  }
0x3f: {  	p1 =	slt.u32 s16, $0x30;
	v3 =	vsel vm1, $0xFFFFFFFF, v3;
	v2 =	vsel vm1, $0xFFFFFFFF, v2  }
.Ltmp3:
0x40: {  	v4 =	vshll.u32 v3, $0x8;
	v5 =	vshll.u32 v2, $0x3;
	(pc) =	sbr.rel @p1 .LBB2_3-.Ltmp3, $4  }
0x41: {  	s14 =	sadd.s32 $0x10, s14;
	v3 =	vshll.u32 v3, $0x7;
	v4 =	vand.u32 $0xFFFFF800, v4;
	v5 =	vand.u32 $0xFFFFFC00, v5;
	(ifvalue) =	ssetifvalue $0x7FFFFFFF  }
0x42: {  	v3 =	vand.u32 $0x380, v3;
	v4 =	vadd.s32 v4, v5;
	[tilespmem:s14], [sflag:$0x1] =	stream.indirect_vreg.gather [hbm4b:s2+s10], $0x1, v1, vm0, $0x4038;
	[tilespmem:$0x100] =	vst v63  }
0x43: {  	v1 =	vand.u32 $0x7F, v2;
	v3 =	vor.u32 v3, v4  }
0x44: {  	s17 =	sadd.s32 $0x10, s17;
	v2 =	vshrl.u32 v0, $0x4;
	v1 =	vor.u32 v1, v3  }
.Ltmp4:
0x45: {  	_ = 	snop;
	(pc) =	sbr.rel .LBB2_4-.Ltmp4, $1  }
0x46: {  	_ =	sdelay $0x3  }
.LBB2_6:
0x47: {  	_ =	sfence.sel $0x180000  }
0x48: {  	s2 =	simm.s32 $0x2;
	[bflag:$0x0] =	sbarrier.arrive $0xFFFF  }
0x49: {  	s30 =	simm.s32 $0x3;
	[sflag:s2] =	ssyncpa.u1 $0x1  }
0x4a: {  	s31 =	simm.s32 $0x1;
	[sflag:s30] =	ssyncpa.u1 $0x1  }
0x4b: {  	[sflag:s31] =	ssyncpa.u1 $0x1  }
0x4c: {  	p0 =	sne.s32 s0, $0x0;
	_ =	strace $0x90000050  }
0x4d: {  	s0 =	sadd.s32 @!p0 $0x100000, s1;
	[bflag:$0x2] =	sbarrier.arrive $0xFFFF  }
0x4e: {  	[sflag:s0] =	ssyncadd.tile.s32 @!p0 $0x1;
	_ =	shalt  }
.Lfunc_end2:
_tile_overlayer_lowered:
.L_overlay_start_2:
0x4f: {  	(tag) =	ssettag $0x2  }
0x50: {  	s0 =	rddreg [dreg:$0x0];
	s2 =	stileid.u32  }
0x51: {  	s1 =	rddreg [dreg:$0x1];
	p0 =	sne.s32 s2, $0x0  }
0x52: {  	s3 =	rddreg [dreg:$0x2];
	[bflag:$0x3] =	sbarrier.arrive $0xFFFF;
	s2 =	simm.s32 @!p0 $0x1C01  }
0x53: {  	[timem:s3], [sflag:s2] =	dma.local @!p0 [hbm:s0], s1  }
0x54: {  	s0 =	simm.s32 @!p0 $0x1  }
0x55: {  	_ =	swait.ge @!p0 [sflag:s0], s1  }
0x56: {  	s1 =	ssub.s32 @!p0 $0x0, s1;
	[sflag:s0] =	ssyncset.done @!p0 $0x0  }
0x57: {  	[sflag:s0] =	ssyncadd.s32 @!p0 s1  }
0x58: {  	[bflag:$0x3] =	sbarrier.arrive $0xFFFF  }
0x59: {  	_ =	shalt  }

// kernel: gather_offload_async_start
scs
__scs_entry_jumppad:
0x0: {  	(pc) =	sbr.rel $0x88, $3  }
0x1: {  	(tag) =	ssettag $0x0;
	lr =	simm.s32 $0x1  }
0x2: {  	[smem:$0x3F9F] =	sst lr;
	_ =	strace $0xD0000000  }
0x3: {  	_ = 	snop  }
0x4: {  	_ = 	snop  }
0x5: {  	_ = 	snop  }
0x6: {  	_ = 	snop  }
0x7: {  	_ = 	snop  }
__scs_overlays_trampoline_lowered:
0x8: {  	[smem:$0x3FAE] =	sst s0  }
0x9: {  	[smem:$0x3FAF] =	sst s1  }
0xa: {  	[smem:$0x3FB0] =	sst s2  }
0xb: {  	[smem:$0x3FB1] =	sst s3  }
0xc: {  	[smem:$0x3FB2] =	sst s4  }
0xd: {  	[smem:$0x3FB3] =	sst s5  }
0xe: {  	[smem:$0x3FB4] =	sst s6  }
0xf: {  	[smem:$0x3FB5] =	sst s7  }
0x10: {  	[smem:$0x3FB6] =	sst s8  }
0x11: {  	[smem:$0x3FB7] =	sst s9;
	s0 =	simm.s32 @!p0 $0x0  }
0x12: {  	s1 =	sld [smem:$0x3F9D];
	s0 =	simm.s32 @p0 $0x1  }
0x13: {  	[smem:$0x3FB8] =	sst s0;
	s0 =	simm.s32 @!p1 $0x0  }
0x14: {  	s2 =	sld [smem:$0x3F9C];
	s0 =	simm.s32 @p1 $0x1  }
0x15: {  	[smem:$0x3FB9] =	sst s0;
	s0 =	simm.s32 @!p2 $0x0  }
0x16: {  	s3 =	sld [smem:$0x3FDB];
	s0 =	simm.s32 @p2 $0x1  }
0x17: {  	s4 =	simm.s32 $0x1BF5;
	[smem:$0x3FBB] =	sst s0  }
0x18: {  	s0 =	sld [smem:$0x3F9E];
	_ =	swait.ge [sflag:s4], $0x0  }
0x19: {  	s7 =	sld [smem:$0x3F9F]  }
0x1a: {  	s8 =	sadd.s32 $0xFFFFE003, lr  }
0x1b: {  	s9 =	sadd.s32 $0xFFFFFEF7, lr;
	s5 =	simm.s32 $0xFFFFFFFF;
	p2 =	slt.u32 s8, $0xFFFFF086  }
0x1c: {  	p1 =	slt.u32 s9, $0xF7A;
	s5 =	simm.s32 @!p2 $0x0  }
0x1d: {  	s5 =	simm.s32 @p1 $0x1;
	p0 =	seq.s32 s7, s2  }
0x1e: {  	s7 =	smul.u32 @!p0 $0xF7A, s2;
	p2 =	seq.s32 @!p0 s5, $0x0  }
0x1f: {  	s9 =	smul.u32 $0xF7A, s1;
	s8 =	simm.s32 @!p0 $0x1BF5;
	p2 =	por !p2, p0  }
0x20: {  	[sflag:s8] =	ssyncset.s32 @!p0 $0xFFFFF086;
	s6 =	sadd.s32 @!p0 s3, s7;
	s7 =	simm.s32 @!p0 $0x108  }
0x21: {  	s3 =	sadd.s32 s3, s9;
	s6 =	sadd.s32 @!p0 $0x88, s6;
	s7 =	simm.s32 @p2 $0x1082  }
0x22: {  	[simem:s7], [sflag:s8] =	dma.local @!p0 [hbm:s6], $0xF7A  }
0x23: {  	s9 =	sor.u32 $0xD0000000, s2;
	s6 =	simm.s32 $0x108;
	_ =	swait.ge @!p0 [sflag:s8], $0x0  }
0x24: {  	s3 =	sadd.s32 $0x88, s3;
	s6 =	simm.s32 @!p1 $0x1082;
	[sflag:s4] =	ssyncset.s32 $0xFFFFF086  }
0x25: {  	[simem:s6], [sflag:s4] =	dma.local [hbm:s3], $0xF7A  }
0x26: {  	[smem:$0x3F9F] =	sst s1;
	(tag) =	ssettag s2;
	_ =	strace s9  }
0x27: {  	s1 =	sld [smem:$0x3FAF]  }
0x28: {  	s2 =	sld [smem:$0x3FB0]  }
0x29: {  	s4 =	sld [smem:$0x3FB2]  }
0x2a: {  	p0 =	seq.s32 s5, $0x0;
	s5 =	sld [smem:$0x3FB3]  }
0x2b: {  	s6 =	sld [smem:$0x3FB4]  }
0x2c: {  	s7 =	sld [smem:$0x3FB5]  }
0x2d: {  	s3 =	simm.s32 $0x108;
	s8 =	sld [smem:$0x3FB6]  }
0x2e: {  	s3 =	simm.s32 @!p0 $0x1082;
	s9 =	sld [smem:$0x3FB7]  }
0x2f: {  	lr =	sadd.s32 s0, s3;
	s0 =	sld [smem:$0x3FAE]  }
0x30: {  	s3 =	sld [smem:$0x3FB1]  }
0x31: {  	[smem:$0x3FBA] =	sst s10  }
0x32: {  	s10 =	sld [smem:$0x3FB8];
	_ =	sdelay $0x3  }
0x33: {  	p0 =	seq.s32 s10, $0x1;
	s10 =	sld [smem:$0x3FBA];
	_ =	sdelay $0x3  }
0x34: {  	[smem:$0x3FBA] =	sst s10  }
0x35: {  	s10 =	sld [smem:$0x3FB9];
	_ =	sdelay $0x3  }
0x36: {  	p1 =	seq.s32 s10, $0x1;
	s10 =	sld [smem:$0x3FBA];
	_ =	sdelay $0x3  }
0x37: {  	[smem:$0x3FBA] =	sst s10  }
0x38: {  	s10 =	sld [smem:$0x3FBB]  }
0x39: {  	_ = 	snop;
	(pc) =	sbr.ind lr, $3  }
0x3a: {  	_ = 	snop  }
0x3b: {  	_ = 	snop  }
0x3c: {  	p2 =	seq.s32 s10, $0x1;
	s10 =	sld [smem:$0x3FBA]  }
0x3d: {  	_ =	shalt  }
0x3e: {  	_ =	shalt  }
0x3f: {  	_ =	shalt  }
0x40: {  	_ =	shalt  }
0x41: {  	_ =	shalt  }
0x42: {  	_ =	shalt  }
0x43: {  	_ =	shalt  }
0x44: {  	_ =	shalt  }
0x45: {  	_ =	shalt  }
0x46: {  	_ =	shalt  }
0x47: {  	_ =	shalt  }
0x48: {  	_ =	shalt  }
0x49: {  	_ =	shalt  }
0x4a: {  	_ =	shalt  }
0x4b: {  	_ =	shalt  }
0x4c: {  	_ =	shalt  }
0x4d: {  	_ =	shalt  }
0x4e: {  	_ =	shalt  }
0x4f: {  	_ =	shalt  }
0x50: {  	_ =	shalt  }
0x51: {  	_ =	shalt  }
0x52: {  	_ =	shalt  }
0x53: {  	_ =	shalt  }
0x54: {  	_ =	shalt  }
0x55: {  	_ =	shalt  }
0x56: {  	_ =	shalt  }
0x57: {  	_ =	shalt  }
0x58: {  	_ =	shalt  }
0x59: {  	_ =	shalt  }
0x5a: {  	_ =	shalt  }
0x5b: {  	_ =	shalt  }
0x5c: {  	_ =	shalt  }
0x5d: {  	_ =	shalt  }
0x5e: {  	_ =	shalt  }
0x5f: {  	_ =	shalt  }
0x60: {  	_ =	shalt  }
0x61: {  	_ =	shalt  }
0x62: {  	_ =	shalt  }
0x63: {  	_ =	shalt  }
0x64: {  	_ =	shalt  }
0x65: {  	_ =	shalt  }
0x66: {  	_ =	shalt  }
0x67: {  	_ =	shalt  }
0x68: {  	_ =	shalt  }
0x69: {  	_ =	shalt  }
0x6a: {  	_ =	shalt  }
0x6b: {  	_ =	shalt  }
0x6c: {  	_ =	shalt  }
0x6d: {  	_ =	shalt  }
0x6e: {  	_ =	shalt  }
0x6f: {  	_ =	shalt  }
0x70: {  	_ =	shalt  }
0x71: {  	_ =	shalt  }
0x72: {  	_ =	shalt  }
0x73: {  	_ =	shalt  }
0x74: {  	_ =	shalt  }
0x75: {  	_ =	shalt  }
0x76: {  	_ =	shalt  }
0x77: {  	_ =	shalt  }
0x78: {  	_ =	shalt  }
0x79: {  	_ =	shalt  }
0x7a: {  	_ =	shalt  }
0x7b: {  	_ =	shalt  }
0x7c: {  	_ =	shalt  }
0x7d: {  	_ =	shalt  }
0x7e: {  	_ =	shalt  }
0x7f: {  	_ =	shalt  }
0x80: {  	_ =	shalt  }
0x81: {  	_ =	shalt  }
0x82: {  	_ =	shalt  }
0x83: {  	_ =	shalt  }
0x84: {  	_ =	shalt  }
0x85: {  	_ =	shalt  }
0x86: {  	_ =	shalt  }
0x87: {  	_ =	shalt  }
.Lfunc_end0:
.L_simem_size_0:
called_computation_lowered:
.L_overlay_start_0:
0x88: {  	s2 =	sld [smem:$0x3FD9]  }
0x89: {  	s3 =	sld [smem:$0x3FFE];
	_ =	sdelay $0x1  }
0x8a: {  	s1 =	srdreg.scid  }
0x8b: {  	s0 =	sand.u32 $0x1, s1  }
0x8c: {  	s17 =	sshll.u32 s0, $0xA;
	s2 =	sadd.s32 s3, s2  }
0x8d: {  	s2 =	sadd.s32 s2, s17  }
0x8e: {  	[smem:$0x3FC6] =	sst s2  }
0x8f: {  	_ = 	snop  }
0x90: {  	(tm) =	ssettm $0x1  }
0x91: {  	s18 =	sld [smem:$0x3FFB];
	_ =	sdelay $0x3  }
0x92: {  	_ =	strace s18  }
0x93: {  	s2 =	sld [smem:$0x3FFC];
	_ =	sdelay $0x3  }
0x94: {  	_ =	strace s2  }
0x95: {  	s2 =	sld [smem:$0x3FFD];
	_ =	sdelay $0x3  }
0x96: {  	_ =	strace s2  }
0x97: {  	_ =	strace $0x8FFFFFFF  }
0x98: {  	s19 =	sld [smem:$0x3FDB];
	_ =	sdelay $0x1  }
0x99: {  	s20 =	simm.s32 $_scs_section_size  }
0x9a: {  	s4 =	simm.s32 $_size__tile_overlayer_lowered;
	s5 =	simm.s32 $_tile_overlayer_lowered  }
0x9b: {  	s6 =	simm.s32 $0x1BFF;
	s21 =	sshll.u32 s5, $0x1;
	s3 =	sadd.s32 s20, s19  }
0x9c: {  	s22 =	simm.s32 $0x0;
	s4 =	sshll.u32 s4, $0x1;
	s5 =	sadd.s32 s21, s3  }
0x9d: {  	[timem:s22], [sflag:s6] =	dma.local [hbm:s5], s4  }
0x9e: {  	_ =	swait.ge [sflag:s6], s4  }
0x9f: {  	s4 =	ssub.s32 $0x0, s4;
	[sflag:s6] =	ssyncset.done $0x0  }
0xa0: {  	[sflag:s6] =	ssyncadd.s32 s4;
	_ =	sdelay $0x1  }
0xa1: {  	s23 =	simm.s32 $0x1B8B  }
0xa2: {  	_ =	swait.ge [sflag:s23], $0x1  }
0xa3: {  	[sflag:s23] =	ssyncset.done $0x0  }
0xa4: {  	[sflag:s23] =	ssyncadd.s32 $0xFFFFFFFF  }
0xa5: {  	s4 =	sld [smem:$0x0]  }
0xa6: {  	s5 =	sand.u32 $0xFFFFFFFE, s1  }
0xa7: {  	p0 =	sne.s32 s1, s5  }
0xa8: {  	s5 =	sshll.u32 @p0 s5, $0xE  }
0xa9: {  	s5 =	sadd.s32 @p0 $0x11B8D, s5;
	s6 =	sshll.u32 @p0 s4, $0x11  }
0xaa: {  	s5 =	sor.u32 @p0 s6, s5  }
0xab: {  	[sflag:s5] =	ssyncadd.remote.s32 @p0 $0x1;
	_ =	sdelay $0x1  }
0xac: {  	s5 =	simm.s32 @p0 $0x1B8D  }
0xad: {  	_ =	swait.eq @p0 [sflag:s5], $0x1  }
0xae: {  	[sflag:s5] =	ssyncadd.s32 @p0 $0xFFFFFFFF  }
0xaf: {  	s6 =	sshll.u32 @!p0 s1, $0xE  }
0xb0: {  	s6 =	sor.u32 @!p0 $0x4000, s6;
	s5 =	simm.s32 @!p0 $0x1B8D  }
0xb1: {  	s4 =	sshll.u32 @!p0 s4, $0x11;
	s6 =	sadd.s32 @!p0 $0x11B8D, s6;
	_ =	swait.eq @!p0 [sflag:s5], $0x1  }
0xb2: {  	s4 =	sor.u32 @!p0 s4, s6;
	[sflag:s5] =	ssyncadd.s32 @!p0 $0xFFFFFFFF  }
0xb3: {  	s25 =	simm.s32 $0x1B8E;
	s24 =	sld [smem:$0x3FFE];
	[sflag:s4] =	ssyncadd.remote.s32 @!p0 $0x1  }
0xb4: {  	s26 =	simm.s32 $execute0_lowered;
	[smem:$0x3FD2] =	sst s25  }
0xb5: {  	s5 =	sshll.u32 s26, $0x1;
	_ =	strace $0x80000049;
	[dreg:$0x1] =	wrdreg $0xFFFFFFFF  }
0xb6: {  	s28 =	simm.s32 $_size_execute0_lowered;
	s3 =	sadd.s32 s3, s5;
	[dreg:$0x0] =	wrdreg $0x0  }
0xb7: {  	s5 =	sshll.u32 s28, $0x1;
	[dreg:$0x2] =	wrdreg s3  }
0xb8: {  	[dreg:$0x3] =	wrdreg s5  }
0xb9: {  	[dreg:$0x4] =	wrdreg $0xC0  }
0xba: {  	_ =	task [dreg:s22], $0x5FFFF  }
0xbb: {  	[dreg:$0x1] =	wrdreg $0xFFFFFFFF  }
0xbc: {  	[dreg:$0x0] =	wrdreg $0x60  }
0xbd: {  	[dreg:$0x2] =	wrdreg s24  }
0xbe: {  	[dreg:$0x3] =	wrdreg $0x9  }
0xbf: {  	_ =	task.clear_ibuf [dreg:s22], $0x4FFFF;
	_ =	strace $0x90000049  }
0xc0: {  	s29 =	simm.s32 $0x9;
	_ =	strace $0x8000004B  }
0xc1: {  	_ =	swait.ge [sflag:s29], $0x1  }
0xc2: {  	[sflag:s29] =	ssyncadd.s32 $0xFFFFFFFF  }
0xc3: {  	_ =	strace $0x9000004B  }
0xc4: {  	_ =	sfence  }
0xc5: {  	s30 =	sld [smem:$0x0];
	_ =	sdelay $0x2  }
0xc6: {  	s31 =	sshll.u32 s1, $0xD;
	s1 =	sshrl.u32 s1, $0x2  }
0xc7: {  	s4 =	sand.u32 $0x4000, s31;
	s1 =	sadd.s32 s1, s30  }
0xc8: {  	s0 =	sor.u32 s4, s0;
	s1 =	sshll.u32 s1, $0x11  }
0xc9: {  	s0 =	sor.u32 s1, s0  }
0xca: {  	s0 =	sadd.s32 $0x8F2B, s0  }
0xcb: {  	[sflag:s0] =	ssyncadd.remote.s32 $0x1  }
0xcc: {  	_ =	sfence.sel $0xFFFF  }
0xcd: {  	[dreg:$0x0] =	wrdreg $0xFFFFFFFF;
	(pc) =	sbr.abs _section_cstart, $3  }
0xce: {  	[dreg:$0x1] =	wrdreg $0xFFFFFFFF  }
0xcf: {  	_ =	task.clear_ibuf [dreg:s22], $0x2FFFF;
	_ =	strace $0x9FFFFFFF  }
0xd0: {  	(tm) =	ssettm $0x7FFFFFFF  }
0xd1: {  	_ =	shalt  }
tec
execute0_lowered:
.L_overlay_start_1:
0x0: {  	(tag) =	ssettag $0x1  }
0x1: {  	s0 =	srdreg.scid;
	s5 =	rddreg [dreg:$0x0]  }
0x2: {  	s1 =	stileid.u32;
	s6 =	simm.s32 $0x1;
	s9 =	simm.s32 $0x1  }
0x3: {  	s10 =	simm.s32 $0x3;
	s13 =	simm.s32 $0x0;
	s2 =	sshll.u32 s0, $0x6  }
0x4: {  	s12 =	simm.s32 $0x0;
	s3 =	sshll.u32 s1, $0x7;
	s2 =	sand.u32 $0x40, s2  }
0x5: {  	s0 =	rddreg [dreg:$0x1];
	_ =	strace $0x8000004A;
	s2 =	sor.u32 s3, s2  }
0x6: {  	s4 =	sadd.s32 $0x800, s5;
	[sflag:s6] =	ssyncpa.u1 $0x0;
	s8 =	ssub.s32 $0x1000, s2  }
.Ltmp0:
0x7: {  	s3 =	sadd.s32 $0x200, s5;
	s7 =	sand.u32 $0x7C0, s8;
	(pc) =	sbr.rel .LBB2_1-.Ltmp0, $4  }
0x8: {  	s5 =	sadd.s32 $0xC00, s5;
	s11 =	smov.u32 s2;
	p0 =	sne.s32 s7, $0x0  }
0x9: {  	s8 =	sshrl.u32 s8, $0xB;
	s7 =	simm.s32 $0x2;
	s9 =	simm.s32 @!p0 $0x0  }
0xa: {  	[sflag:s7] =	ssyncpa.u1 $0x0;
	p0 =	por $0x0, $0x0;
	s8 =	sadd.s32 s9, s8  }
0xb: {  	vm0 =	vmmov $0xffff;
	[sflag:s10] =	ssyncpa.u1 $0x0;
	s10 =	simm.s32 $0x0;
	s9 =	sadd.s32 $0x1, s8  }
.LBB2_4:
0xc: {  	v2 =	vnsel vm1, $0x0, v2  }
0xd: {  	vm1 =	vgt.s32 v0, $0x0;
	v2 =	vmin.u32 v2, $0xFFF  }
0xe: {  	v0 =	vnsel vm1, $0x0, v0  }
0xf: {  	v0 =	vmin.u32 v0, $0xFFF  }
0x10: {  	[tilespmem:s15], [sflag:$0x1] =	stream.indirect_vreg.gather [hbm4b:s3+s10], $0x1, v1, vm0, $0x4038;
	[tilespmem:$0x100] =	vst v63  }
0x11: {  	(ifvalue) =	ssetifvalue $0x7FFFFFFF  }
0x12: {  	[tilespmem:s16], [sflag:$0x1] =	stream.indirect_vreg.gather [hbm4b:s3+s10], $0x1, v2, vm0, $0x4038;
	[tilespmem:$0x100] =	vst v63  }
0x13: {  	s29 =	sadd.s32 $0x10, s16;
	(ifvalue) =	ssetifvalue $0x7FFFFFFF  }
0x14: {  	[tilespmem:s29], [sflag:$0x1] =	stream.indirect_vreg.gather [hbm4b:s3+s10], $0x1, v0, vm0, $0x4038;
	[tilespmem:$0x100] =	vst v63  }
0x15: {  	_ =	swait.ge [sflag:s6], $0x40  }
0x16: {  	s30 =	sshrl.u32 s13, $0x3;
	[sflag:s6] =	ssyncset.done $0x0  }
0x17: {  	s31 =	sand.u32 $0x7, s13;
	s15 =	sadd.s32 s5, s30;
	[sflag:s6] =	ssyncadd.s32 $0xFFFFFFC0  }
0x18: {  	[hbm4b:s15+s31] =	stream.linear.scatter [tilespmem:s14], [sflag:$0x3], $0x40, $0x38;
	[tilespmem:$0x100] =	vst v63  }
.LBB2_5:
0x19: {  	s15 =	sadd.s32 $0x800, s11  }
0x1a: {  	p2 =	sgt.s32 s15, $0xFFF  }
0x1b: {  	s15 =	smov.u32 @p2 s2;
	p2 =	sne.s32 s12, s9  }
.Ltmp1:
0x1c: {  	p1 =	slt.u32 s12, $0x2;
	(pc) =	sbr.rel @!p2 .LBB2_6-.Ltmp1, $4  }
0x1d: {  	s14 =	simm.s32 @!p1 $0x3  }
0x1e: {  	s16 =	sadd.s32 $0x1, s12;
	_ =	swait.ge @!p1 [sflag:s14], $0x40  }
0x1f: {  	s13 =	smov.u32 s11;
	p0 =	por !p0, !p0;
	[sflag:s14] =	ssyncset.done @!p1 $0x0  }
0x20: {  	s12 =	smov.u32 s16;
	s11 =	smov.u32 s15;
	[sflag:s14] =	ssyncadd.s32 @!p1 $0xFFFFFFC0  }
.LBB2_1:
0x21: {  	p1 =	sge.u32 s12, s8  }
0x22: {  	s14 =	sxor.u32 @!p1 $0xFFFFFFFF, s12  }
0x23: {  	s31 =	sadd.s32 $0xFFFFFFFF, s12;
	s15 =	sshrl.u32 @!p1 s11, $0x3;
	s14 =	sshll.u32 @!p1 s14, $0x6  }
0x24: {  	s16 =	sand.u32 @!p1 $0x7, s11;
	s15 =	sadd.s32 @!p1 s4, s15;
	s14 =	sand.u32 @!p1 $0x40, s14  }
0x25: {  	[tilespmem:s14], [sflag:$0x2] =	stream.linear.gather @!p1 [hbm4b:s15+s16], $0x40, $0x38;
	[tilespmem:$0x100] =	vst v63  }
0x26: {  	p1 =	sge.u32 s31, s8  }
.Ltmp2:
0x27: {  	_ = 	snop;
	(pc) =	sbr.rel @p1 .LBB2_5-.Ltmp2, $1  }
0x28: {  	_ =	sdelay $0x3  }
0x29: {  	s14 =	simm.s32 $0x1  }
0x2a: {  	_ =	swait.ge [sflag:s7], $0x40;
	s14 =	simm.s32 @!p0 $0x0  }
0x2b: {  	[sflag:s7] =	ssyncset.done $0x0;
	s14 =	sshll.u32 s14, $0x6  }
0x2c: {  	[sflag:s7] =	ssyncadd.s32 $0xFFFFFFC0;
	(ifvalue) =	ssetifvalue $0x7FFFFFFF;
	v0 =	vld.msk [tilespmem:s14+$0x0 ss:$0x1], $0xffff;
	_ =	sdelay $0x4  }
0x2d: {  	s15 =	sadd.s32 $0x10, s14;
	vm1 =	vgt.s32 v0, $0x0  }
0x2e: {  	v2 =	vld.msk [tilespmem:s15+$0x0 ss:$0x1], $0xffff;
	v1 =	vnsel vm1, $0x0, v0  }
0x2f: {  	v1 =	vmin.u32 v1, $0xFFF;
	_ =	sdelay $0x1  }
0x30: {  	s16 =	sshll.u32 s12, $0x6;
	s18 =	simm.s32 $0x20  }
0x31: {  	s16 =	sand.u32 $0x40, s16;
	s17 =	sadd.s32 $0x10, s15;
	s15 =	sor.u32 $0x80, s14  }
0x32: {  	s14 =	sor.u32 $0x80, s16;
	s16 =	sadd.s32 $0x10, s15;
	v0 =	vld.msk [tilespmem:s17+$0x0 ss:$0x1], $0xffff;
	vm1 =	vgt.s32 v2, $0x0;
	(ifvalue) =	ssetifvalue $0x7FFFFFFF  }
.LBB2_3:
0x33: {  	[tilespmem:s15], [sflag:$0x1] =	stream.indirect_vreg.gather [hbm4b:s3+s10], $0x1, v1, vm0, $0x4038;
	[tilespmem:$0x100] =	vst v63  }
0x34: {  	s18 =	sadd.s32 $0x10, s18  }
0x35: {  	v2 =	vnsel vm1, $0x0, v2;
	p1 =	slt.u32 s18, $0x30  }
.Ltmp3:
0x36: {  	s15 =	smov.u32 s16;
	v1 =	vmin.u32 v2, $0xFFF;
	(pc) =	sbr.rel @p1 .LBB2_3-.Ltmp3, $3  }
0x37: {  	_ =	sdelay $0x1  }
0x38: {  	s17 =	sadd.s32 $0x10, s17  }
0x39: {  	vm1 =	vgt.s32 v0, $0x0;
	s16 =	sadd.s32 $0x10, s16;
	v2 =	vmov v0;
	(ifvalue) =	ssetifvalue $0x7FFFFFFF;
	v0 =	vld.msk [tilespmem:s17+$0x0 ss:$0x1], $0xffff  }
.Ltmp4:
0x3a: {  	_ = 	snop;
	(pc) =	sbr.rel .LBB2_4-.Ltmp4, $1  }
0x3b: {  	_ =	sdelay $0x3  }
.LBB2_6:
0x3c: {  	_ =	sfence.sel $0x180000  }
0x3d: {  	s2 =	simm.s32 $0x2;
	[bflag:$0x0] =	sbarrier.arrive $0xFFFF  }
0x3e: {  	s30 =	simm.s32 $0x3;
	[sflag:s2] =	ssyncpa.u1 $0x1  }
0x3f: {  	s31 =	simm.s32 $0x1;
	[sflag:s30] =	ssyncpa.u1 $0x1  }
0x40: {  	[sflag:s31] =	ssyncpa.u1 $0x1  }
0x41: {  	p0 =	sne.s32 s1, $0x0;
	_ =	strace $0x9000004A  }
0x42: {  	s0 =	sadd.s32 @!p0 $0x100000, s0;
	[bflag:$0x2] =	sbarrier.arrive $0xFFFF  }
0x43: {  	[sflag:s0] =	ssyncadd.tile.s32 @!p0 $0x1;
	_ =	shalt  }
.Lfunc_end2:
_tile_overlayer_lowered:
.L_overlay_start_2:
0x44: {  	(tag) =	ssettag $0x2  }
0x45: {  	s0 =	rddreg [dreg:$0x0];
	s2 =	stileid.u32  }
0x46: {  	s1 =	rddreg [dreg:$0x1];
	p0 =	sne.s32 s2, $0x0  }
0x47: {  	s3 =	rddreg [dreg:$0x2];
	[bflag:$0x3] =	sbarrier.arrive $0xFFFF;
	s2 =	simm.s32 @!p0 $0x1C01  }
0x48: {  	[timem:s3], [sflag:s2] =	dma.local @!p0 [hbm:s0], s1  }
0x49: {  	s0 =	simm.s32 @!p0 $0x1  }
0x4a: {  	_ =	swait.ge @!p0 [sflag:s0], s1  }
0x4b: {  	s1 =	ssub.s32 @!p0 $0x0, s1;
	[sflag:s0] =	ssyncset.done @!p0 $0x0  }
0x4c: {  	[sflag:s0] =	ssyncadd.s32 @!p0 s1  }
0x4d: {  	[bflag:$0x3] =	sbarrier.arrive $0xFFFF  }
0x4e: {  	_ =	shalt  }

// kernel: kernel.3.cloned.1.call-start
scs
__scs_entry_jumppad:
0x0: {  	(pc) =	sbr.rel $0x88, $3  }
0x1: {  	(tag) =	ssettag $0x0;
	lr =	simm.s32 $0x1  }
0x2: {  	[smem:$0x3F9F] =	sst lr;
	_ =	strace $0xD0000000  }
0x3: {  	_ = 	snop  }
0x4: {  	_ = 	snop  }
0x5: {  	_ = 	snop  }
0x6: {  	_ = 	snop  }
0x7: {  	_ = 	snop  }
__scs_overlays_trampoline_lowered:
0x8: {  	[smem:$0x3FAE] =	sst s0  }
0x9: {  	[smem:$0x3FAF] =	sst s1  }
0xa: {  	[smem:$0x3FB0] =	sst s2  }
0xb: {  	[smem:$0x3FB1] =	sst s3  }
0xc: {  	[smem:$0x3FB2] =	sst s4  }
0xd: {  	[smem:$0x3FB3] =	sst s5  }
0xe: {  	[smem:$0x3FB4] =	sst s6  }
0xf: {  	[smem:$0x3FB5] =	sst s7  }
0x10: {  	[smem:$0x3FB6] =	sst s8  }
0x11: {  	[smem:$0x3FB7] =	sst s9;
	s0 =	simm.s32 @!p0 $0x0  }
0x12: {  	s1 =	sld [smem:$0x3F9D];
	s0 =	simm.s32 @p0 $0x1  }
0x13: {  	[smem:$0x3FB8] =	sst s0;
	s0 =	simm.s32 @!p1 $0x0  }
0x14: {  	s2 =	sld [smem:$0x3F9C];
	s0 =	simm.s32 @p1 $0x1  }
0x15: {  	[smem:$0x3FB9] =	sst s0;
	s0 =	simm.s32 @!p2 $0x0  }
0x16: {  	s3 =	sld [smem:$0x3FDB];
	s0 =	simm.s32 @p2 $0x1  }
0x17: {  	s4 =	simm.s32 $0x1BF5;
	[smem:$0x3FBB] =	sst s0  }
0x18: {  	s0 =	sld [smem:$0x3F9E];
	_ =	swait.ge [sflag:s4], $0x0  }
0x19: {  	s7 =	sld [smem:$0x3F9F]  }
0x1a: {  	s8 =	sadd.s32 $0xFFFFE003, lr  }
0x1b: {  	s9 =	sadd.s32 $0xFFFFFEF7, lr;
	s5 =	simm.s32 $0xFFFFFFFF;
	p2 =	slt.u32 s8, $0xFFFFF086  }
0x1c: {  	p1 =	slt.u32 s9, $0xF7A;
	s5 =	simm.s32 @!p2 $0x0  }
0x1d: {  	s5 =	simm.s32 @p1 $0x1;
	p0 =	seq.s32 s7, s2  }
0x1e: {  	s7 =	smul.u32 @!p0 $0xF7A, s2;
	p2 =	seq.s32 @!p0 s5, $0x0  }
0x1f: {  	s9 =	smul.u32 $0xF7A, s1;
	s8 =	simm.s32 @!p0 $0x1BF5;
	p2 =	por !p2, p0  }
0x20: {  	[sflag:s8] =	ssyncset.s32 @!p0 $0xFFFFF086;
	s6 =	sadd.s32 @!p0 s3, s7;
	s7 =	simm.s32 @!p0 $0x108  }
0x21: {  	s3 =	sadd.s32 s3, s9;
	s6 =	sadd.s32 @!p0 $0x88, s6;
	s7 =	simm.s32 @p2 $0x1082  }
0x22: {  	[simem:s7], [sflag:s8] =	dma.local @!p0 [hbm:s6], $0xF7A  }
0x23: {  	s9 =	sor.u32 $0xD0000000, s2;
	s6 =	simm.s32 $0x108;
	_ =	swait.ge @!p0 [sflag:s8], $0x0  }
0x24: {  	s3 =	sadd.s32 $0x88, s3;
	s6 =	simm.s32 @!p1 $0x1082;
	[sflag:s4] =	ssyncset.s32 $0xFFFFF086  }
0x25: {  	[simem:s6], [sflag:s4] =	dma.local [hbm:s3], $0xF7A  }
0x26: {  	[smem:$0x3F9F] =	sst s1;
	(tag) =	ssettag s2;
	_ =	strace s9  }
0x27: {  	s1 =	sld [smem:$0x3FAF]  }
0x28: {  	s2 =	sld [smem:$0x3FB0]  }
0x29: {  	s4 =	sld [smem:$0x3FB2]  }
0x2a: {  	p0 =	seq.s32 s5, $0x0;
	s5 =	sld [smem:$0x3FB3]  }
0x2b: {  	s6 =	sld [smem:$0x3FB4]  }
0x2c: {  	s7 =	sld [smem:$0x3FB5]  }
0x2d: {  	s3 =	simm.s32 $0x108;
	s8 =	sld [smem:$0x3FB6]  }
0x2e: {  	s3 =	simm.s32 @!p0 $0x1082;
	s9 =	sld [smem:$0x3FB7]  }
0x2f: {  	lr =	sadd.s32 s0, s3;
	s0 =	sld [smem:$0x3FAE]  }
0x30: {  	s3 =	sld [smem:$0x3FB1]  }
0x31: {  	[smem:$0x3FBA] =	sst s10  }
0x32: {  	s10 =	sld [smem:$0x3FB8];
	_ =	sdelay $0x3  }
0x33: {  	p0 =	seq.s32 s10, $0x1;
	s10 =	sld [smem:$0x3FBA];
	_ =	sdelay $0x3  }
0x34: {  	[smem:$0x3FBA] =	sst s10  }
0x35: {  	s10 =	sld [smem:$0x3FB9];
	_ =	sdelay $0x3  }
0x36: {  	p1 =	seq.s32 s10, $0x1;
	s10 =	sld [smem:$0x3FBA];
	_ =	sdelay $0x3  }
0x37: {  	[smem:$0x3FBA] =	sst s10  }
0x38: {  	s10 =	sld [smem:$0x3FBB]  }
0x39: {  	_ = 	snop;
	(pc) =	sbr.ind lr, $3  }
0x3a: {  	_ = 	snop  }
0x3b: {  	_ = 	snop  }
0x3c: {  	p2 =	seq.s32 s10, $0x1;
	s10 =	sld [smem:$0x3FBA]  }
0x3d: {  	_ =	shalt  }
0x3e: {  	_ =	shalt  }
0x3f: {  	_ =	shalt  }
0x40: {  	_ =	shalt  }
0x41: {  	_ =	shalt  }
0x42: {  	_ =	shalt  }
0x43: {  	_ =	shalt  }
0x44: {  	_ =	shalt  }
0x45: {  	_ =	shalt  }
0x46: {  	_ =	shalt  }
0x47: {  	_ =	shalt  }
0x48: {  	_ =	shalt  }
0x49: {  	_ =	shalt  }
0x4a: {  	_ =	shalt  }
0x4b: {  	_ =	shalt  }
0x4c: {  	_ =	shalt  }
0x4d: {  	_ =	shalt  }
0x4e: {  	_ =	shalt  }
0x4f: {  	_ =	shalt  }
0x50: {  	_ =	shalt  }
0x51: {  	_ =	shalt  }
0x52: {  	_ =	shalt  }
0x53: {  	_ =	shalt  }
0x54: {  	_ =	shalt  }
0x55: {  	_ =	shalt  }
0x56: {  	_ =	shalt  }
0x57: {  	_ =	shalt  }
0x58: {  	_ =	shalt  }
0x59: {  	_ =	shalt  }
0x5a: {  	_ =	shalt  }
0x5b: {  	_ =	shalt  }
0x5c: {  	_ =	shalt  }
0x5d: {  	_ =	shalt  }
0x5e: {  	_ =	shalt  }
0x5f: {  	_ =	shalt  }
0x60: {  	_ =	shalt  }
0x61: {  	_ =	shalt  }
0x62: {  	_ =	shalt  }
0x63: {  	_ =	shalt  }
0x64: {  	_ =	shalt  }
0x65: {  	_ =	shalt  }
0x66: {  	_ =	shalt  }
0x67: {  	_ =	shalt  }
0x68: {  	_ =	shalt  }
0x69: {  	_ =	shalt  }
0x6a: {  	_ =	shalt  }
0x6b: {  	_ =	shalt  }
0x6c: {  	_ =	shalt  }
0x6d: {  	_ =	shalt  }
0x6e: {  	_ =	shalt  }
0x6f: {  	_ =	shalt  }
0x70: {  	_ =	shalt  }
0x71: {  	_ =	shalt  }
0x72: {  	_ =	shalt  }
0x73: {  	_ =	shalt  }
0x74: {  	_ =	shalt  }
0x75: {  	_ =	shalt  }
0x76: {  	_ =	shalt  }
0x77: {  	_ =	shalt  }
0x78: {  	_ =	shalt  }
0x79: {  	_ =	shalt  }
0x7a: {  	_ =	shalt  }
0x7b: {  	_ =	shalt  }
0x7c: {  	_ =	shalt  }
0x7d: {  	_ =	shalt  }
0x7e: {  	_ =	shalt  }
0x7f: {  	_ =	shalt  }
0x80: {  	_ =	shalt  }
0x81: {  	_ =	shalt  }
0x82: {  	_ =	shalt  }
0x83: {  	_ =	shalt  }
0x84: {  	_ =	shalt  }
0x85: {  	_ =	shalt  }
0x86: {  	_ =	shalt  }
0x87: {  	_ =	shalt  }
.Lfunc_end0:
.L_simem_size_0:
called_computation.5_lowered:
.L_overlay_start_0:
0x88: {  	s2 =	sld [smem:$0x3FD9]  }
0x89: {  	s3 =	sld [smem:$0x3FFE];
	_ =	sdelay $0x1  }
0x8a: {  	s1 =	srdreg.scid  }
0x8b: {  	s0 =	sand.u32 $0x1, s1  }
0x8c: {  	s17 =	sshll.u32 s0, $0xA;
	s2 =	sadd.s32 s3, s2  }
0x8d: {  	s2 =	sadd.s32 s2, s17  }
0x8e: {  	[smem:$0x3FC6] =	sst s2  }
0x8f: {  	_ = 	snop  }
0x90: {  	s2 =	sld [smem:$0x3FC9]  }
0x91: {  	s18 =	sld [smem:$0x3FD0];
	(tm) =	ssettm $0x1  }
0x92: {  	s4 =	sld [smem:$0x3FFB];
	_ =	sdelay $0x3  }
0x93: {  	_ =	strace s4  }
0x94: {  	s4 =	sld [smem:$0x3FFC];
	_ =	sdelay $0x3  }
0x95: {  	_ =	strace s4  }
0x96: {  	s4 =	sld [smem:$0x3FFD];
	_ =	sdelay $0x3  }
0x97: {  	_ =	strace s4  }
0x98: {  	_ =	strace $0x8FFFFFFF  }
0x99: {  	s19 =	sld [smem:$0x3FDB];
	_ =	sdelay $0x1  }
0x9a: {  	s5 =	simm.s32 $_scs_section_size  }
0x9b: {  	s6 =	simm.s32 $_size__tile_overlayer_lowered;
	s7 =	simm.s32 $_tile_overlayer_lowered  }
0x9c: {  	s22 =	simm.s32 $0x1BFF;
	s21 =	sshll.u32 s7, $0x1;
	s4 =	sadd.s32 s5, s19  }
0x9d: {  	s8 =	simm.s32 $0x0;
	s20 =	sshll.u32 s6, $0x1;
	s6 =	sadd.s32 s21, s4  }
0x9e: {  	[timem:s8], [sflag:s22] =	dma.local [hbm:s6], s20  }
0x9f: {  	_ =	swait.ge [sflag:s22], s20  }
0xa0: {  	s5 =	ssub.s32 $0x0, s20;
	[sflag:s22] =	ssyncset.done $0x0  }
0xa1: {  	[sflag:s22] =	ssyncadd.s32 s5;
	_ =	sdelay $0x1  }
0xa2: {  	s23 =	simm.s32 $0x1B8B  }
0xa3: {  	_ =	swait.ge [sflag:s23], $0x1  }
0xa4: {  	[sflag:s23] =	ssyncset.done $0x0  }
0xa5: {  	s25 =	simm.s32 $0x1B8E;
	s24 =	sld [smem:$0x3FFE];
	[sflag:s23] =	ssyncadd.s32 $0xFFFFFFFF  }
0xa6: {  	s26 =	simm.s32 $execute0_lowered;
	[smem:$0x3FD2] =	sst s25  }
0xa7: {  	s6 =	sshll.u32 s26, $0x1;
	_ =	strace $0x80000055;
	[dreg:$0x1] =	wrdreg $0xFFFFFFFF  }
0xa8: {  	s28 =	simm.s32 $_size_execute0_lowered;
	s4 =	sadd.s32 s4, s6;
	[dreg:$0x0] =	wrdreg $0x0  }
0xa9: {  	s6 =	sshll.u32 s28, $0x1;
	[dreg:$0x2] =	wrdreg s4  }
0xaa: {  	[dreg:$0x3] =	wrdreg s6  }
0xab: {  	[dreg:$0x4] =	wrdreg $0xC0  }
0xac: {  	_ =	task [dreg:s8], $0x5FFFF  }
0xad: {  	[dreg:$0x1] =	wrdreg $0xFFFFFFFF  }
0xae: {  	[dreg:$0x0] =	wrdreg $0x60  }
0xaf: {  	[dreg:$0x2] =	wrdreg s2  }
0xb0: {  	[dreg:$0x3] =	wrdreg s24  }
0xb1: {  	[dreg:$0x4] =	wrdreg s18  }
0xb2: {  	[dreg:$0x5] =	wrdreg $0x9  }
0xb3: {  	_ =	task.clear_ibuf [dreg:s8], $0x6FFFF;
	_ =	strace $0x90000055  }
0xb4: {  	s29 =	simm.s32 $0x9;
	_ =	strace $0x80000057  }
0xb5: {  	_ =	swait.ge [sflag:s29], $0x1  }
0xb6: {  	[sflag:s29] =	ssyncadd.s32 $0xFFFFFFFF  }
0xb7: {  	_ =	strace $0x90000057  }
0xb8: {  	_ =	sfence  }
0xb9: {  	s30 =	sld [smem:$0x0];
	_ =	sdelay $0x2  }
0xba: {  	s31 =	sshll.u32 s1, $0xD;
	s1 =	sshrl.u32 s1, $0x2  }
0xbb: {  	s3 =	sand.u32 $0x4000, s31;
	s1 =	sadd.s32 s1, s30  }
0xbc: {  	s0 =	sor.u32 s3, s0;
	s1 =	sshll.u32 s1, $0x11  }
0xbd: {  	s0 =	sor.u32 s1, s0  }
0xbe: {  	s0 =	sadd.s32 $0x8F2B, s0  }
0xbf: {  	[sflag:s0] =	ssyncadd.remote.s32 $0x1  }
0xc0: {  	_ =	sfence.sel $0xFFFF  }
0xc1: {  	[dreg:$0x0] =	wrdreg $0xFFFFFFFF;
	(pc) =	sbr.abs _section_cstart, $3  }
0xc2: {  	[dreg:$0x1] =	wrdreg $0xFFFFFFFF  }
0xc3: {  	_ =	task.clear_ibuf [dreg:s8], $0x2FFFF;
	_ =	strace $0x9FFFFFFF  }
0xc4: {  	(tm) =	ssettm $0x7FFFFFFF  }
0xc5: {  	_ =	shalt  }
tec
execute0_lowered:
.L_overlay_start_1:
0x0: {  	(tag) =	ssettag $0x1  }
0x1: {  	s1 =	rddreg [dreg:$0x0]  }
0x2: {  	s2 =	rddreg [dreg:$0x1]  }
0x3: {  	s3 =	rddreg [dreg:$0x2]  }
0x4: {  	s0 =	rddreg [dreg:$0x3];
	s4 =	simm.s32 $0x0  }
0x5: {  	s5 =	srdreg.scid;
	s10 =	simm.s32 $0x4;
	s11 =	simm.s32 $0x3  }
0x6: {  	s12 =	simm.s32 $0x8000;
	s13 =	simm.s32 $0x10000;
	s14 =	simm.s32 $0x1  }
0x7: {  	s15 =	simm.s32 $0x2;
	s16 =	simm.s32 $0x0;
	s6 =	sand.u32 $0x1, s5  }
0x8: {  	[smem:$0x7FF] =	sst s4;
	s5 =	stileid.u32;
	s7 =	ssub.s32 $0x2, s6  }
0x9: {  	s9 =	sshll.u32 s5, $0x6;
	s6 =	sshll.u32 s6, $0x5;
	s8 =	sshrl.u32 s7, $0x1  }
0xa: {  	_ =	strace $0x80000056;
	s6 =	sor.u32 s6, s9;
	s8 =	ssub.s32 s7, s8  }
0xb: {  	v0 =	vimm.f32 $0.0e+00;
	s9 =	simm.s32 $0x18000;
	s7 =	sadd.s32 $0x400000, s3;
	s8 =	smax.u32 s8, $0x1  }
.LBB2_1:
0xc: {  	[tilespmem:s9], [sflag:$0x4] =	stream.linear.gather [hbm4b:s2+s4], $0x3000, $0x38;
	[tilespmem:$0x1B000] =	vst v63  }
0xd: {  	_ =	swait.ge [sflag:s10], $0x3000  }
0xe: {  	[sflag:s10] =	ssyncset.done $0x0  }
0xf: {  	s17 =	simm.s32 $0x0;
	[sflag:s10] =	ssyncadd.s32 $0xFFFFD000  }
.LBB2_2:
0x10: {  	s18 =	sadd.s32 s6, s17  }
0x11: {  	s18 =	sshll.u32 s18, $0xC  }
0x12: {  	p0 =	seq.s32 s17, $0x0;
	s19 =	sadd.s32 s1, s18  }
0x13: {  	[tilespmem:s4], [sflag:$0x3] =	stream.linear.gather [hbm4b:s19+s4], $0x8000, $0x38;
	[tilespmem:$0x1B000] =	vst v63  }
0x14: {  	s19 =	simm.s32 @!p0 $0x1  }
0x15: {  	s20 =	simm.s32 $0x0;
	s21 =	simm.s32 $0x0;
	_ =	swait.ge @!p0 [sflag:s19], $0x8000  }
0x16: {  	s20 =	sand.u32 $0x380, s20;
	s21 =	sand.u32 $0x7800, s21;
	[sflag:s19] =	ssyncset.done @!p0 $0x0  }
0x17: {  	[sflag:s19] =	ssyncadd.s32 @!p0 $0xFFFF8000;
	s19 =	sor.u32 s20, s21  }
0x18: {  	[tilespmem:s19+$0x8470] =	vst v0  }
0x19: {  	[tilespmem:s19+$0x8000] =	vst v0  }
0x1a: {  	[tilespmem:s19+$0x8010] =	vst v0  }
0x1b: {  	[tilespmem:s19+$0x8020] =	vst v0  }
0x1c: {  	[tilespmem:s19+$0x8030] =	vst v0  }
0x1d: {  	[tilespmem:s19+$0x8040] =	vst v0  }
0x1e: {  	[tilespmem:s19+$0x8050] =	vst v0  }
0x1f: {  	[tilespmem:s19+$0x8060] =	vst v0  }
0x20: {  	[tilespmem:s19+$0x8070] =	vst v0  }
0x21: {  	[tilespmem:s19+$0x8400] =	vst v0  }
0x22: {  	[tilespmem:s19+$0x8410] =	vst v0  }
0x23: {  	[tilespmem:s19+$0x8420] =	vst v0  }
0x24: {  	s22 =	simm.s32 $0x8;
	[tilespmem:s19+$0x8430] =	vst v0  }
0x25: {  	s23 =	simm.s32 $0x800;
	s20 =	simm.s32 $0x2000;
	s21 =	simm.s32 $0x10;
	[tilespmem:s19+$0x8440] =	vst v0  }
.LBB2_3:
0x26: {  	p1 =	sne.s32 s21, $0x3F8;
	s22 =	sand.u32 $0x380, s22;
	s23 =	sand.u32 $0x7800, s23;
	[tilespmem:s19+$0x8450] =	vst v0  }
0x27: {  	[tilespmem:s19+$0x8460] =	vst v0;
	s19 =	sor.u32 s22, s23;
	s22 =	smov.u32 s21  }
0x28: {  	[tilespmem:s19+$0x8470] =	vst v0  }
0x29: {  	[tilespmem:s19+$0x8000] =	vst v0  }
0x2a: {  	[tilespmem:s19+$0x8010] =	vst v0  }
0x2b: {  	[tilespmem:s19+$0x8020] =	vst v0  }
0x2c: {  	[tilespmem:s19+$0x8030] =	vst v0  }
0x2d: {  	[tilespmem:s19+$0x8040] =	vst v0  }
0x2e: {  	[tilespmem:s19+$0x8050] =	vst v0  }
0x2f: {  	[tilespmem:s19+$0x8060] =	vst v0  }
0x30: {  	[tilespmem:s19+$0x8070] =	vst v0  }
.Ltmp0:
0x31: {  	[tilespmem:s19+$0x8400] =	vst v0;
	(pc) =	sbr.rel @p1 .LBB2_3-.Ltmp0, $4  }
0x32: {  	[tilespmem:s19+$0x8410] =	vst v0  }
0x33: {  	[tilespmem:s19+$0x8420] =	vst v0  }
0x34: {  	s20 =	sadd.s32 $0x2000, s20;
	[tilespmem:s19+$0x8430] =	vst v0  }
0x35: {  	s23 =	sshrl.u32 s20, $0x2;
	s21 =	sadd.s32 $0x8, s21;
	[tilespmem:s19+$0x8440] =	vst v0  }
0x36: {  	s20 =	sand.u32 $0x380, s22;
	s21 =	sand.u32 $0x7800, s23;
	[tilespmem:s19+$0x8450] =	vst v0  }
0x37: {  	[tilespmem:s19+$0x8460] =	vst v0;
	s20 =	sor.u32 s20, s21  }
0x38: {  	[tilespmem:s20+$0x8470] =	vst v0  }
0x39: {  	[tilespmem:s20+$0x8000] =	vst v0  }
0x3a: {  	[tilespmem:s20+$0x8010] =	vst v0  }
0x3b: {  	[tilespmem:s20+$0x8020] =	vst v0  }
0x3c: {  	[tilespmem:s20+$0x8030] =	vst v0  }
0x3d: {  	[tilespmem:s20+$0x8040] =	vst v0  }
0x3e: {  	[tilespmem:s20+$0x8050] =	vst v0  }
0x3f: {  	[tilespmem:s20+$0x8060] =	vst v0  }
0x40: {  	[tilespmem:s20+$0x8070] =	vst v0  }
0x41: {  	[tilespmem:s20+$0x8400] =	vst v0  }
0x42: {  	[tilespmem:s20+$0x8410] =	vst v0  }
0x43: {  	[tilespmem:s20+$0x8420] =	vst v0  }
0x44: {  	[tilespmem:s20+$0x8430] =	vst v0  }
0x45: {  	[tilespmem:s20+$0x8440] =	vst v0  }
0x46: {  	[tilespmem:s20+$0x8450] =	vst v0  }
0x47: {  	s19 =	simm.s32 @!p0 $0x2;
	[tilespmem:s20+$0x8460] =	vst v0  }
0x48: {  	s30 =	simm.s32 $0x0;
	s31 =	simm.s32 $0x0;
	_ =	swait.ge @!p0 [sflag:s19], $0x8000  }
0x49: {  	s21 =	sand.u32 $0x7800, s31;
	s20 =	sand.u32 $0x380, s30;
	[sflag:s19] =	ssyncset.done @!p0 $0x0  }
0x4a: {  	[sflag:s19] =	ssyncadd.s32 @!p0 $0xFFFF8000;
	s19 =	sor.u32 s20, s21  }
0x4b: {  	[tilespmem:s19+$0x10470] =	vst v0  }
0x4c: {  	[tilespmem:s19+$0x10000] =	vst v0  }
0x4d: {  	[tilespmem:s19+$0x10010] =	vst v0  }
0x4e: {  	[tilespmem:s19+$0x10020] =	vst v0  }
0x4f: {  	[tilespmem:s19+$0x10030] =	vst v0  }
0x50: {  	[tilespmem:s19+$0x10040] =	vst v0  }
0x51: {  	[tilespmem:s19+$0x10050] =	vst v0  }
0x52: {  	[tilespmem:s19+$0x10060] =	vst v0  }
0x53: {  	[tilespmem:s19+$0x10070] =	vst v0  }
0x54: {  	[tilespmem:s19+$0x10400] =	vst v0  }
0x55: {  	[tilespmem:s19+$0x10410] =	vst v0  }
0x56: {  	[tilespmem:s19+$0x10420] =	vst v0  }
0x57: {  	s22 =	simm.s32 $0x8;
	[tilespmem:s19+$0x10430] =	vst v0  }
0x58: {  	s23 =	simm.s32 $0x800;
	s20 =	simm.s32 $0x2000;
	s21 =	simm.s32 $0x10;
	[tilespmem:s19+$0x10440] =	vst v0  }
.LBB2_5:
0x59: {  	p0 =	sne.s32 s21, $0x3F8;
	s22 =	sand.u32 $0x380, s22;
	s23 =	sand.u32 $0x7800, s23;
	[tilespmem:s19+$0x10450] =	vst v0  }
0x5a: {  	[tilespmem:s19+$0x10460] =	vst v0;
	s19 =	sor.u32 s22, s23;
	s22 =	smov.u32 s21  }
0x5b: {  	[tilespmem:s19+$0x10470] =	vst v0  }
0x5c: {  	[tilespmem:s19+$0x10000] =	vst v0  }
0x5d: {  	[tilespmem:s19+$0x10010] =	vst v0  }
0x5e: {  	[tilespmem:s19+$0x10020] =	vst v0  }
0x5f: {  	[tilespmem:s19+$0x10030] =	vst v0  }
0x60: {  	[tilespmem:s19+$0x10040] =	vst v0  }
0x61: {  	[tilespmem:s19+$0x10050] =	vst v0  }
0x62: {  	[tilespmem:s19+$0x10060] =	vst v0  }
0x63: {  	[tilespmem:s19+$0x10070] =	vst v0  }
.Ltmp1:
0x64: {  	[tilespmem:s19+$0x10400] =	vst v0;
	(pc) =	sbr.rel @p0 .LBB2_5-.Ltmp1, $4  }
0x65: {  	[tilespmem:s19+$0x10410] =	vst v0  }
0x66: {  	[tilespmem:s19+$0x10420] =	vst v0  }
0x67: {  	s20 =	sadd.s32 $0x2000, s20;
	[tilespmem:s19+$0x10430] =	vst v0  }
0x68: {  	s23 =	sshrl.u32 s20, $0x2;
	s21 =	sadd.s32 $0x8, s21;
	[tilespmem:s19+$0x10440] =	vst v0  }
0x69: {  	s20 =	sand.u32 $0x380, s22;
	s21 =	sand.u32 $0x7800, s23;
	[tilespmem:s19+$0x10450] =	vst v0  }
0x6a: {  	[tilespmem:s19+$0x10460] =	vst v0;
	s20 =	sor.u32 s20, s21  }
0x6b: {  	[tilespmem:s20+$0x10470] =	vst v0  }
0x6c: {  	[tilespmem:s20+$0x10000] =	vst v0  }
0x6d: {  	[tilespmem:s20+$0x10010] =	vst v0  }
0x6e: {  	[tilespmem:s20+$0x10020] =	vst v0  }
0x6f: {  	[tilespmem:s20+$0x10030] =	vst v0  }
0x70: {  	[tilespmem:s20+$0x10040] =	vst v0  }
0x71: {  	[tilespmem:s20+$0x10050] =	vst v0  }
0x72: {  	[tilespmem:s20+$0x10060] =	vst v0  }
0x73: {  	[tilespmem:s20+$0x10070] =	vst v0  }
0x74: {  	[tilespmem:s20+$0x10400] =	vst v0  }
0x75: {  	[tilespmem:s20+$0x10410] =	vst v0  }
0x76: {  	[tilespmem:s20+$0x10420] =	vst v0  }
0x77: {  	[tilespmem:s20+$0x10430] =	vst v0  }
0x78: {  	[tilespmem:s20+$0x10440] =	vst v0  }
0x79: {  	[tilespmem:s20+$0x10450] =	vst v0  }
0x7a: {  	[tilespmem:s20+$0x10460] =	vst v0  }
0x7b: {  	_ =	swait.ge [sflag:s11], $0x8000  }
0x7c: {  	[sflag:s11] =	ssyncset.done $0x0  }
0x7d: {  	s30 =	simm.s32 $0x0;
	s31 =	simm.s32 $0x18000;
	[sflag:s11] =	ssyncadd.s32 $0xFFFF8000  }
0x7e: {  	s19 =	sand.u32 $0xFE0, s30;
	v1 =	vld [tilespmem:s31+$0x0]  }
0x7f: {  	v2 =	vld [tilespmem:s19+$0x19000];
	_ =	sdelay $0x1  }
0x80: {  	v3 =	vld [tilespmem:s19+$0x1A000];
	_ =	sdelay $0x1  }
0x81: {  	v4 =	vand.u32 $0x7F, v1;
	v1 =	vshll.u32 v1, $0x3  }
0x82: {  	v5 =	vand.u32 $0x7F, v2;
	v2 =	vshll.u32 v2, $0x3;
	v1 =	vand.u32 $0xFFFFFC00, v1  }
0x83: {  	v6 =	vor.u32 v4, v1;
	v1 =	vand.u32 $0xFFFFFC00, v2  }
0x84: {  	v2 =	vshll.u32 v3, $0x3;
	v5 =	vor.u32 v5, v1  }
0x85: {  	v4 =	vld [tilespmem:s31+$0x2010];
	v1 =	vand.u32 $0x7F, v3;
	v2 =	vand.u32 $0xFFFFFC00, v2;
	v7 =	vor.u32 $0x80, v6  }
0x86: {  	v3 =	vld [tilespmem:s31+$0x1010];
	v2 =	vor.u32 v1, v2  }
0x87: {  	v8 =	vor.u32 $0x100, v6;
	v1 =	vld [tilespmem:s31+$0x10]  }
0x88: {  	v10 =	vor.u32 $0x180, v6;
	v9 =	vld.idx.msk [tilespmem:v6+s4+$0x0], $0xffff  }
0x89: {  	v12 =	vor.u32 $0x80, v5;
	v11 =	vld.idx.msk [tilespmem:v5+s4+$0x0], $0xffff  }
0x8a: {  	v16 =	vor.u32 $0x100, v5;
	v15 =	vld.idx.msk [tilespmem:v7+s4+$0x0], $0xffff  }
0x8b: {  	v20 =	vor.u32 $0x180, v5;
	v13 =	vld.idx.msk [tilespmem:v2+s4+$0x0], $0xffff  }
0x8c: {  	v14 =	vor.u32 $0x80, v2;
	v17 =	vld.idx.msk [tilespmem:v8+s4+$0x0], $0xffff  }
0x8d: {  	v18 =	vor.u32 $0x100, v2;
	v19 =	vld.idx.msk [tilespmem:v10+s4+$0x0], $0xffff  }
0x8e: {  	v22 =	vor.u32 $0x180, v2;
	v21 =	vld.idx.msk [tilespmem:v12+s4+$0x0], $0xffff  }
0x8f: {  	v24 =	vld.idx.msk [tilespmem:v16+s4+$0x0], $0xffff  }
0x90: {  	v26 =	vadd.s32 $0x8000, v6;
	v28 =	vld.idx.msk [tilespmem:v20+s4+$0x0], $0xffff;
	v25 =	vmul.f32 v13, v11  }
0x91: {  	v23 =	vld.idx.msk [tilespmem:v14+s4+$0x0], $0xffff  }
0x92: {  	v30 =	vadd.s32 $0x8000, v5;
	v27 =	vld.idx.msk [tilespmem:v18+s4+$0x0], $0xffff;
	v29 =	vmul.f32 v25, v9  }
0x93: {  	v31 =	vld.idx.msk [tilespmem:v22+s4+$0x0], $0xffff  }
0x94: {  	v32 =	vadd.s32 $0x8000, v2;
	[tilespmem:v6+s12+$0x0] =	vst.idx.add.f32.msk $0xffff, v29  }
0x95: {  	v13 =	vmul.f32 v13, v9;
	[tilespmem:v26+s12+$0x0] =	vst.idx.add.f32.msk $0xffff, v25  }
0x96: {  	v25 =	vmul.f32 v23, v21;
	v26 =	vadd.s32 $0x8080, v6;
	[tilespmem:v5+s12+$0x0] =	vst.idx.add.f32.msk $0xffff, v29  }
0x97: {  	v9 =	vmul.f32 v11, v9;
	[tilespmem:v30+s12+$0x0] =	vst.idx.add.f32.msk $0xffff, v13  }
0x98: {  	v11 =	vmul.f32 v25, v15;
	v13 =	vadd.s32 $0x8080, v5;
	[tilespmem:v2+s12+$0x0] =	vst.idx.add.f32.msk $0xffff, v29  }
0x99: {  	[tilespmem:v32+s12+$0x0] =	vst.idx.add.f32.msk $0xffff, v9  }
0x9a: {  	[tilespmem:v7+s12+$0x0] =	vst.idx.add.f32.msk $0xffff, v11;
	v7 =	vadd.s32 $0x8080, v2  }
0x9b: {  	v9 =	vmul.f32 v23, v15;
	[tilespmem:v26+s12+$0x0] =	vst.idx.add.f32.msk $0xffff, v25  }
0x9c: {  	v23 =	vmul.f32 v27, v24;
	[tilespmem:v12+s12+$0x0] =	vst.idx.add.f32.msk $0xffff, v11;
	v12 =	vadd.s32 $0x8100, v6  }
0x9d: {  	v15 =	vmul.f32 v21, v15;
	[tilespmem:v13+s12+$0x0] =	vst.idx.add.f32.msk $0xffff, v9  }
0x9e: {  	v9 =	vmul.f32 v23, v17;
	[tilespmem:v14+s12+$0x0] =	vst.idx.add.f32.msk $0xffff, v11;
	v11 =	vadd.s32 $0x8100, v5  }
0x9f: {  	[tilespmem:v7+s12+$0x0] =	vst.idx.add.f32.msk $0xffff, v15  }
0xa0: {  	v7 =	vadd.s32 $0x8100, v2;
	[tilespmem:v8+s12+$0x0] =	vst.idx.add.f32.msk $0xffff, v9  }
0xa1: {  	v8 =	vmul.f32 v27, v17;
	[tilespmem:v12+s12+$0x0] =	vst.idx.add.f32.msk $0xffff, v23  }
0xa2: {  	v13 =	vadd.s32 $0x8180, v6;
	v12 =	vmul.f32 v31, v28;
	[tilespmem:v16+s12+$0x0] =	vst.idx.add.f32.msk $0xffff, v9  }
0xa3: {  	v14 =	vmul.f32 v24, v17;
	[tilespmem:v11+s12+$0x0] =	vst.idx.add.f32.msk $0xffff, v8  }
0xa4: {  	v8 =	vmul.f32 v12, v19;
	[tilespmem:v18+s12+$0x0] =	vst.idx.add.f32.msk $0xffff, v9;
	v9 =	vadd.s32 $0x8180, v5  }
0xa5: {  	[tilespmem:v7+s12+$0x0] =	vst.idx.add.f32.msk $0xffff, v14  }
0xa6: {  	v7 =	vadd.s32 $0x8180, v2;
	[tilespmem:v10+s12+$0x0] =	vst.idx.add.f32.msk $0xffff, v8  }
0xa7: {  	v11 =	vor.u32 $0x200, v6;
	v10 =	vmul.f32 v31, v19;
	[tilespmem:v13+s12+$0x0] =	vst.idx.add.f32.msk $0xffff, v12  }
0xa8: {  	v12 =	vor.u32 $0x200, v5;
	[tilespmem:v20+s12+$0x0] =	vst.idx.add.f32.msk $0xffff, v8  }
0xa9: {  	v15 =	vor.u32 $0x280, v5;
	v13 =	vmul.f32 v28, v19;
	[tilespmem:v9+s12+$0x0] =	vst.idx.add.f32.msk $0xffff, v10  }
0xaa: {  	v9 =	vor.u32 $0x200, v2;
	[tilespmem:v22+s12+$0x0] =	vst.idx.add.f32.msk $0xffff, v8  }
0xab: {  	v17 =	vor.u32 $0x280, v2;
	[tilespmem:v7+s12+$0x0] =	vst.idx.add.f32.msk $0xffff, v13  }
0xac: {  	v19 =	vor.u32 $0x300, v5;
	v10 =	vld.idx.msk [tilespmem:v11+s4+$0x0], $0xffff  }
0xad: {  	v21 =	vor.u32 $0x300, v2;
	v14 =	vld.idx.msk [tilespmem:v12+s4+$0x0], $0xffff  }
0xae: {  	v23 =	vor.u32 $0x380, v5;
	v24 =	vld.idx.msk [tilespmem:v15+s4+$0x0], $0xffff  }
0xaf: {  	v25 =	vor.u32 $0x380, v2;
	v16 =	vld.idx.msk [tilespmem:v9+s4+$0x0], $0xffff  }
0xb0: {  	v8 =	vor.u32 $0x280, v6;
	v26 =	vld.idx.msk [tilespmem:v17+s4+$0x0], $0xffff  }
0xb1: {  	v7 =	vor.u32 $0x300, v6;
	v27 =	vld.idx.msk [tilespmem:v19+s4+$0x0], $0xffff  }
0xb2: {  	v13 =	vor.u32 $0x380, v6;
	v30 =	vld.idx.msk [tilespmem:v21+s4+$0x0], $0xffff  }
0xb3: {  	v31 =	vld.idx.msk [tilespmem:v23+s4+$0x0], $0xffff  }
0xb4: {  	v29 =	vadd.s32 $0x8200, v6;
	v34 =	vld.idx.msk [tilespmem:v25+s4+$0x0], $0xffff;
	v28 =	vmul.f32 v16, v14  }
0xb5: {  	v18 =	vld.idx.msk [tilespmem:v8+s4+$0x0], $0xffff  }
0xb6: {  	v33 =	vadd.s32 $0x8200, v5;
	v20 =	vld.idx.msk [tilespmem:v7+s4+$0x0], $0xffff;
	v61 =	vmul.f32 v28, v10  }
0xb7: {  	v22 =	vld.idx.msk [tilespmem:v13+s4+$0x0], $0xffff  }
0xb8: {  	[tilespmem:v11+s12+$0x0] =	vst.idx.add.f32.msk $0xffff, v61;
	v11 =	vadd.s32 $0x8200, v2  }
0xb9: {  	v16 =	vmul.f32 v16, v10;
	[tilespmem:v29+s12+$0x0] =	vst.idx.add.f32.msk $0xffff, v28  }
0xba: {  	v28 =	vmul.f32 v26, v24;
	[tilespmem:v12+s12+$0x0] =	vst.idx.add.f32.msk $0xffff, v61;
	v12 =	vadd.s32 $0x8280, v6  }
0xbb: {  	v10 =	vmul.f32 v14, v10;
	[tilespmem:v33+s12+$0x0] =	vst.idx.add.f32.msk $0xffff, v16  }
0xbc: {  	v14 =	vmul.f32 v28, v18;
	[tilespmem:v9+s12+$0x0] =	vst.idx.add.f32.msk $0xffff, v61;
	v9 =	vadd.s32 $0x8280, v5  }
0xbd: {  	[tilespmem:v11+s12+$0x0] =	vst.idx.add.f32.msk $0xffff, v10  }
0xbe: {  	[tilespmem:v8+s12+$0x0] =	vst.idx.add.f32.msk $0xffff, v14;
	v8 =	vadd.s32 $0x8280, v2  }
0xbf: {  	v10 =	vmul.f32 v26, v18;
	[tilespmem:v12+s12+$0x0] =	vst.idx.add.f32.msk $0xffff, v28  }
0xc0: {  	v11 =	vmul.f32 v30, v27;
	v12 =	vadd.s32 $0x8300, v6;
	[tilespmem:v15+s12+$0x0] =	vst.idx.add.f32.msk $0xffff, v14  }
0xc1: {  	v15 =	vmul.f32 v24, v18;
	[tilespmem:v9+s12+$0x0] =	vst.idx.add.f32.msk $0xffff, v10  }
0xc2: {  	v9 =	vmul.f32 v11, v20;
	v10 =	vadd.s32 $0x8300, v5;
	[tilespmem:v17+s12+$0x0] =	vst.idx.add.f32.msk $0xffff, v14  }
0xc3: {  	[tilespmem:v8+s12+$0x0] =	vst.idx.add.f32.msk $0xffff, v15  }
0xc4: {  	[tilespmem:v7+s12+$0x0] =	vst.idx.add.f32.msk $0xffff, v9;
	v7 =	vadd.s32 $0x8300, v2  }
0xc5: {  	v8 =	vmul.f32 v30, v20;
	[tilespmem:v12+s12+$0x0] =	vst.idx.add.f32.msk $0xffff, v11  }
0xc6: {  	v6 =	vadd.s32 $0x8380, v6;
	v11 =	vmul.f32 v34, v31;
	[tilespmem:v19+s12+$0x0] =	vst.idx.add.f32.msk $0xffff, v9  }
0xc7: {  	v14 =	vmul.f32 v27, v20;
	[tilespmem:v10+s12+$0x0] =	vst.idx.add.f32.msk $0xffff, v8  }
0xc8: {  	v5 =	vadd.s32 $0x8380, v5;
	v12 =	vshll.u32 v3, $0x3;
	v10 =	vmul.f32 v11, v22;
	[tilespmem:v21+s12+$0x0] =	vst.idx.add.f32.msk $0xffff, v9  }
0xc9: {  	v3 =	vand.u32 $0x7F, v3;
	v8 =	vshll.u32 v4, $0x3;
	v9 =	vand.u32 $0xFFFFFC00, v12;
	[tilespmem:v7+s12+$0x0] =	vst.idx.add.f32.msk $0xffff, v14  }
0xca: {  	v4 =	vand.u32 $0x7F, v4;
	v8 =	vand.u32 $0xFFFFFC00, v8;
	v3 =	vor.u32 v3, v9;
	[tilespmem:v13+s12+$0x0] =	vst.idx.add.f32.msk $0xffff, v10  }
0xcb: {  	v7 =	vadd.s32 $0x8380, v2;
	v2 =	vor.u32 v4, v8;
	v8 =	vmul.f32 v34, v22;
	[tilespmem:v6+s12+$0x0] =	vst.idx.add.f32.msk $0xffff, v11  }
0xcc: {  	[tilespmem:v23+s12+$0x0] =	vst.idx.add.f32.msk $0xffff, v10  }
0xcd: {  	v4 =	vor.u32 $0x80, v3;
	[tilespmem:v5+s12+$0x0] =	vst.idx.add.f32.msk $0xffff, v8  }
0xce: {  	v9 =	vmul.f32 v31, v22;
	v12 =	vor.u32 $0x180, v2;
	v5 =	vshll.u32 v1, $0x3;
	[tilespmem:v25+s12+$0x0] =	vst.idx.add.f32.msk $0xffff, v10  }
0xcf: {  	v6 =	vor.u32 $0x80, v2;
	v1 =	vand.u32 $0x7F, v1;
	v5 =	vand.u32 $0xFFFFFC00, v5;
	v11 =	vld.idx.msk [tilespmem:v3+s4+$0x0], $0xffff  }
0xd0: {  	[tilespmem:v7+s12+$0x0] =	vst.idx.add.f32.msk $0xffff, v9;
	v9 =	vor.u32 v1, v5  }
0xd1: {  	v8 =	vor.u32 $0x100, v3;
	v13 =	vld.idx.msk [tilespmem:v2+s4+$0x0], $0xffff  }
0xd2: {  	v10 =	vor.u32 $0x180, v3;
	v1 =	vld.idx.msk [tilespmem:v4+s4+$0x0], $0xffff  }
0xd3: {  	v5 =	vor.u32 $0x100, v2;
	v22 =	vld.idx.msk [tilespmem:v12+s4+$0x0], $0xffff  }
0xd4: {  	v7 =	vld.idx.msk [tilespmem:v6+s4+$0x0], $0xffff;
	v14 =	vor.u32 $0x80, v9  }
0xd5: {  	v16 =	vor.u32 $0x100, v9;
	v17 =	vld.idx.msk [tilespmem:v9+s4+$0x0], $0xffff  }
0xd6: {  	v18 =	vor.u32 $0x180, v9;
	v15 =	vld.idx.msk [tilespmem:v8+s4+$0x0], $0xffff  }
0xd7: {  	v20 =	vld.idx.msk [tilespmem:v10+s4+$0x0], $0xffff  }
0xd8: {  	v21 =	vadd.s32 $0x8000, v9;
	v23 =	vmul.f32 v13, v11;
	v19 =	vld.idx.msk [tilespmem:v5+s4+$0x0], $0xffff  }
0xd9: {  	v24 =	vld.idx.msk [tilespmem:v14+s4+$0x0], $0xffff  }
0xda: {  	v25 =	vadd.s32 $0x8000, v3;
	v26 =	vld.idx.msk [tilespmem:v16+s4+$0x0], $0xffff;
	v27 =	vmul.f32 v23, v17  }
0xdb: {  	v28 =	vld.idx.msk [tilespmem:v18+s4+$0x0], $0xffff  }
0xdc: {  	v29 =	vadd.s32 $0x8000, v2;
	[tilespmem:v9+s12+$0x0] =	vst.idx.add.f32.msk $0xffff, v27  }
0xdd: {  	v13 =	vmul.f32 v13, v17;
	[tilespmem:v21+s12+$0x0] =	vst.idx.add.f32.msk $0xffff, v23  }
0xde: {  	v21 =	vadd.s32 $0x8080, v9;
	v23 =	vmul.f32 v7, v1;
	[tilespmem:v3+s12+$0x0] =	vst.idx.add.f32.msk $0xffff, v27  }
0xdf: {  	v11 =	vmul.f32 v11, v17;
	[tilespmem:v25+s12+$0x0] =	vst.idx.add.f32.msk $0xffff, v13  }
0xe0: {  	v13 =	vadd.s32 $0x8080, v3;
	v17 =	vmul.f32 v23, v24;
	[tilespmem:v2+s12+$0x0] =	vst.idx.add.f32.msk $0xffff, v27  }
0xe1: {  	[tilespmem:v29+s12+$0x0] =	vst.idx.add.f32.msk $0xffff, v11  }
0xe2: {  	v11 =	vadd.s32 $0x8080, v2;
	[tilespmem:v14+s12+$0x0] =	vst.idx.add.f32.msk $0xffff, v17  }
0xe3: {  	v7 =	vmul.f32 v7, v24;
	[tilespmem:v21+s12+$0x0] =	vst.idx.add.f32.msk $0xffff, v23  }
0xe4: {  	v14 =	vadd.s32 $0x8100, v9;
	v21 =	vmul.f32 v19, v15;
	[tilespmem:v4+s12+$0x0] =	vst.idx.add.f32.msk $0xffff, v17  }
0xe5: {  	v1 =	vmul.f32 v1, v24;
	[tilespmem:v13+s12+$0x0] =	vst.idx.add.f32.msk $0xffff, v7  }
0xe6: {  	v4 =	vadd.s32 $0x8100, v3;
	v7 =	vmul.f32 v21, v26;
	[tilespmem:v6+s12+$0x0] =	vst.idx.add.f32.msk $0xffff, v17  }
0xe7: {  	[tilespmem:v11+s12+$0x0] =	vst.idx.add.f32.msk $0xffff, v1  }
0xe8: {  	v1 =	vadd.s32 $0x8100, v2;
	[tilespmem:v16+s12+$0x0] =	vst.idx.add.f32.msk $0xffff, v7  }
0xe9: {  	v6 =	vmul.f32 v19, v26;
	[tilespmem:v14+s12+$0x0] =	vst.idx.add.f32.msk $0xffff, v21  }
0xea: {  	v13 =	vmul.f32 v22, v20;
	v11 =	vadd.s32 $0x8180, v9;
	[tilespmem:v8+s12+$0x0] =	vst.idx.add.f32.msk $0xffff, v7  }
0xeb: {  	v8 =	vmul.f32 v15, v26;
	[tilespmem:v4+s12+$0x0] =	vst.idx.add.f32.msk $0xffff, v6  }
0xec: {  	v4 =	vadd.s32 $0x8180, v3;
	v6 =	vmul.f32 v13, v28;
	[tilespmem:v5+s12+$0x0] =	vst.idx.add.f32.msk $0xffff, v7  }
0xed: {  	[tilespmem:v1+s12+$0x0] =	vst.idx.add.f32.msk $0xffff, v8  }
0xee: {  	v5 =	vadd.s32 $0x8180, v2;
	[tilespmem:v18+s12+$0x0] =	vst.idx.add.f32.msk $0xffff, v6  }
0xef: {  	v8 =	vor.u32 $0x200, v3;
	v1 =	vmul.f32 v22, v28;
	[tilespmem:v11+s12+$0x0] =	vst.idx.add.f32.msk $0xffff, v13  }
0xf0: {  	v11 =	vor.u32 $0x200, v2;
	[tilespmem:v10+s12+$0x0] =	vst.idx.add.f32.msk $0xffff, v6  }
0xf1: {  	v16 =	vor.u32 $0x280, v3;
	v7 =	vmul.f32 v20, v28;
	[tilespmem:v4+s12+$0x0] =	vst.idx.add.f32.msk $0xffff, v1  }
0xf2: {  	v15 =	vor.u32 $0x280, v2;
	[tilespmem:v12+s12+$0x0] =	vst.idx.add.f32.msk $0xffff, v6  }
0xf3: {  	v46 =	vor.u32 $0x300, v3;
	[tilespmem:v5+s12+$0x0] =	vst.idx.add.f32.msk $0xffff, v7  }
0xf4: {  	v45 =	vor.u32 $0x300, v2;
	v7 =	vld.idx.msk [tilespmem:v8+s4+$0x0], $0xffff  }
0xf5: {  	v6 =	vor.u32 $0x200, v9;
	v10 =	vld.idx.msk [tilespmem:v11+s4+$0x0], $0xffff  }
0xf6: {  	v37 =	vor.u32 $0x380, v3;
	v12 =	vld.idx.msk [tilespmem:v16+s4+$0x0], $0xffff  }
0xf7: {  	v38 =	vor.u32 $0x380, v2;
	v13 =	vld.idx.msk [tilespmem:v15+s4+$0x0], $0xffff  }
0xf8: {  	v26 =	vor.u32 $0x280, v9;
	v14 =	vld.idx.msk [tilespmem:v46+s4+$0x0], $0xffff  }
0xf9: {  	v40 =	vor.u32 $0x380, v9;
	v21 =	vld.idx.msk [tilespmem:v45+s4+$0x0], $0xffff  }
0xfa: {  	v18 =	vld.idx.msk [tilespmem:v6+s4+$0x0], $0xffff  }
0xfb: {  	v17 =	vor.u32 $0x300, v9;
	v27 =	vld.idx.msk [tilespmem:v37+s4+$0x0], $0xffff  }
0xfc: {  	v30 =	vld.idx.msk [tilespmem:v38+s4+$0x0], $0xffff  }
0xfd: {  	v23 =	vadd.s32 $0x8200, v9;
	v29 =	vld.idx.msk [tilespmem:v26+s4+$0x0], $0xffff;
	v25 =	vmul.f32 v10, v7  }
0xfe: {  	v36 =	vld.idx.msk [tilespmem:v40+s4+$0x0], $0xffff  }
0xff: {  	v31 =	vadd.s32 $0x8200, v3;
	v63 =	vmul.f32 v25, v18  }
0x100: {  	v35 =	vadd.s32 $0x8200, v2;
	v51 =	vadd.s32 $0x8280, v2;
	v48 =	vadd.s32 $0x8300, v3;
	v62 =	vld.idx.msk [tilespmem:v17+s4+$0x0], $0xffff  }
0x101: {  	v49 =	vadd.s32 $0x8300, v2;
	v28 =	vmul.f32 v13, v12;
	v19 =	vmul.f32 v21, v14;
	[tilespmem:v6+s12+$0x0] =	vst.idx.add.f32.msk $0xffff, v63  }
0x102: {  	v47 =	vadd.s32 $0x8300, v9;
	v32 =	vmul.f32 v13, v29;
	v10 =	vmul.f32 v10, v18;
	[tilespmem:v23+s12+$0x0] =	vst.idx.add.f32.msk $0xffff, v25  }
0x103: {  	v41 =	vadd.s32 $0x8380, v9;
	v5 =	vmul.f32 v30, v36;
	v4 =	vmul.f32 v27, v36;
	[tilespmem:v8+s12+$0x0] =	vst.idx.add.f32.msk $0xffff, v63  }
0x104: {  	v24 =	vadd.s32 $0x8280, v9;
	v23 =	vmul.f32 v7, v18;
	v18 =	vmul.f32 v30, v27;
	[tilespmem:v31+s12+$0x0] =	vst.idx.add.f32.msk $0xffff, v10  }
0x105: {  	v22 =	vadd.s32 $0x8280, v3;
	v31 =	vmul.f32 v12, v29;
	v29 =	vmul.f32 v28, v29;
	[tilespmem:v11+s12+$0x0] =	vst.idx.add.f32.msk $0xffff, v63  }
0x106: {  	v9 =	vadd.s32 $0x8380, v3;
	v25 =	vmul.f32 v21, v62;
	v21 =	vmul.f32 v14, v62;
	[tilespmem:v35+s12+$0x0] =	vst.idx.add.f32.msk $0xffff, v23  }
0x107: {  	s21 =	simm.s32 $0x18020;
	s20 =	simm.s32 $0x20;
	s19 =	simm.s32 $0x0;
	v13 =	vadd.s32 $0x8380, v2;
	v12 =	vmul.f32 v18, v36;
	v23 =	vmul.f32 v19, v62;
	[tilespmem:v26+s12+$0x0] =	vst.idx.add.f32.msk $0xffff, v29  }
.LBB2_7:
0x108: {  	v2 =	vld [tilespmem:s21+$0x0]  }
0x109: {  	v27 =	vld [tilespmem:s21+$0x1010]  }
0x10a: {  	v30 =	vld [tilespmem:s21+$0x2010]  }
0x10b: {  	v35 =	vld [tilespmem:s21+$0x10]  }
0x10c: {  	s22 =	sand.u32 $0xFE0, s20;
	[tilespmem:v24+s12+$0x0] =	vst.idx.add.f32.msk $0xffff, v28  }
0x10d: {  	[tilespmem:$0x1FE40] =	vst v45;
	v3 =	vld [tilespmem:s22+$0x19000]  }
0x10e: {  	[tilespmem:$0x1FE30] =	vst v48;
	v26 =	vld [tilespmem:s22+$0x1A000]  }
0x10f: {  	[tilespmem:v16+s12+$0x0] =	vst.idx.add.f32.msk $0xffff, v29  }
0x110: {  	[tilespmem:v22+s12+$0x0] =	vst.idx.add.f32.msk $0xffff, v32  }
0x111: {  	[tilespmem:v15+s12+$0x0] =	vst.idx.add.f32.msk $0xffff, v29;
	v33 =	vand.u32 $0x7F, v2;
	v2 =	vshll.u32 v2, $0x3;
	v15 =	vand.u32 $0x7F, v27  }
0x112: {  	[tilespmem:$0x1FE60] =	vst v49;
	v2 =	vand.u32 $0xFFFFFC00, v2;
	v34 =	vand.u32 $0x7F, v3;
	v3 =	vshll.u32 v3, $0x3  }
0x113: {  	[tilespmem:$0x1FE00] =	vst v47;
	v63 =	vor.u32 v33, v2;
	v2 =	vand.u32 $0xFFFFFC00, v3;
	v3 =	vshll.u32 v26, $0x3  }
0x114: {  	[tilespmem:$0x1FF70] =	vst v9;
	v61 =	vor.u32 v34, v2;
	v2 =	vand.u32 $0x7F, v26;
	v3 =	vand.u32 $0xFFFFFC00, v3  }
0x115: {  	[tilespmem:$0x1FF90] =	vst v38;
	v22 =	vor.u32 $0x80, v63;
	v62 =	vor.u32 v2, v3;
	v2 =	vshll.u32 v27, $0x3  }
0x116: {  	[tilespmem:v51+s12+$0x0] =	vst.idx.add.f32.msk $0xffff, v31;
	v16 =	vand.u32 $0x7F, v30;
	v38 =	vor.u32 $0x100, v63;
	v2 =	vand.u32 $0xFFFFFC00, v2  }
0x117: {  	[tilespmem:v17+s12+$0x0] =	vst.idx.add.f32.msk $0xffff, v23;
	v47 =	vor.u32 $0x180, v63;
	v3 =	vshll.u32 v30, $0x3;
	v39 =	vor.u32 v15, v2  }
0x118: {  	[tilespmem:$0x1FE70] =	vst v40;
	v20 =	vor.u32 $0x80, v61;
	v3 =	vand.u32 $0xFFFFFC00, v3;
	v17 =	vld.idx.msk [tilespmem:v63+s4+$0x0], $0xffff;
	v1 =	vor.u32 $0x100, v39  }
0x119: {  	v48 =	vor.u32 $0x100, v61;
	v36 =	vor.u32 v16, v3;
	v2 =	vld.idx.msk [tilespmem:v61+s4+$0x0], $0xffff;
	[tilespmem:$0x1FDD0] =	vst v1;
	v1 =	vor.u32 $0x180, v39  }
0x11a: {  	v53 =	vor.u32 $0x180, v61;
	v3 =	vshll.u32 v35, $0x3;
	v24 =	vld.idx.msk [tilespmem:v22+s4+$0x0], $0xffff;
	[tilespmem:$0x1FDE0] =	vst v1;
	v1 =	vor.u32 $0x180, v36  }
0x11b: {  	v16 =	vand.u32 $0x7F, v35;
	v3 =	vand.u32 $0xFFFFFC00, v3;
	v15 =	vld.idx.msk [tilespmem:v62+s4+$0x0], $0xffff;
	[tilespmem:$0x1FDF0] =	vst v1;
	v1 =	vadd.s32 $0x8000, v39  }
0x11c: {  	v40 =	vor.u32 $0x80, v62;
	v49 =	vld.idx.msk [tilespmem:v38+s4+$0x0], $0xffff;
	v56 =	vor.u32 v16, v3;
	[tilespmem:$0x1FE90] =	vst v1;
	v1 =	vadd.s32 $0x8000, v36  }
0x11d: {  	v50 =	vor.u32 $0x100, v62;
	v52 =	vld.idx.msk [tilespmem:v47+s4+$0x0], $0xffff;
	[tilespmem:$0x1FEA0] =	vst v1;
	v1 =	vadd.s32 $0x8000, v56  }
0x11e: {  	v54 =	vor.u32 $0x180, v62;
	v45 =	vld.idx.msk [tilespmem:v20+s4+$0x0], $0xffff;
	[tilespmem:$0x1FE80] =	vst v1;
	v1 =	vadd.s32 $0x8080, v56  }
0x11f: {  	v55 =	vld.idx.msk [tilespmem:v48+s4+$0x0], $0xffff;
	[tilespmem:$0x1FEB0] =	vst v1;
	v1 =	vadd.s32 $0x8080, v39  }
0x120: {  	v57 =	vld.idx.msk [tilespmem:v53+s4+$0x0], $0xffff;
	v16 =	vmul.f32 v15, v2;
	[tilespmem:$0x1FEC0] =	vst v1;
	v1 =	vadd.s32 $0x8080, v36  }
0x121: {  	v26 =	vadd.s32 $0x8000, v63;
	v3 =	vld.idx.msk [tilespmem:v40+s4+$0x0], $0xffff;
	[tilespmem:$0x1FED0] =	vst v1;
	v1 =	vadd.s32 $0x8100, v56  }
0x122: {  	v60 =	vld.idx.msk [tilespmem:v50+s4+$0x0], $0xffff;
	v30 =	vmul.f32 v16, v17;
	[tilespmem:$0x1FEE0] =	vst v1;
	v1 =	vadd.s32 $0x8100, v39  }
0x123: {  	v58 =	vld.idx.msk [tilespmem:v54+s4+$0x0], $0xffff;
	[tilespmem:$0x1FEF0] =	vst v1  }
0x124: {  	v1 =	vadd.s32 $0x8100, v36;
	[tilespmem:v63+s12+$0x0] =	vst.idx.add.f32.msk $0xffff, v30  }
0x125: {  	v35 =	vadd.s32 $0x8000, v61;
	[tilespmem:$0x1FF00] =	vst v1  }
0x126: {  	v1 =	vadd.s32 $0x8180, v56;
	[tilespmem:v26+s12+$0x0] =	vst.idx.add.f32.msk $0xffff, v16  }
0x127: {  	[tilespmem:$0x1FF10] =	vst v1  }
0x128: {  	v15 =	vmul.f32 v15, v17;
	v1 =	vadd.s32 $0x8180, v39;
	[tilespmem:v61+s12+$0x0] =	vst.idx.add.f32.msk $0xffff, v30  }
0x129: {  	v42 =	vadd.s32 $0x8000, v62;
	[tilespmem:$0x1FF20] =	vst v1  }
0x12a: {  	v1 =	vadd.s32 $0x8180, v36;
	[tilespmem:v35+s12+$0x0] =	vst.idx.add.f32.msk $0xffff, v15  }
0x12b: {  	[tilespmem:$0x1FF30] =	vst v1  }
0x12c: {  	v51 =	vmul.f32 v3, v45;
	v17 =	vmul.f32 v2, v17;
	v1 =	vor.u32 $0x200, v39;
	[tilespmem:v62+s12+$0x0] =	vst.idx.add.f32.msk $0xffff, v30  }
0x12d: {  	v59 =	vadd.s32 $0x8080, v63;
	[tilespmem:$0x1FF40] =	vst v1  }
0x12e: {  	v6 =	vmul.f32 v51, v24;
	v1 =	vor.u32 $0x200, v36;
	[tilespmem:v42+s12+$0x0] =	vst.idx.add.f32.msk $0xffff, v17  }
0x12f: {  	[tilespmem:$0x1FF50] =	vst v1  }
0x130: {  	v1 =	vor.u32 $0x300, v39;
	[tilespmem:v22+s12+$0x0] =	vst.idx.add.f32.msk $0xffff, v6  }
0x131: {  	v7 =	vadd.s32 $0x8080, v61;
	[tilespmem:$0x1FE20] =	vst v1  }
0x132: {  	v1 =	vor.u32 $0x300, v36;
	[tilespmem:v59+s12+$0x0] =	vst.idx.add.f32.msk $0xffff, v51  }
0x133: {  	[tilespmem:$0x1FE50] =	vst v1  }
0x134: {  	v8 =	vadd.s32 $0x8080, v62;
	v22 =	vmul.f32 v3, v24;
	v1 =	vor.u32 $0x280, v56;
	[tilespmem:v20+s12+$0x0] =	vst.idx.add.f32.msk $0xffff, v6  }
0x135: {  	[tilespmem:$0x1FF60] =	vst v1  }
0x136: {  	v9 =	vadd.s32 $0x8100, v63;
	v59 =	vmul.f32 v60, v55;
	v1 =	vadd.s32 $0x8200, v56;
	[tilespmem:v7+s12+$0x0] =	vst.idx.add.f32.msk $0xffff, v22  }
0x137: {  	v20 =	vmul.f32 v45, v24;
	[tilespmem:$0x1FFD0] =	vst v1  }
0x138: {  	v7 =	vmul.f32 v59, v49;
	[tilespmem:v40+s12+$0x0] =	vst.idx.add.f32.msk $0xffff, v6;
	v6 =	vadd.s32 $0x8100, v61  }
0x139: {  	[tilespmem:v8+s12+$0x0] =	vst.idx.add.f32.msk $0xffff, v20  }
0x13a: {  	v8 =	vadd.s32 $0x8100, v62;
	[tilespmem:v38+s12+$0x0] =	vst.idx.add.f32.msk $0xffff, v7  }
0x13b: {  	v60 =	vmul.f32 v60, v49;
	[tilespmem:v9+s12+$0x0] =	vst.idx.add.f32.msk $0xffff, v59  }
0x13c: {  	v42 =	vadd.s32 $0x8180, v63;
	v59 =	vmul.f32 v58, v57;
	[tilespmem:v48+s12+$0x0] =	vst.idx.add.f32.msk $0xffff, v7  }
0x13d: {  	v49 =	vmul.f32 v55, v49;
	[tilespmem:v6+s12+$0x0] =	vst.idx.add.f32.msk $0xffff, v60  }
0x13e: {  	v6 =	vmul.f32 v59, v52;
	[tilespmem:v50+s12+$0x0] =	vst.idx.add.f32.msk $0xffff, v7;
	v7 =	vadd.s32 $0x8180, v61  }
0x13f: {  	[tilespmem:v8+s12+$0x0] =	vst.idx.add.f32.msk $0xffff, v49  }
0x140: {  	v8 =	vadd.s32 $0x8180, v62;
	[tilespmem:v47+s12+$0x0] =	vst.idx.add.f32.msk $0xffff, v6  }
0x141: {  	v43 =	vmul.f32 v58, v52;
	v48 =	vor.u32 $0x200, v63;
	[tilespmem:v42+s12+$0x0] =	vst.idx.add.f32.msk $0xffff, v59  }
0x142: {  	v49 =	vor.u32 $0x200, v61;
	[tilespmem:v53+s12+$0x0] =	vst.idx.add.f32.msk $0xffff, v6  }
0x143: {  	v44 =	vmul.f32 v57, v52;
	v50 =	vor.u32 $0x380, v63;
	[tilespmem:v7+s12+$0x0] =	vst.idx.add.f32.msk $0xffff, v43  }
0x144: {  	v55 =	vor.u32 $0x280, v62;
	[tilespmem:v54+s12+$0x0] =	vst.idx.add.f32.msk $0xffff, v6  }
0x145: {  	v1 =	vadd.s32 $0x8200, v39;
	v7 =	vor.u32 $0x200, v62;
	[tilespmem:v8+s12+$0x0] =	vst.idx.add.f32.msk $0xffff, v44  }
0x146: {  	[tilespmem:$0x1FFE0] =	vst v1;
	v1 =	vadd.s32 $0x8200, v36;
	v58 =	vor.u32 $0x300, v61;
	v47 =	vld.idx.msk [tilespmem:v48+s4+$0x0], $0xffff  }
0x147: {  	[tilespmem:$0x1FFF0] =	vst v1;
	v1 =	vadd.s32 $0x8380, v39;
	v60 =	vor.u32 $0x300, v62;
	v52 =	vld.idx.msk [tilespmem:v49+s4+$0x0], $0xffff  }
0x148: {  	v11 =	vor.u32 $0x380, v61;
	[tilespmem:$0x1FF80] =	vst v1;
	v1 =	vadd.s32 $0x8380, v36;
	v10 =	vld.idx.msk [tilespmem:v50+s4+$0x0], $0xffff  }
0x149: {  	v14 =	vor.u32 $0x380, v62;
	[tilespmem:$0x1FFC0] =	vst v1;
	v1 =	vld.idx.msk [tilespmem:v55+s4+$0x0], $0xffff  }
0x14a: {  	v53 =	vor.u32 $0x280, v61;
	v54 =	vld.idx.msk [tilespmem:v7+s4+$0x0], $0xffff  }
0x14b: {  	v9 =	vmov v37;
	v6 =	vor.u32 $0x280, v63;
	v37 =	vld.idx.msk [tilespmem:v58+s4+$0x0], $0xffff  }
0x14c: {  	v30 =	vmov v5;
	v8 =	vor.u32 $0x300, v63;
	v5 =	vld.idx.msk [tilespmem:v60+s4+$0x0], $0xffff  }
0x14d: {  	v43 =	vld.idx.msk [tilespmem:v11+s4+$0x0], $0xffff  }
0x14e: {  	[tilespmem:$0x1FFA0] =	vst v13;
	v44 =	vld.idx.msk [tilespmem:v14+s4+$0x0], $0xffff  }
0x14f: {  	[tilespmem:$0x1FFB0] =	vst v4;
	v4 =	vadd.s32 $0x8200, v63;
	v2 =	vmov v41;
	v13 =	vld.idx.msk [tilespmem:v53+s4+$0x0], $0xffff;
	v41 =	vmul.f32 v54, v52  }
0x150: {  	v57 =	vld.idx.msk [tilespmem:v6+s4+$0x0], $0xffff  }
0x151: {  	v42 =	vadd.s32 $0x8200, v61;
	v59 =	vld.idx.msk [tilespmem:v8+s4+$0x0], $0xffff;
	v20 =	vmul.f32 v41, v47  }
0x152: {  	[tilespmem:$0x1FE10] =	vst v46;
	v54 =	vmul.f32 v54, v47;
	v47 =	vmul.f32 v52, v47;
	v52 =	vld [tilespmem:$0x1FDF0]  }
0x153: {  	[tilespmem:v48+s12+$0x0] =	vst.idx.add.f32.msk $0xffff, v20  }
0x154: {  	v48 =	vadd.s32 $0x8200, v62;
	[tilespmem:v4+s12+$0x0] =	vst.idx.add.f32.msk $0xffff, v41  }
0x155: {  	v4 =	vmul.f32 v1, v13;
	[tilespmem:v49+s12+$0x0] =	vst.idx.add.f32.msk $0xffff, v20  }
0x156: {  	v1 =	vmul.f32 v1, v57;
	v49 =	vadd.s32 $0x8280, v63;
	[tilespmem:v42+s12+$0x0] =	vst.idx.add.f32.msk $0xffff, v54  }
0x157: {  	v13 =	vmul.f32 v13, v57;
	v54 =	vmul.f32 v4, v57;
	v57 =	vld [tilespmem:$0x1FE10]  }
0x158: {  	[tilespmem:v7+s12+$0x0] =	vst.idx.add.f32.msk $0xffff, v20  }
0x159: {  	v7 =	vadd.s32 $0x8280, v61;
	[tilespmem:v48+s12+$0x0] =	vst.idx.add.f32.msk $0xffff, v47  }
0x15a: {  	[tilespmem:v6+s12+$0x0] =	vst.idx.add.f32.msk $0xffff, v54  }
0x15b: {  	[tilespmem:v49+s12+$0x0] =	vst.idx.add.f32.msk $0xffff, v4  }
0x15c: {  	v6 =	vadd.s32 $0x8280, v62;
	[tilespmem:v53+s12+$0x0] =	vst.idx.add.f32.msk $0xffff, v54  }
0x15d: {  	v53 =	vld [tilespmem:$0x1FDD0]  }
0x15e: {  	v4 =	vmul.f32 v5, v37;
	[tilespmem:v7+s12+$0x0] =	vst.idx.add.f32.msk $0xffff, v1  }
0x15f: {  	v20 =	vadd.s32 $0x8300, v63;
	[tilespmem:v55+s12+$0x0] =	vst.idx.add.f32.msk $0xffff, v54  }
0x160: {  	v28 =	vor.u32 $0x100, v56;
	v1 =	vmul.f32 v4, v59;
	v55 =	vld [tilespmem:$0x1FE00]  }
0x161: {  	[tilespmem:v6+s12+$0x0] =	vst.idx.add.f32.msk $0xffff, v13  }
0x162: {  	v7 =	vadd.s32 $0x8300, v61;
	[tilespmem:v8+s12+$0x0] =	vst.idx.add.f32.msk $0xffff, v1  }
0x163: {  	v8 =	vadd.s32 $0x8380, v63;
	v63 =	vld.idx.msk [tilespmem:v56+s4+$0x0], $0xffff  }
0x164: {  	[tilespmem:v20+s12+$0x0] =	vst.idx.add.f32.msk $0xffff, v4  }
0x165: {  	v5 =	vmul.f32 v5, v59;
	v6 =	vadd.s32 $0x8300, v62;
	v20 =	vld.idx.msk [tilespmem:v28+s4+$0x0], $0xffff  }
0x166: {  	v31 =	vor.u32 $0x180, v56;
	[tilespmem:v58+s12+$0x0] =	vst.idx.add.f32.msk $0xffff, v1  }
0x167: {  	[tilespmem:v7+s12+$0x0] =	vst.idx.add.f32.msk $0xffff, v5  }
0x168: {  	v13 =	vmul.f32 v37, v59;
	v4 =	vmul.f32 v44, v43;
	[tilespmem:v60+s12+$0x0] =	vst.idx.add.f32.msk $0xffff, v1  }
0x169: {  	v60 =	vld [tilespmem:$0x1FE30]  }
0x16a: {  	v5 =	vmul.f32 v4, v10;
	[tilespmem:v6+s12+$0x0] =	vst.idx.add.f32.msk $0xffff, v13  }
0x16b: {  	v6 =	vadd.s32 $0x8380, v62;
	v62 =	vld.idx.msk [tilespmem:v31+s4+$0x0], $0xffff  }
0x16c: {  	[tilespmem:v50+s12+$0x0] =	vst.idx.add.f32.msk $0xffff, v5  }
0x16d: {  	v50 =	vld [tilespmem:$0x1FDE0]  }
0x16e: {  	v1 =	vadd.s32 $0x8380, v61;
	[tilespmem:v8+s12+$0x0] =	vst.idx.add.f32.msk $0xffff, v4  }
0x16f: {  	v33 =	vor.u32 $0x80, v39;
	v8 =	vld.idx.msk [tilespmem:v52+s4+$0x0], $0xffff  }
0x170: {  	v7 =	vmul.f32 v44, v10;
	v4 =	vmul.f32 v43, v10;
	v10 =	vld.idx.msk [tilespmem:v39+s4+$0x0], $0xffff  }
0x171: {  	[tilespmem:v11+s12+$0x0] =	vst.idx.add.f32.msk $0xffff, v5  }
0x172: {  	v27 =	vor.u32 $0x80, v56;
	v11 =	vld.idx.msk [tilespmem:v36+s4+$0x0], $0xffff  }
0x173: {  	[tilespmem:v1+s12+$0x0] =	vst.idx.add.f32.msk $0xffff, v7  }
0x174: {  	v34 =	vor.u32 $0x80, v36;
	v1 =	vld.idx.msk [tilespmem:v33+s4+$0x0], $0xffff  }
0x175: {  	v32 =	vor.u32 $0x100, v36;
	[tilespmem:v14+s12+$0x0] =	vst.idx.add.f32.msk $0xffff, v5  }
0x176: {  	v5 =	vld.idx.msk [tilespmem:v53+s4+$0x0], $0xffff  }
0x177: {  	v14 =	vld.idx.msk [tilespmem:v27+s4+$0x0], $0xffff  }
0x178: {  	[tilespmem:v6+s12+$0x0] =	vst.idx.add.f32.msk $0xffff, v4  }
0x179: {  	v4 =	vld.idx.msk [tilespmem:v34+s4+$0x0], $0xffff  }
0x17a: {  	v6 =	vld.idx.msk [tilespmem:v32+s4+$0x0], $0xffff  }
0x17b: {  	v7 =	vld.idx.msk [tilespmem:v50+s4+$0x0], $0xffff  }
0x17c: {  	[tilespmem:v55+s12+$0x0] =	vst.idx.add.f32.msk $0xffff, v19  }
0x17d: {  	[tilespmem:v57+s12+$0x0] =	vst.idx.add.f32.msk $0xffff, v23  }
0x17e: {  	[tilespmem:v60+s12+$0x0] =	vst.idx.add.f32.msk $0xffff, v25  }
0x17f: {  	v25 =	vld [tilespmem:$0x1FE40];
	_ =	sdelay $0x6  }
0x180: {  	v13 =	vmul.f32 v4, v1;
	v61 =	vmul.f32 v6, v5  }
0x181: {  	v4 =	vmul.f32 v4, v14;
	v1 =	vmul.f32 v1, v14;
	[tilespmem:v25+s12+$0x0] =	vst.idx.add.f32.msk $0xffff, v23  }
0x182: {  	v6 =	vmul.f32 v6, v20;
	v5 =	vmul.f32 v5, v20;
	v25 =	vld [tilespmem:$0x1FE60]  }
0x183: {  	v59 =	vmul.f32 v13, v14;
	v14 =	vmul.f32 v61, v20;
	v20 =	vld [tilespmem:$0x1FE70];
	_ =	sdelay $0x6  }
0x184: {  	[tilespmem:v25+s12+$0x0] =	vst.idx.add.f32.msk $0xffff, v21  }
0x185: {  	[tilespmem:v20+s12+$0x0] =	vst.idx.add.f32.msk $0xffff, v12  }
0x186: {  	[tilespmem:v2+s12+$0x0] =	vst.idx.add.f32.msk $0xffff, v18  }
0x187: {  	v2 =	vld [tilespmem:$0x1FE80];
	_ =	sdelay $0x2  }
0x188: {  	v19 =	vmul.f32 v11, v10;
	_ =	sdelay $0x1  }
0x189: {  	v21 =	vmul.f32 v19, v63;
	_ =	sdelay $0x1  }
0x18a: {  	[tilespmem:v56+s12+$0x0] =	vst.idx.add.f32.msk $0xffff, v21  }
0x18b: {  	[tilespmem:v2+s12+$0x0] =	vst.idx.add.f32.msk $0xffff, v19  }
0x18c: {  	v2 =	vld [tilespmem:$0x1FE90];
	_ =	sdelay $0x1  }
0x18d: {  	v40 =	vadd.s32 $0x8300, v36;
	_ =	sdelay $0x1  }
0x18e: {  	v3 =	vor.u32 $0x380, v56  }
0x18f: {  	v49 =	vmov v40;
	v40 =	vmov v3;
	v3 =	vmul.f32 v8, v62  }
0x190: {  	v54 =	vmul.f32 v8, v7;
	v8 =	vmul.f32 v11, v63  }
0x191: {  	[tilespmem:v39+s12+$0x0] =	vst.idx.add.f32.msk $0xffff, v21  }
0x192: {  	[tilespmem:v2+s12+$0x0] =	vst.idx.add.f32.msk $0xffff, v8  }
0x193: {  	v2 =	vld [tilespmem:$0x1FEA0];
	_ =	sdelay $0x5  }
0x194: {  	v10 =	vmul.f32 v10, v63  }
0x195: {  	[tilespmem:v36+s12+$0x0] =	vst.idx.add.f32.msk $0xffff, v21  }
0x196: {  	[tilespmem:v2+s12+$0x0] =	vst.idx.add.f32.msk $0xffff, v10  }
0x197: {  	v2 =	vld [tilespmem:$0x1FEB0];
	_ =	sdelay $0x6  }
0x198: {  	[tilespmem:v27+s12+$0x0] =	vst.idx.add.f32.msk $0xffff, v59  }
0x199: {  	[tilespmem:v2+s12+$0x0] =	vst.idx.add.f32.msk $0xffff, v13  }
0x19a: {  	v2 =	vld [tilespmem:$0x1FEC0];
	_ =	sdelay $0x6  }
0x19b: {  	[tilespmem:v33+s12+$0x0] =	vst.idx.add.f32.msk $0xffff, v59  }
0x19c: {  	[tilespmem:v2+s12+$0x0] =	vst.idx.add.f32.msk $0xffff, v4  }
0x19d: {  	v2 =	vld [tilespmem:$0x1FED0];
	_ =	sdelay $0x6  }
0x19e: {  	[tilespmem:v34+s12+$0x0] =	vst.idx.add.f32.msk $0xffff, v59  }
0x19f: {  	[tilespmem:v2+s12+$0x0] =	vst.idx.add.f32.msk $0xffff, v1  }
0x1a0: {  	v1 =	vld [tilespmem:$0x1FEE0];
	_ =	sdelay $0x6  }
0x1a1: {  	[tilespmem:v28+s12+$0x0] =	vst.idx.add.f32.msk $0xffff, v14  }
0x1a2: {  	[tilespmem:v1+s12+$0x0] =	vst.idx.add.f32.msk $0xffff, v61  }
0x1a3: {  	v1 =	vld [tilespmem:$0x1FEF0];
	_ =	sdelay $0x6  }
0x1a4: {  	[tilespmem:v53+s12+$0x0] =	vst.idx.add.f32.msk $0xffff, v14  }
0x1a5: {  	[tilespmem:v1+s12+$0x0] =	vst.idx.add.f32.msk $0xffff, v6  }
0x1a6: {  	v1 =	vld [tilespmem:$0x1FF00];
	_ =	sdelay $0x5  }
0x1a7: {  	v23 =	vld [tilespmem:$0x1FE50]  }
0x1a8: {  	[tilespmem:v32+s12+$0x0] =	vst.idx.add.f32.msk $0xffff, v14  }
0x1a9: {  	[tilespmem:v1+s12+$0x0] =	vst.idx.add.f32.msk $0xffff, v5  }
0x1aa: {  	v1 =	vld [tilespmem:$0x1FF10];
	_ =	sdelay $0x1  }
0x1ab: {  	v45 =	vadd.s32 $0x8300, v39;
	_ =	sdelay $0x2  }
0x1ac: {  	v48 =	vmov v45;
	v45 =	vmov v23;
	v23 =	vmul.f32 v54, v62;
	_ =	sdelay $0x1  }
0x1ad: {  	[tilespmem:v31+s12+$0x0] =	vst.idx.add.f32.msk $0xffff, v23  }
0x1ae: {  	[tilespmem:v1+s12+$0x0] =	vst.idx.add.f32.msk $0xffff, v54  }
0x1af: {  	v1 =	vld [tilespmem:$0x1FF20];
	_ =	sdelay $0x6  }
0x1b0: {  	[tilespmem:v50+s12+$0x0] =	vst.idx.add.f32.msk $0xffff, v23  }
0x1b1: {  	[tilespmem:v1+s12+$0x0] =	vst.idx.add.f32.msk $0xffff, v3  }
0x1b2: {  	v1 =	vld [tilespmem:$0x1FF30]  }
0x1b3: {  	v61 =	vld [tilespmem:$0x1FF40]  }
0x1b4: {  	v7 =	vmul.f32 v7, v62;
	v62 =	vld [tilespmem:$0x1FF50]  }
0x1b5: {  	v58 =	vld [tilespmem:$0x1FE20]  }
0x1b6: {  	v63 =	vld [tilespmem:$0x1FF60]  }
0x1b7: {  	v46 =	vadd.s32 $0x8300, v56;
	v21 =	vld [tilespmem:$0x1FF90]  }
0x1b8: {  	v16 =	vor.u32 $0x280, v39;
	v2 =	vld [tilespmem:$0x1FF70]  }
0x1b9: {  	v15 =	vor.u32 $0x280, v36;
	[tilespmem:v52+s12+$0x0] =	vst.idx.add.f32.msk $0xffff, v23  }
0x1ba: {  	v47 =	vmov v46;
	v46 =	vmov v58;
	[tilespmem:v1+s12+$0x0] =	vst.idx.add.f32.msk $0xffff, v7  }
0x1bb: {  	v1 =	vld.idx.msk [tilespmem:v61+s4+$0x0], $0xffff  }
0x1bc: {  	v26 =	vor.u32 $0x380, v39;
	v3 =	vld.idx.msk [tilespmem:v62+s4+$0x0], $0xffff  }
0x1bd: {  	v29 =	vor.u32 $0x380, v36;
	v4 =	vld.idx.msk [tilespmem:v16+s4+$0x0], $0xffff  }
0x1be: {  	v35 =	vor.u32 $0x200, v56;
	v5 =	vld.idx.msk [tilespmem:v15+s4+$0x0], $0xffff  }
0x1bf: {  	v6 =	vld.idx.msk [tilespmem:v46+s4+$0x0], $0xffff  }
0x1c0: {  	v17 =	vor.u32 $0x300, v56;
	v7 =	vld.idx.msk [tilespmem:v45+s4+$0x0], $0xffff  }
0x1c1: {  	v8 =	vld.idx.msk [tilespmem:v26+s4+$0x0], $0xffff  }
0x1c2: {  	v10 =	vld.idx.msk [tilespmem:v29+s4+$0x0], $0xffff  }
0x1c3: {  	v13 =	vld.idx.msk [tilespmem:v35+s4+$0x0], $0xffff  }
0x1c4: {  	v14 =	vld.idx.msk [tilespmem:v63+s4+$0x0], $0xffff  }
0x1c5: {  	v20 =	vld.idx.msk [tilespmem:v17+s4+$0x0], $0xffff  }
0x1c6: {  	v27 =	vld.idx.msk [tilespmem:v40+s4+$0x0], $0xffff  }
0x1c7: {  	[tilespmem:v9+s12+$0x0] =	vst.idx.add.f32.msk $0xffff, v12  }
0x1c8: {  	[tilespmem:v2+s12+$0x0] =	vst.idx.add.f32.msk $0xffff, v30  }
0x1c9: {  	v2 =	vld [tilespmem:$0x1FF80]  }
0x1ca: {  	[tilespmem:v21+s12+$0x0] =	vst.idx.add.f32.msk $0xffff, v12  }
0x1cb: {  	v12 =	vld [tilespmem:$0x1FFA0]  }
0x1cc: {  	v11 =	vmul.f32 v3, v1;
	v28 =	vmul.f32 v5, v4  }
0x1cd: {  	v1 =	vmul.f32 v1, v13;
	v31 =	vmul.f32 v4, v14;
	v4 =	vld [tilespmem:$0x1FFD0]  }
0x1ce: {  	v9 =	vmov v2;
	v2 =	vmul.f32 v3, v13;
	v3 =	vmul.f32 v11, v13;
	v13 =	vld [tilespmem:$0x1FFB0]  }
0x1cf: {  	v19 =	vmul.f32 v7, v6;
	v21 =	vmul.f32 v6, v20;
	v6 =	vld [tilespmem:$0x1FFE0];
	_ =	sdelay $0x3  }
0x1d0: {  	[tilespmem:v12+s12+$0x0] =	vst.idx.add.f32.msk $0xffff, v13  }
0x1d1: {  	[tilespmem:v35+s12+$0x0] =	vst.idx.add.f32.msk $0xffff, v3  }
0x1d2: {  	[tilespmem:v4+s12+$0x0] =	vst.idx.add.f32.msk $0xffff, v11  }
0x1d3: {  	[tilespmem:v61+s12+$0x0] =	vst.idx.add.f32.msk $0xffff, v3  }
0x1d4: {  	[tilespmem:v6+s12+$0x0] =	vst.idx.add.f32.msk $0xffff, v2  }
0x1d5: {  	v2 =	vld [tilespmem:$0x1FFF0];
	_ =	sdelay $0x2  }
0x1d6: {  	s19 =	sadd.s32 $0x2, s19  }
0x1d7: {  	p0 =	slt.u32 s19, $0xFE;
	v38 =	vadd.s32 $0x8380, v56;
	v12 =	vld [tilespmem:$0x1FFC0]  }
.Ltmp2:
0x1d8: {  	v51 =	vadd.s32 $0x8280, v36;
	v24 =	vadd.s32 $0x8280, v56;
	(pc) =	sbr.rel @p0 .LBB2_7-.Ltmp2, $4  }
0x1d9: {  	v22 =	vadd.s32 $0x8280, v39;
	v41 =	vmovc v38;
	v18 =	vmul.f32 v10, v8;
	v32 =	vmul.f32 v5, v14  }
0x1da: {  	v38 =	vmov v29;
	v25 =	vmul.f32 v7, v20;
	v29 =	vmul.f32 v28, v14;
	[tilespmem:v62+s12+$0x0] =	vst.idx.add.f32.msk $0xffff, v3  }
0x1db: {  	v37 =	vmov v26;
	v5 =	vmul.f32 v10, v27;
	v23 =	vmul.f32 v19, v20;
	[tilespmem:v2+s12+$0x0] =	vst.idx.add.f32.msk $0xffff, v1  }
0x1dc: {  	s20 =	sadd.s32 $0x20, s20;
	s21 =	sadd.s32 $0x20, s21;
	v4 =	vmul.f32 v8, v27;
	v13 =	vmov v12;
	v12 =	vmul.f32 v18, v27;
	[tilespmem:v63+s12+$0x0] =	vst.idx.add.f32.msk $0xffff, v29  }
0x1dd: {  	_ =	sdelay $0x3  }
0x1de: {  	[tilespmem:v24+s12+$0x0] =	vst.idx.add.f32.msk $0xffff, v28  }
0x1df: {  	[tilespmem:v16+s12+$0x0] =	vst.idx.add.f32.msk $0xffff, v29  }
0x1e0: {  	[tilespmem:v22+s12+$0x0] =	vst.idx.add.f32.msk $0xffff, v32  }
0x1e1: {  	[tilespmem:v15+s12+$0x0] =	vst.idx.add.f32.msk $0xffff, v29  }
0x1e2: {  	[tilespmem:v51+s12+$0x0] =	vst.idx.add.f32.msk $0xffff, v31  }
0x1e3: {  	[tilespmem:v17+s12+$0x0] =	vst.idx.add.f32.msk $0xffff, v23  }
0x1e4: {  	[tilespmem:v47+s12+$0x0] =	vst.idx.add.f32.msk $0xffff, v19  }
0x1e5: {  	[tilespmem:v46+s12+$0x0] =	vst.idx.add.f32.msk $0xffff, v23  }
0x1e6: {  	[tilespmem:v48+s12+$0x0] =	vst.idx.add.f32.msk $0xffff, v25  }
0x1e7: {  	[tilespmem:v45+s12+$0x0] =	vst.idx.add.f32.msk $0xffff, v23  }
0x1e8: {  	[tilespmem:v49+s12+$0x0] =	vst.idx.add.f32.msk $0xffff, v21  }
0x1e9: {  	[tilespmem:v40+s12+$0x0] =	vst.idx.add.f32.msk $0xffff, v12  }
0x1ea: {  	[tilespmem:v41+s12+$0x0] =	vst.idx.add.f32.msk $0xffff, v18  }
0x1eb: {  	s17 =	sadd.s32 $0x1, s17;
	[tilespmem:v37+s12+$0x0] =	vst.idx.add.f32.msk $0xffff, v12  }
0x1ec: {  	p0 =	sne.s32 s17, $0x20;
	[tilespmem:v9+s12+$0x0] =	vst.idx.add.f32.msk $0xffff, v5  }
.Ltmp3:
0x1ed: {  	[tilespmem:v38+s12+$0x0] =	vst.idx.add.f32.msk $0xffff, v12;
	(pc) =	sbr.rel @p0 .LBB2_2-.Ltmp3, $4  }
0x1ee: {  	s19 =	sadd.s32 s3, s18;
	[tilespmem:v13+s12+$0x0] =	vst.idx.add.f32.msk $0xffff, v4  }
0x1ef: {  	[hbm4b:s19+s4] =	stream.linear.scatter [tilespmem:s12], [sflag:$0x1], $0x8000, $0x38;
	[tilespmem:$0x1B000] =	vst v63  }
0x1f0: {  	s31 =	sadd.s32 s18, s7  }
0x1f1: {  	[hbm4b:s31+s4] =	stream.linear.scatter [tilespmem:s13], [sflag:$0x2], $0x8000, $0x38;
	[tilespmem:$0x1B000] =	vst v63  }
0x1f2: {  	s16 =	sadd.s32 $0x1, s16  }
0x1f3: {  	_ =	swait.ge [sflag:s14], $0x8000;
	p0 =	sne.s32 s16, s8  }
.Ltmp4:
0x1f4: {  	[sflag:s14] =	ssyncset.done $0x0;
	(pc) =	sbr.rel @p0 .LBB2_1-.Ltmp4, $4  }
0x1f5: {  	[sflag:s14] =	ssyncadd.s32 $0xFFFF8000  }
0x1f6: {  	_ =	swait.ge [sflag:s15], $0x8000  }
0x1f7: {  	[sflag:s15] =	ssyncset.done $0x0  }
0x1f8: {  	[sflag:s15] =	ssyncadd.s32 $0xFFFF8000  }
0x1f9: {  	_ =	sfence.sel $0x180000  }
0x1fa: {  	[bflag:$0x0] =	sbarrier.arrive $0xFFFF  }
0x1fb: {  	p0 =	sne.s32 s5, $0x0;
	_ =	strace $0x90000056  }
0x1fc: {  	s0 =	sadd.s32 @!p0 $0x100000, s0;
	[bflag:$0x2] =	sbarrier.arrive $0xFFFF  }
0x1fd: {  	[sflag:s0] =	ssyncadd.tile.s32 @!p0 $0x1;
	_ =	shalt  }
.Lfunc_end2:
_tile_overlayer_lowered:
.L_overlay_start_2:
0x1fe: {  	(tag) =	ssettag $0x2  }
0x1ff: {  	s0 =	rddreg [dreg:$0x0];
	s2 =	stileid.u32  }
0x200: {  	s1 =	rddreg [dreg:$0x1];
	p0 =	sne.s32 s2, $0x0  }
0x201: {  	s3 =	rddreg [dreg:$0x2];
	[bflag:$0x3] =	sbarrier.arrive $0xFFFF;
	s2 =	simm.s32 @!p0 $0x1C04  }
0x202: {  	[timem:s3], [sflag:s2] =	dma.local @!p0 [hbm:s0], s1  }
0x203: {  	s0 =	simm.s32 @!p0 $0x4  }
0x204: {  	_ =	swait.ge @!p0 [sflag:s0], s1  }
0x205: {  	s1 =	ssub.s32 @!p0 $0x0, s1;
	[sflag:s0] =	ssyncset.done @!p0 $0x0  }
0x206: {  	[sflag:s0] =	ssyncadd.s32 @!p0 s1  }
0x207: {  	[bflag:$0x3] =	sbarrier.arrive $0xFFFF  }
0x208: {  	_ =	shalt  }

</sc_bundles>
